<compile_context>
chip_gen: v7x
topology: tpu7x:2x2x1
jax: 0.10.2.dev20260603
libtpu: 0.0.44.dev20260713+nightly
codegen_flags: <defaults>
</compile_context>

<pallas_src>
import functools

import jax
import jax.numpy as jnp
from jax import lax
from jax.experimental import pallas as pl
from jax.experimental.pallas import tpu as pltpu
from jax.experimental.pallas import tpu_sc as plsc

F32 = jnp.float32

NUM_SC = 2
NUM_SUBCORES = 16
NW = NUM_SC * NUM_SUBCORES
CH = 80


def _gelu(x):
    return jax.nn.gelu(x, approximate=True)



def _mlp2_body(x_ref, w1_ref, b1_ref, w2_ref, b2_ref, o_ref):
    h = jnp.dot(x_ref[...], w1_ref[...], preferred_element_type=F32)
    h = _gelu(h + b1_ref[...])
    o_ref[...] = jnp.dot(h, w2_ref[...], preferred_element_type=F32) + b2_ref[...]


def _mlp2_tc(x, w1, b1, w2, b2, bn):
    R, K = x.shape
    H1 = w1.shape[1]
    H2 = w2.shape[1]
    return pl.pallas_call(
        _mlp2_body,
        grid=(R // bn,),
        in_specs=[
            pl.BlockSpec((bn, K), lambda i: (i, 0)),
            pl.BlockSpec((K, H1), lambda i: (0, 0)),
            pl.BlockSpec((1, H1), lambda i: (0, 0)),
            pl.BlockSpec((H1, H2), lambda i: (0, 0)),
            pl.BlockSpec((1, H2), lambda i: (0, 0)),
        ],
        out_specs=pl.BlockSpec((bn, H2), lambda i: (i, 0)),
        out_shape=jax.ShapeDtypeStruct((R, H2), F32),
    )(x, w1, b1.reshape(1, -1), w2, b2.reshape(1, -1))


def _edge_body(ea_ref, hs_ref, w1_ref, b1_ref, w2_ref, b2_ref, o_ref):
    t = jnp.dot(ea_ref[...], w1_ref[...], preferred_element_type=F32)
    t = _gelu(t + b1_ref[...])
    ew = jnp.dot(t, w2_ref[...], preferred_element_type=F32) + b2_ref[...]
    o_ref[...] = ew * hs_ref[...]


def _edge_mul_tc(ea, hsrc, w1, b1, w2, b2, bn):
    E, K = ea.shape
    H1 = w1.shape[1]
    H = w2.shape[1]
    return pl.pallas_call(
        _edge_body,
        grid=(E // bn,),
        in_specs=[
            pl.BlockSpec((bn, K), lambda i: (i, 0)),
            pl.BlockSpec((bn, H), lambda i: (i, 0)),
            pl.BlockSpec((K, H1), lambda i: (0, 0)),
            pl.BlockSpec((1, H1), lambda i: (0, 0)),
            pl.BlockSpec((H1, H), lambda i: (0, 0)),
            pl.BlockSpec((1, H), lambda i: (0, 0)),
        ],
        out_specs=pl.BlockSpec((bn, H), lambda i: (i, 0)),
        out_shape=jax.ShapeDtypeStruct((E, H), F32),
    )(ea, hsrc, w1, b1.reshape(1, -1), w2, b2.reshape(1, -1))


def _update_body(h_ref, a0_ref, a1_ref, c0_ref, c1_ref, gwh_ref, gwa_ref,
                 gb_ref, g_ref, b_ref, o_ref):
    h = h_ref[...]
    cnt = c0_ref[:, 0:1] + c1_ref[:, 0:1]
    cnt = jnp.maximum(cnt, 1.0)
    agg = (a0_ref[...] + a1_ref[...]) / cnt
    z = (jnp.dot(h, gwh_ref[...], preferred_element_type=F32)
         + jnp.dot(agg, gwa_ref[...], preferred_element_type=F32)
         + gb_ref[...])
    gate = jax.nn.sigmoid(z)
    hn = h + gate * agg
    mu = jnp.mean(hn, axis=-1, keepdims=True)
    var = jnp.mean((hn - mu) ** 2, axis=-1, keepdims=True)
    o_ref[...] = (hn - mu) / jnp.sqrt(var + 1e-5) * g_ref[...] + b_ref[...]


def _node_update_tc(h, agg0, agg1, c0, c1, gwh, gwa, gb, ln_g, ln_b, bn):
    R, H = h.shape
    return pl.pallas_call(
        _update_body,
        grid=(R // bn,),
        in_specs=[
            pl.BlockSpec((bn, H), lambda i: (i, 0)),
            pl.BlockSpec((bn, H), lambda i: (i, 0)),
            pl.BlockSpec((bn, H), lambda i: (i, 0)),
            pl.BlockSpec((bn, 16), lambda i: (i, 0)),
            pl.BlockSpec((bn, 16), lambda i: (i, 0)),
            pl.BlockSpec((H, H), lambda i: (0, 0)),
            pl.BlockSpec((H, H), lambda i: (0, 0)),
            pl.BlockSpec((1, H), lambda i: (0, 0)),
            pl.BlockSpec((1, H), lambda i: (0, 0)),
            pl.BlockSpec((1, H), lambda i: (0, 0)),
        ],
        out_specs=pl.BlockSpec((bn, H), lambda i: (i, 0)),
        out_shape=jax.ShapeDtypeStruct((R, H), F32),
    )(h, agg0, agg1, c0, c1, gwh, gwa, gb.reshape(1, -1),
      ln_g.reshape(1, -1), ln_b.reshape(1, -1))



def _sc_gather(m, src):
    E = src.shape[0]
    H = m.shape[1]
    per = E // NW
    nch = per // CH
    mesh = plsc.VectorSubcoreMesh(core_axis_name="c", subcore_axis_name="s")

    @functools.partial(
        pl.kernel, mesh=mesh,
        out_type=jax.ShapeDtypeStruct((E, H), F32),
        scratch_types=[
            pltpu.VMEM((CH,), jnp.int32),
            pltpu.VMEM((CH, H), F32),
        ],
    )
    def k(m_hbm, src_hbm, out_hbm, idx_v, rows_v):
        wid = lax.axis_index("s") * NUM_SC + lax.axis_index("c")
        base = wid * per

        @pl.loop(0, nch)
        def _(i):
            e0 = base + i * CH
            pltpu.sync_copy(src_hbm.at[pl.ds(e0, CH)], idx_v)
            pltpu.sync_copy(m_hbm.at[idx_v], rows_v)
            pltpu.sync_copy(rows_v, out_hbm.at[pl.ds(e0, CH)])

    return k(m, src)


def _sc_scatter_add(msg, dst, np_rows):
    E, H = msg.shape
    per = E // NW
    nch = per // CH
    rp = np_rows // NUM_SUBCORES
    nz = rp // CH
    mesh = plsc.VectorSubcoreMesh(core_axis_name="c", subcore_axis_name="s")

    @functools.partial(
        pl.kernel, mesh=mesh,
        out_type=jax.ShapeDtypeStruct((NUM_SC, np_rows, H), F32),
        scratch_types=[
            pltpu.VMEM((CH,), jnp.int32),
            pltpu.VMEM((CH, H), F32),
            pltpu.VMEM_SHARED((np_rows, H), F32),
        ],
    )
    def k(msg_hbm, dst_hbm, out_hbm, idx_v, rows_v, acc_sh):
        cid = lax.axis_index("c")
        sid = lax.axis_index("s")
        wid = sid * NUM_SC + cid

        @pl.loop(0, CH)
        def _(r):
            @pl.loop(0, H, step=16)
            def _(q):
                rows_v[r, pl.ds(q, 16)] = jnp.zeros((16,), F32)

        @pl.loop(0, nz)
        def _(j):
            pltpu.sync_copy(rows_v, acc_sh.at[pl.ds(sid * rp + j * CH, CH)])

        plsc.subcore_barrier()

        @pl.loop(0, nch)
        def _(i):
            e0 = wid * per + i * CH
            pltpu.sync_copy(dst_hbm.at[pl.ds(e0, CH)], idx_v)
            pltpu.sync_copy(msg_hbm.at[pl.ds(e0, CH)], rows_v)
            pltpu.sync_copy(rows_v, acc_sh.at[idx_v], add=True)

        plsc.subcore_barrier()
        pltpu.sync_copy(acc_sh.at[pl.ds(sid * rp, rp)],
                        out_hbm.at[cid, pl.ds(sid * rp, rp)])

    return k(msg, dst)


def _sc_count(dst, np_rows):
    E = dst.shape[0]
    W = 16
    per = E // NW
    nch = per // CH
    rp = np_rows // NUM_SUBCORES
    nz = rp // CH
    mesh = plsc.VectorSubcoreMesh(core_axis_name="c", subcore_axis_name="s")

    @functools.partial(
        pl.kernel, mesh=mesh,
        out_type=jax.ShapeDtypeStruct((NUM_SC, np_rows, W), F32),
        scratch_types=[
            pltpu.VMEM((CH,), jnp.int32),
            pltpu.VMEM((CH, W), F32),
            pltpu.VMEM_SHARED((np_rows, W), F32),
        ],
    )
    def k(dst_hbm, out_hbm, idx_v, buf_v, acc_sh):
        cid = lax.axis_index("c")
        sid = lax.axis_index("s")
        wid = sid * NUM_SC + cid

        @pl.loop(0, CH)
        def _(r):
            buf_v[r, pl.ds(0, W)] = jnp.zeros((W,), F32)

        @pl.loop(0, nz)
        def _(j):
            pltpu.sync_copy(buf_v, acc_sh.at[pl.ds(sid * rp + j * CH, CH)])

        plsc.subcore_barrier()

        @pl.loop(0, CH)
        def _(r):
            buf_v[r, pl.ds(0, W)] = jnp.ones((W,), F32)

        @pl.loop(0, nch)
        def _(i):
            e0 = wid * per + i * CH
            pltpu.sync_copy(dst_hbm.at[pl.ds(e0, CH)], idx_v)
            pltpu.sync_copy(buf_v, acc_sh.at[idx_v], add=True)

        plsc.subcore_barrier()
        pltpu.sync_copy(acc_sh.at[pl.ds(sid * rp, rp)],
                        out_hbm.at[cid, pl.ds(sid * rp, rp)])

    return k(dst)



def kernel(x, edge_index, edge_attr, params):
    N, AF = x.shape
    E = edge_index.shape[1]
    H = 128

    np_rows = ((N + NUM_SUBCORES * CH - 1) // (NUM_SUBCORES * CH)) * (NUM_SUBCORES * CH)
    bn_nodes = np_rows // 10
    bn_edges = 2000

    src = edge_index[0].astype(jnp.int32)
    dst = edge_index[1].astype(jnp.int32)

    w1, b1, w2, b2 = params['enc']
    kpad = 32 - AF
    xp = jnp.pad(x, ((0, np_rows - N), (0, kpad)))
    w1p = jnp.pad(w1, ((0, kpad), (0, 0)))
    h = _mlp2_tc(xp, w1p, b1, w2, b2, bn_nodes)

    cp = _sc_count(dst, np_rows)
    c0 = cp[0]
    c1 = cp[1]

    eapad = 16 - edge_attr.shape[1]
    eap = jnp.pad(edge_attr, ((0, 0), (0, eapad)))

    for lp in params['layers']:
        mW1, mb1, mW2, mb2 = lp['msg']
        eW1, eb1, eW2, eb2 = lp['edge']
        m = _mlp2_tc(h, mW1, mb1, mW2, mb2, bn_nodes)
        hsrc = _sc_gather(m, src)
        eW1p = jnp.pad(eW1, ((0, eapad), (0, 0)))
        msg = _edge_mul_tc(eap, hsrc, eW1p, eb1, eW2, eb2, bn_edges)
        aggp = _sc_scatter_add(msg, dst, np_rows)
        gW = lp['gate_W']
        h = _node_update_tc(h, aggp[0], aggp[1], c0, c1,
                            gW[:H], gW[H:], lp['gate_b'],
                            lp['ln_g'], lp['ln_b'], bn_nodes)

    outs = []
    for name in ('ion', 'pka', 'acid'):
        hW1, hb1, hW2, hb2 = params[name]
        hW2p = jnp.pad(hW2, ((0, 0), (0, H - 1)))
        hb2p = jnp.pad(hb2, ((0, H - 1)))
        o = _mlp2_tc(h, hW1, hb1, hW2p, hb2p, bn_nodes)
        outs.append(o[:N, 0:1])

    return tuple(outs)

# --- scband reference (transcript-rebuilt; emitter-appended) ---
"""Pipeline reference for scband-pka-gnn-59511066853668 (READ-ONLY COPY).

The authoritative reference and input builder live on the scoring server;
editing this copy changes nothing except your own understanding.
"""

import jax, jax.numpy as jnp
import numpy as np

HIDDEN = 128
ATOM_F = 25
BOND_F = 10
N_LAYERS = 4
READOUT = 64


def _lin(key, fan_in, fan_out):
    k1, _ = jax.random.split(key)
    W = jax.random.normal(k1, (fan_in, fan_out), dtype=jnp.float32) * 0.02
    b = jnp.zeros((fan_out,), dtype=jnp.float32)
    return W, b


def make_params(key):
    keys = jax.random.split(key, 64)
    ki = iter(keys)
    params = {}
    W1, b1 = _lin(next(ki), ATOM_F, HIDDEN)
    W2, b2 = _lin(next(ki), HIDDEN, HIDDEN)
    params['enc'] = (W1, b1, W2, b2)
    layers = []
    for _ in range(N_LAYERS):
        eW1, eb1 = _lin(next(ki), BOND_F, HIDDEN)
        eW2, eb2 = _lin(next(ki), HIDDEN, HIDDEN)
        mW1, mb1 = _lin(next(ki), HIDDEN, HIDDEN)
        mW2, mb2 = _lin(next(ki), HIDDEN, HIDDEN)
        gW, gb = _lin(next(ki), HIDDEN * 2, HIDDEN)
        layers.append({'edge': (eW1, eb1, eW2, eb2), 'msg': (mW1, mb1, mW2, mb2),
                       'gate_W': gW, 'gate_b': gb,
                       'ln_g': jnp.ones((HIDDEN,), jnp.float32), 'ln_b': jnp.zeros((HIDDEN,), jnp.float32)})
    params['layers'] = layers
    for name in ('ion', 'pka', 'acid'):
        hW1, hb1 = _lin(next(ki), HIDDEN, READOUT)
        hW2, hb2 = _lin(next(ki), READOUT, 1)
        params[name] = (hW1, hb1, hW2, hb2)
    return params


def setup_inputs(seed: int = 0):
    key = jax.random.key(seed)
    k1, k2, k3, k4 = jax.random.split(key, 4)
    N, E = 10000, 320000
    x = jax.random.normal(k1, (N, ATOM_F), dtype=jnp.float32)
    edge_index = jax.random.randint(k2, (2, E), 0, N, dtype=jnp.int64)
    edge_attr = jax.random.normal(k3, (E, BOND_F), dtype=jnp.float32)
    params = make_params(k4)
    return {'x': x, 'edge_index': edge_index, 'edge_attr': edge_attr, 'params': params}


def _mlp2(h, p):
    W1, b1, W2, b2 = p
    return jax.nn.gelu(h @ W1 + b1, approximate=True) @ W2 + b2


def _layernorm(h, g, b, eps=1e-5):
    mu = jnp.mean(h, axis=-1, keepdims=True)
    var = jnp.var(h, axis=-1, keepdims=True)
    return (h - mu) / jnp.sqrt(var + eps) * g + b


def reference(x, edge_index, edge_attr, params):
    src = edge_index[0]
    dst = edge_index[1]
    h = _mlp2(x, params['enc'])
    N = h.shape[0]
    for lp in params['layers']:
        edge_weight = _mlp2(edge_attr, lp['edge'])
        msg = _mlp2(h[src], lp['msg']) * edge_weight
        agg = jnp.zeros_like(h).at[dst].add(msg)
        count = jnp.zeros((N, 1), dtype=h.dtype).at[dst].add(jnp.ones((dst.shape[0], 1), dtype=h.dtype))
        count = jnp.clip(count, 1.0, None)
        agg = agg / count
        gate = jax.nn.sigmoid(jnp.concatenate([h, agg], axis=-1) @ lp['gate_W'] + lp['gate_b'])
        h = h + gate * agg
        h = _layernorm(h, lp['ln_g'], lp['ln_b'])
    ion_logits = _mlp2(h, params['ion'])
    pka_pred = _mlp2(h, params['pka'])
    acid_logits = _mlp2(h, params['acid'])
    return (ion_logits, pka_pred, acid_logits)

if __name__ == "__main__":
    import jax
    _d = setup_inputs()
    print(jax.jit(kernel)(*tuple(_d.values())))

</pallas_src>

<mosaic_0001>
#map = affine_map<(d0, d1) -> (0, 0)>
#map1 = affine_map<(d0, d1) -> (0)>
#map2 = affine_map<(d0, d1) -> (0, 0, 0)>
module attributes {stable_mosaic.version = 14 : i64} {
  func.func @k(%arg0: i32, %arg1: i32, %arg2: memref<320000x128xf32, #tpu.memory_space<hbm>>, %arg3: memref<320000xi32, #tpu.memory_space<hbm>>, %arg4: memref<2x10240x128xf32, #tpu.memory_space<hbm>>, %arg5: memref<80xi32, #tpu.memory_space<vmem>>, %arg6: memref<80x128xf32, #tpu.memory_space<vmem>>, %arg7: memref<10240x128xf32, #tpu.memory_space<vmem_shared>>) attributes {dimension_semantics = [#tpu.dimension_semantics<core_parallel>, #tpu.dimension_semantics<subcore_parallel>], iteration_bounds = array<i64: 2, 16>, scalar_prefetch = 0 : i64, scratch_operands = 3 : i64, tpu.core_type = #tpu.core_type<sc_vector_subcore>, window_params = [{transform_indices = #map}, {transform_indices = #map1}, {transform_indices = #map2}]} {
    %mul3A = arith.constant 2 : i32
    %mul3A_0 = arith.muli %arg1, %mul3A : i32
    %add3A = arith.addi %mul3A_0, %arg0 : i32
    %scan3A = arith.constant 0 : i32
    %scan3A_1 = arith.constant 80 : i32
    %scan3A_2 = arith.addi %scan3A, %scan3A_1 : i32
    %scan3A_3 = arith.constant 1 : i32
    scf.for %scan3A_20 = %scan3A to %scan3A_2 step %scan3A_3  : i32 {
      %mul3A_21 = arith.constant 1 : i32
      %mul3A_22 = arith.muli %scan3A_20, %mul3A_21 : i32
      %add3A_23 = arith.constant 0 : i32
      %add3A_24 = arith.addi %add3A_23, %mul3A_22 : i32
      %scan3A_25 = arith.constant 0 : i32
      %scan3A_26 = arith.constant 8 : i32
      %scan3A_27 = arith.addi %scan3A_25, %scan3A_26 : i32
      %scan3A_28 = arith.constant 1 : i32
      scf.for %scan3A_30 = %scan3A_25 to %scan3A_27 step %scan3A_28  : i32 {
        %mul3A_31 = arith.constant 16 : i32
        %mul3A_32 = arith.muli %scan3A_30, %mul3A_31 : i32
        %add3A_33 = arith.constant 0 : i32
        %add3A_34 = arith.addi %add3A_33, %mul3A_32 : i32
        %broadcast_in_dim3A = arith.constant 0.000000e+00 : f32
        %broadcast_in_dim3A_35 = vector.broadcast %broadcast_in_dim3A : f32 to vector<16xf32>
        %swap3A = arith.index_cast %add3A_24 : i32 to index
        %swap3A_36 = arith.index_cast %add3A_34 : i32 to index
        %swap3A_37 = tpu.vector_load %arg6[%swap3A, %swap3A_36] {strides = array<i32>} : memref<80x128xf32, #tpu.memory_space<vmem>>, vector<1x16xf32>,
        %swap3A_38 = vector.shape_cast %swap3A_37 : vector<1x16xf32> to vector<16xf32>
        %swap3A_39 = vector.shape_cast %broadcast_in_dim3A_35 : vector<16xf32> to vector<1x16xf32>
        tpu.vector_store %arg6[%swap3A, %swap3A_36], %swap3A_39 {strides = array<i32>} : memref<80x128xf32, #tpu.memory_space<vmem>>, vector<1x16xf32>,
      }
      %scan3A_29 = arith.constant 8 : i32
    }
    %scan3A_4 = arith.constant 80 : i32
    %scan3A_5 = arith.constant 0 : i32
    %scan3A_6 = arith.constant 8 : i32
    %scan3A_7 = arith.addi %scan3A_5, %scan3A_6 : i32
    %scan3A_8 = arith.constant 1 : i32
    scf.for %scan3A_20 = %scan3A_5 to %scan3A_7 step %scan3A_8  : i32 {
      %mul3A_21 = arith.constant 1 : i32
      %mul3A_22 = arith.muli %scan3A_20, %mul3A_21 : i32
      %add3A_23 = arith.constant 0 : i32
      %add3A_24 = arith.addi %add3A_23, %mul3A_22 : i32
      %mul3A_25 = arith.constant 640 : i32
      %mul3A_26 = arith.muli %arg1, %mul3A_25 : i32
      %mul3A_27 = arith.constant 80 : i32
      %mul3A_28 = arith.muli %add3A_24, %mul3A_27 : i32
      %add3A_29 = arith.addi %mul3A_26, %mul3A_28 : i32
      "tpu.region"() ({
        %run_scoped3A = tpu.sem_alloc : memref<!tpu.dma_semaphore, #tpu.memory_space<semaphore_mem>>
        %dma_start3A = arith.constant 0 : i32
        %dma_start3A_30 = tpu.memref_slice %arg7[%add3A_29, %dma_start3A] : memref<10240x128xf32, #tpu.memory_space<vmem_shared>> -> memref<80x128xf32, #tpu.memory_space<vmem_shared>>
        %dma_start3A_31 = arith.constant 0 : i32
        %dma_start3A_32 = tpu.memref_slice %arg7[%add3A_29, %dma_start3A_31] : memref<10240x128xf32, #tpu.memory_space<vmem_shared>> -> memref<80x128xf32, #tpu.memory_space<vmem_shared>>
        tpu.enqueue_dma source(%arg6 : memref<80x128xf32, #tpu.memory_space<vmem>>) target(%dma_start3A_32 : memref<80x128xf32, #tpu.memory_space<vmem_shared>>) target_semaphore(%run_scoped3A : memref<!tpu.dma_semaphore, #tpu.memory_space<semaphore_mem>>)
        %dma_wait3A = arith.constant 0 : i32
        %dma_wait3A_33 = tpu.memref_slice %arg7[%add3A_29, %dma_wait3A] : memref<10240x128xf32, #tpu.memory_space<vmem_shared>> -> memref<80x128xf32, #tpu.memory_space<vmem_shared>>
        %dma_wait3A_34 = arith.constant 0 : i32
        %dma_wait3A_35 = tpu.memref_slice %arg7[%add3A_29, %dma_wait3A_34] : memref<10240x128xf32, #tpu.memory_space<vmem_shared>> -> memref<80x128xf32, #tpu.memory_space<vmem_shared>>
        tpu.wait_dma2 semaphore(%run_scoped3A : memref<!tpu.dma_semaphore, #tpu.memory_space<semaphore_mem>>) src(%arg6 : memref<80x128xf32, #tpu.memory_space<vmem>>) dst(%dma_wait3A_35 : memref<80x128xf32, #tpu.memory_space<vmem_shared>>)
        tpu.yield
      }) : () -> ()
    }
    %scan3A_9 = arith.constant 8 : i32
    %barrier3A = arith.constant 0 : index
    tpu.barrier barrier_id(%barrier3A)
    %scan3A_10 = arith.constant 0 : i32
    %scan3A_11 = arith.constant 125 : i32
    %scan3A_12 = arith.addi %scan3A_10, %scan3A_11 : i32
    %scan3A_13 = arith.constant 1 : i32
    scf.for %scan3A_20 = %scan3A_10 to %scan3A_12 step %scan3A_13  : i32 {
      %mul3A_21 = arith.constant 1 : i32
      %mul3A_22 = arith.muli %scan3A_20, %mul3A_21 : i32
      %add3A_23 = arith.constant 0 : i32
      %add3A_24 = arith.addi %add3A_23, %mul3A_22 : i32
      %mul3A_25 = arith.constant 10000 : i32
      %mul3A_26 = arith.muli %add3A, %mul3A_25 : i32
      %mul3A_27 = arith.constant 80 : i32
      %mul3A_28 = arith.muli %add3A_24, %mul3A_27 : i32
      %add3A_29 = arith.addi %mul3A_26, %mul3A_28 : i32
      "tpu.region"() ({
        %run_scoped3A = tpu.sem_alloc : memref<!tpu.dma_semaphore, #tpu.memory_space<semaphore_mem>>
        %dma_start3A = tpu.memref_slice %arg3[%add3A_29] : memref<320000xi32, #tpu.memory_space<hbm>> -> memref<80xi32, #tpu.memory_space<hbm>>
        %dma_start3A_30 = tpu.memref_slice %arg3[%add3A_29] : memref<320000xi32, #tpu.memory_space<hbm>> -> memref<80xi32, #tpu.memory_space<hbm>>
        tpu.enqueue_dma source(%dma_start3A_30 : memref<80xi32, #tpu.memory_space<hbm>>) target(%arg5 : memref<80xi32, #tpu.memory_space<vmem>>) target_semaphore(%run_scoped3A : memref<!tpu.dma_semaphore, #tpu.memory_space<semaphore_mem>>)
        %dma_wait3A = tpu.memref_slice %arg3[%add3A_29] : memref<320000xi32, #tpu.memory_space<hbm>> -> memref<80xi32, #tpu.memory_space<hbm>>
        %dma_wait3A_31 = tpu.memref_slice %arg3[%add3A_29] : memref<320000xi32, #tpu.memory_space<hbm>> -> memref<80xi32, #tpu.memory_space<hbm>>
        tpu.wait_dma2 semaphore(%run_scoped3A : memref<!tpu.dma_semaphore, #tpu.memory_space<semaphore_mem>>) src(%dma_wait3A_31 : memref<80xi32, #tpu.memory_space<hbm>>) dst(%arg5 : memref<80xi32, #tpu.memory_space<vmem>>)
        tpu.yield
      }) : () -> ()
      "tpu.region"() ({
        %run_scoped3A = tpu.sem_alloc : memref<!tpu.dma_semaphore, #tpu.memory_space<semaphore_mem>>
        %dma_start3A = arith.constant 0 : i32
        %dma_start3A_30 = tpu.memref_slice %arg2[%add3A_29, %dma_start3A] : memref<320000x128xf32, #tpu.memory_space<hbm>> -> memref<80x128xf32, #tpu.memory_space<hbm>>
        %dma_start3A_31 = arith.constant 0 : i32
        %dma_start3A_32 = tpu.memref_slice %arg2[%add3A_29, %dma_start3A_31] : memref<320000x128xf32, #tpu.memory_space<hbm>> -> memref<80x128xf32, #tpu.memory_space<hbm>>
        tpu.enqueue_dma source(%dma_start3A_32 : memref<80x128xf32, #tpu.memory_space<hbm>>) target(%arg6 : memref<80x128xf32, #tpu.memory_space<vmem>>) target_semaphore(%run_scoped3A : memref<!tpu.dma_semaphore, #tpu.memory_space<semaphore_mem>>)
        %dma_wait3A = arith.constant 0 : i32
        %dma_wait3A_33 = tpu.memref_slice %arg2[%add3A_29, %dma_wait3A] : memref<320000x128xf32, #tpu.memory_space<hbm>> -> memref<80x128xf32, #tpu.memory_space<hbm>>
        %dma_wait3A_34 = arith.constant 0 : i32
        %dma_wait3A_35 = tpu.memref_slice %arg2[%add3A_29, %dma_wait3A_34] : memref<320000x128xf32, #tpu.memory_space<hbm>> -> memref<80x128xf32, #tpu.memory_space<hbm>>
        tpu.wait_dma2 semaphore(%run_scoped3A : memref<!tpu.dma_semaphore, #tpu.memory_space<semaphore_mem>>) src(%dma_wait3A_35 : memref<80x128xf32, #tpu.memory_space<hbm>>) dst(%arg6 : memref<80x128xf32, #tpu.memory_space<vmem>>)
        tpu.yield
      }) : () -> ()
      "tpu.region"() ({
        %run_scoped3A = tpu.sem_alloc : memref<!tpu.dma_semaphore, #tpu.memory_space<semaphore_mem>>
        %dma_start3A = arith.constant 0 : i32
        %dma_start3A_30 = arith.constant 0 : i32
        %dma_start3A_31 = tpu.memref_slice %arg7[%dma_start3A, %dma_start3A_30] : memref<10240x128xf32, #tpu.memory_space<vmem_shared>> -> memref<10240x128xf32, #tpu.memory_space<vmem_shared>>
        tpu.enqueue_indirect_dma source(%arg6 : memref<80x128xf32, #tpu.memory_space<vmem>>) target(%dma_start3A_31 : memref<10240x128xf32, #tpu.memory_space<vmem_shared>>) offsets(%arg5 : memref<80xi32, #tpu.memory_space<vmem>>) semaphore(%run_scoped3A : memref<!tpu.dma_semaphore, #tpu.memory_space<semaphore_mem>>) {add = true}
        %dma_wait3A = arith.constant 0 : i32
        %dma_wait3A_32 = arith.constant 0 : i32
        %dma_wait3A_33 = tpu.memref_slice %arg7[%dma_wait3A, %dma_wait3A_32] : memref<10240x128xf32, #tpu.memory_space<vmem_shared>> -> memref<10240x128xf32, #tpu.memory_space<vmem_shared>>
        tpu.wait_indirect_dma semaphore(%run_scoped3A : memref<!tpu.dma_semaphore, #tpu.memory_space<semaphore_mem>>) src(%arg6 : memref<80x128xf32, #tpu.memory_space<vmem>>) dst(%dma_wait3A_33 : memref<10240x128xf32, #tpu.memory_space<vmem_shared>>)
        tpu.yield
      }) : () -> ()
    }
    %scan3A_14 = arith.constant 125 : i32
    %barrier3A_15 = arith.constant 0 : index
    tpu.barrier barrier_id(%barrier3A_15)
    %mul3A_16 = arith.constant 640 : i32
    %mul3A_17 = arith.muli %arg1, %mul3A_16 : i32
    %mul3A_18 = arith.constant 640 : i32
    %mul3A_19 = arith.muli %arg1, %mul3A_18 : i32
    "tpu.region"() ({
      %run_scoped3A = tpu.sem_alloc : memref<!tpu.dma_semaphore, #tpu.memory_space<semaphore_mem>>
      %dma_start3A = arith.constant 0 : i32
      %dma_start3A_20 = tpu.memref_slice %arg4[%arg0, %mul3A_19, %dma_start3A] : memref<2x10240x128xf32, #tpu.memory_space<hbm>> -> memref<1x640x128xf32, #tpu.memory_space<hbm>>
      %dma_start3A_21 = tpu.memref_squeeze %dma_start3A_20 : memref<1x640x128xf32, #tpu.memory_space<hbm>> -> memref<640x128xf32, #tpu.memory_space<hbm>>
      %dma_start3A_22 = arith.constant 0 : i32
      %dma_start3A_23 = tpu.memref_slice %arg7[%mul3A_17, %dma_start3A_22] : memref<10240x128xf32, #tpu.memory_space<vmem_shared>> -> memref<640x128xf32, #tpu.memory_space<vmem_shared>>
      tpu.enqueue_dma source(%dma_start3A_23 : memref<640x128xf32, #tpu.memory_space<vmem_shared>>) target(%dma_start3A_21 : memref<640x128xf32, #tpu.memory_space<hbm>>) target_semaphore(%run_scoped3A : memref<!tpu.dma_semaphore, #tpu.memory_space<semaphore_mem>>)
      %dma_wait3A = arith.constant 0 : i32
      %dma_wait3A_24 = tpu.memref_slice %arg4[%arg0, %mul3A_19, %dma_wait3A] : memref<2x10240x128xf32, #tpu.memory_space<hbm>> -> memref<1x640x128xf32, #tpu.memory_space<hbm>>
      %dma_wait3A_25 = tpu.memref_squeeze %dma_wait3A_24 : memref<1x640x128xf32, #tpu.memory_space<hbm>> -> memref<640x128xf32, #tpu.memory_space<hbm>>
      %dma_wait3A_26 = arith.constant 0 : i32
      %dma_wait3A_27 = tpu.memref_slice %arg7[%mul3A_17, %dma_wait3A_26] : memref<10240x128xf32, #tpu.memory_space<vmem_shared>> -> memref<640x128xf32, #tpu.memory_space<vmem_shared>>
      tpu.wait_dma2 semaphore(%run_scoped3A : memref<!tpu.dma_semaphore, #tpu.memory_space<semaphore_mem>>) src(%dma_wait3A_27 : memref<640x128xf32, #tpu.memory_space<vmem_shared>>) dst(%dma_wait3A_25 : memref<640x128xf32, #tpu.memory_space<hbm>>)
      tpu.yield
    }) : () -> ()
    return
  }
}

#map = affine_map<(d0, d1) -> (0, 0)>
#map1 = affine_map<(d0, d1) -> (0)>
module attributes {stable_mosaic.version = 14 : i64} {
  func.func @k(%arg0: i32, %arg1: i32, %arg2: memref<10240x128xf32, #tpu.memory_space<hbm>>, %arg3: memref<320000xi32, #tpu.memory_space<hbm>>, %arg4: memref<320000x128xf32, #tpu.memory_space<hbm>>, %arg5: memref<80xi32, #tpu.memory_space<vmem>>, %arg6: memref<80x128xf32, #tpu.memory_space<vmem>>) attributes {dimension_semantics = [#tpu.dimension_semantics<core_parallel>, #tpu.dimension_semantics<subcore_parallel>], iteration_bounds = array<i64: 2, 16>, scalar_prefetch = 0 : i64, scratch_operands = 2 : i64, tpu.core_type = #tpu.core_type<sc_vector_subcore>, window_params = [{transform_indices = #map}, {transform_indices = #map1}, {transform_indices = #map}]} {
    %mul3A = arith.constant 2 : i32
    %mul3A_0 = arith.muli %arg1, %mul3A : i32
    %add3A = arith.addi %mul3A_0, %arg0 : i32
    %mul3A_1 = arith.constant 10000 : i32
    %mul3A_2 = arith.muli %add3A, %mul3A_1 : i32
    %scan3A = arith.constant 0 : i32
    %scan3A_3 = arith.constant 125 : i32
    %scan3A_4 = arith.addi %scan3A, %scan3A_3 : i32
    %scan3A_5 = arith.constant 1 : i32
    scf.for %scan3A_7 = %scan3A to %scan3A_4 step %scan3A_5  : i32 {
      %mul3A_8 = arith.constant 1 : i32
      %mul3A_9 = arith.muli %scan3A_7, %mul3A_8 : i32
      %add3A_10 = arith.constant 0 : i32
      %add3A_11 = arith.addi %add3A_10, %mul3A_9 : i32
      %mul3A_12 = arith.constant 80 : i32
      %mul3A_13 = arith.muli %add3A_11, %mul3A_12 : i32
      %add3A_14 = arith.addi %mul3A_2, %mul3A_13 : i32
      "tpu.region"() ({
        %run_scoped3A = tpu.sem_alloc : memref<!tpu.dma_semaphore, #tpu.memory_space<semaphore_mem>>
        %dma_start3A = tpu.memref_slice %arg3[%add3A_14] : memref<320000xi32, #tpu.memory_space<hbm>> -> memref<80xi32, #tpu.memory_space<hbm>>
        %dma_start3A_15 = tpu.memref_slice %arg3[%add3A_14] : memref<320000xi32, #tpu.memory_space<hbm>> -> memref<80xi32, #tpu.memory_space<hbm>>
        tpu.enqueue_dma source(%dma_start3A_15 : memref<80xi32, #tpu.memory_space<hbm>>) target(%arg5 : memref<80xi32, #tpu.memory_space<vmem>>) target_semaphore(%run_scoped3A : memref<!tpu.dma_semaphore, #tpu.memory_space<semaphore_mem>>)
        %dma_wait3A = tpu.memref_slice %arg3[%add3A_14] : memref<320000xi32, #tpu.memory_space<hbm>> -> memref<80xi32, #tpu.memory_space<hbm>>
        %dma_wait3A_16 = tpu.memref_slice %arg3[%add3A_14] : memref<320000xi32, #tpu.memory_space<hbm>> -> memref<80xi32, #tpu.memory_space<hbm>>
        tpu.wait_dma2 semaphore(%run_scoped3A : memref<!tpu.dma_semaphore, #tpu.memory_space<semaphore_mem>>) src(%dma_wait3A_16 : memref<80xi32, #tpu.memory_space<hbm>>) dst(%arg5 : memref<80xi32, #tpu.memory_space<vmem>>)
        tpu.yield
      }) : () -> ()
      "tpu.region"() ({
        %run_scoped3A = tpu.sem_alloc : memref<!tpu.dma_semaphore, #tpu.memory_space<semaphore_mem>>
        %dma_start3A = arith.constant 0 : i32
        %dma_start3A_15 = arith.constant 0 : i32
        %dma_start3A_16 = tpu.memref_slice %arg2[%dma_start3A, %dma_start3A_15] : memref<10240x128xf32, #tpu.memory_space<hbm>> -> memref<10240x128xf32, #tpu.memory_space<hbm>>
        tpu.enqueue_indirect_dma source(%dma_start3A_16 : memref<10240x128xf32, #tpu.memory_space<hbm>>) target(%arg6 : memref<80x128xf32, #tpu.memory_space<vmem>>) offsets(%arg5 : memref<80xi32, #tpu.memory_space<vmem>>) semaphore(%run_scoped3A : memref<!tpu.dma_semaphore, #tpu.memory_space<semaphore_mem>>)
        %dma_wait3A = arith.constant 0 : i32
        %dma_wait3A_17 = arith.constant 0 : i32
        %dma_wait3A_18 = tpu.memref_slice %arg2[%dma_wait3A, %dma_wait3A_17] : memref<10240x128xf32, #tpu.memory_space<hbm>> -> memref<10240x128xf32, #tpu.memory_space<hbm>>
        tpu.wait_indirect_dma semaphore(%run_scoped3A : memref<!tpu.dma_semaphore, #tpu.memory_space<semaphore_mem>>) src(%dma_wait3A_18 : memref<10240x128xf32, #tpu.memory_space<hbm>>) dst(%arg6 : memref<80x128xf32, #tpu.memory_space<vmem>>)
        tpu.yield
      }) : () -> ()
      "tpu.region"() ({
        %run_scoped3A = tpu.sem_alloc : memref<!tpu.dma_semaphore, #tpu.memory_space<semaphore_mem>>
        %dma_start3A = arith.constant 0 : i32
        %dma_start3A_15 = tpu.memref_slice %arg4[%add3A_14, %dma_start3A] : memref<320000x128xf32, #tpu.memory_space<hbm>> -> memref<80x128xf32, #tpu.memory_space<hbm>>
        %dma_start3A_16 = arith.constant 0 : i32
        %dma_start3A_17 = tpu.memref_slice %arg4[%add3A_14, %dma_start3A_16] : memref<320000x128xf32, #tpu.memory_space<hbm>> -> memref<80x128xf32, #tpu.memory_space<hbm>>
        tpu.enqueue_dma source(%arg6 : memref<80x128xf32, #tpu.memory_space<vmem>>) target(%dma_start3A_17 : memref<80x128xf32, #tpu.memory_space<hbm>>) target_semaphore(%run_scoped3A : memref<!tpu.dma_semaphore, #tpu.memory_space<semaphore_mem>>)
        %dma_wait3A = arith.constant 0 : i32
        %dma_wait3A_18 = tpu.memref_slice %arg4[%add3A_14, %dma_wait3A] : memref<320000x128xf32, #tpu.memory_space<hbm>> -> memref<80x128xf32, #tpu.memory_space<hbm>>
        %dma_wait3A_19 = arith.constant 0 : i32
        %dma_wait3A_20 = tpu.memref_slice %arg4[%add3A_14, %dma_wait3A_19] : memref<320000x128xf32, #tpu.memory_space<hbm>> -> memref<80x128xf32, #tpu.memory_space<hbm>>
        tpu.wait_dma2 semaphore(%run_scoped3A : memref<!tpu.dma_semaphore, #tpu.memory_space<semaphore_mem>>) src(%arg6 : memref<80x128xf32, #tpu.memory_space<vmem>>) dst(%dma_wait3A_20 : memref<80x128xf32, #tpu.memory_space<hbm>>)
        tpu.yield
      }) : () -> ()
    }
    %scan3A_6 = arith.constant 125 : i32
    return
  }
}

#map = affine_map<(d0, d1) -> (0, 0)>
#map1 = affine_map<(d0, d1) -> (0)>
module attributes {stable_mosaic.version = 14 : i64} {
  func.func @k(%arg0: i32, %arg1: i32, %arg2: memref<10240x128xf32, #tpu.memory_space<hbm>>, %arg3: memref<320000xi32, #tpu.memory_space<hbm>>, %arg4: memref<320000x128xf32, #tpu.memory_space<hbm>>, %arg5: memref<80xi32, #tpu.memory_space<vmem>>, %arg6: memref<80x128xf32, #tpu.memory_space<vmem>>) attributes {dimension_semantics = [#tpu.dimension_semantics<core_parallel>, #tpu.dimension_semantics<subcore_parallel>], iteration_bounds = array<i64: 2, 16>, scalar_prefetch = 0 : i64, scratch_operands = 2 : i64, tpu.core_type = #tpu.core_type<sc_vector_subcore>, window_params = [{transform_indices = #map}, {transform_indices = #map1}, {transform_indices = #map}]} {
    %mul3A = arith.constant 2 : i32
    %mul3A_0 = arith.muli %arg1, %mul3A : i32
    %add3A = arith.addi %mul3A_0, %arg0 : i32
    %mul3A_1 = arith.constant 10000 : i32
    %mul3A_2 = arith.muli %add3A, %mul3A_1 : i32
    %scan3A = arith.constant 0 : i32
    %scan3A_3 = arith.constant 125 : i32
    %scan3A_4 = arith.addi %scan3A, %scan3A_3 : i32
    %scan3A_5 = arith.constant 1 : i32
    scf.for %scan3A_7 = %scan3A to %scan3A_4 step %scan3A_5  : i32 {
      %mul3A_8 = arith.constant 1 : i32
      %mul3A_9 = arith.muli %scan3A_7, %mul3A_8 : i32
      %add3A_10 = arith.constant 0 : i32
      %add3A_11 = arith.addi %add3A_10, %mul3A_9 : i32
      %mul3A_12 = arith.constant 80 : i32
      %mul3A_13 = arith.muli %add3A_11, %mul3A_12 : i32
      %add3A_14 = arith.addi %mul3A_2, %mul3A_13 : i32
      "tpu.region"() ({
        %run_scoped3A = tpu.sem_alloc : memref<!tpu.dma_semaphore, #tpu.memory_space<semaphore_mem>>
        %dma_start3A = tpu.memref_slice %arg3[%add3A_14] : memref<320000xi32, #tpu.memory_space<hbm>> -> memref<80xi32, #tpu.memory_space<hbm>>
        %dma_start3A_15 = tpu.memref_slice %arg3[%add3A_14] : memref<320000xi32, #tpu.memory_space<hbm>> -> memref<80xi32, #tpu.memory_space<hbm>>
        tpu.enqueue_dma source(%dma_start3A_15 : memref<80xi32, #tpu.memory_space<hbm>>) target(%arg5 : memref<80xi32, #tpu.memory_space<vmem>>) target_semaphore(%run_scoped3A : memref<!tpu.dma_semaphore, #tpu.memory_space<semaphore_mem>>)
        %dma_wait3A = tpu.memref_slice %arg3[%add3A_14] : memref<320000xi32, #tpu.memory_space<hbm>> -> memref<80xi32, #tpu.memory_space<hbm>>
        %dma_wait3A_16 = tpu.memref_slice %arg3[%add3A_14] : memref<320000xi32, #tpu.memory_space<hbm>> -> memref<80xi32, #tpu.memory_space<hbm>>
        tpu.wait_dma2 semaphore(%run_scoped3A : memref<!tpu.dma_semaphore, #tpu.memory_space<semaphore_mem>>) src(%dma_wait3A_16 : memref<80xi32, #tpu.memory_space<hbm>>) dst(%arg5 : memref<80xi32, #tpu.memory_space<vmem>>)
        tpu.yield
      }) : () -> ()
      "tpu.region"() ({
        %run_scoped3A = tpu.sem_alloc : memref<!tpu.dma_semaphore, #tpu.memory_space<semaphore_mem>>
        %dma_start3A = arith.constant 0 : i32
        %dma_start3A_15 = arith.constant 0 : i32
        %dma_start3A_16 = tpu.memref_slice %arg2[%dma_start3A, %dma_start3A_15] : memref<10240x128xf32, #tpu.memory_space<hbm>> -> memref<10240x128xf32, #tpu.memory_space<hbm>>
        tpu.enqueue_indirect_dma source(%dma_start3A_16 : memref<10240x128xf32, #tpu.memory_space<hbm>>) target(%arg6 : memref<80x128xf32, #tpu.memory_space<vmem>>) offsets(%arg5 : memref<80xi32, #tpu.memory_space<vmem>>) semaphore(%run_scoped3A : memref<!tpu.dma_semaphore, #tpu.memory_space<semaphore_mem>>)
        %dma_wait3A = arith.constant 0 : i32
        %dma_wait3A_17 = arith.constant 0 : i32
        %dma_wait3A_18 = tpu.memref_slice %arg2[%dma_wait3A, %dma_wait3A_17] : memref<10240x128xf32, #tpu.memory_space<hbm>> -> memref<10240x128xf32, #tpu.memory_space<hbm>>
        tpu.wait_indirect_dma semaphore(%run_scoped3A : memref<!tpu.dma_semaphore, #tpu.memory_space<semaphore_mem>>) src(%dma_wait3A_18 : memref<10240x128xf32, #tpu.memory_space<hbm>>) dst(%arg6 : memref<80x128xf32, #tpu.memory_space<vmem>>)
        tpu.yield
      }) : () -> ()
      "tpu.region"() ({
        %run_scoped3A = tpu.sem_alloc : memref<!tpu.dma_semaphore, #tpu.memory_space<semaphore_mem>>
        %dma_start3A = arith.constant 0 : i32
        %dma_start3A_15 = tpu.memref_slice %arg4[%add3A_14, %dma_start3A] : memref<320000x128xf32, #tpu.memory_space<hbm>> -> memref<80x128xf32, #tpu.memory_space<hbm>>
        %dma_start3A_16 = arith.constant 0 : i32
        %dma_start3A_17 = tpu.memref_slice %arg4[%add3A_14, %dma_start3A_16] : memref<320000x128xf32, #tpu.memory_space<hbm>> -> memref<80x128xf32, #tpu.memory_space<hbm>>
        tpu.enqueue_dma source(%arg6 : memref<80x128xf32, #tpu.memory_space<vmem>>) target(%dma_start3A_17 : memref<80x128xf32, #tpu.memory_space<hbm>>) target_semaphore(%run_scoped3A : memref<!tpu.dma_semaphore, #tpu.memory_space<semaphore_mem>>)
        %dma_wait3A = arith.constant 0 : i32
        %dma_wait3A_18 = tpu.memref_slice %arg4[%add3A_14, %dma_wait3A] : memref<320000x128xf32, #tpu.memory_space<hbm>> -> memref<80x128xf32, #tpu.memory_space<hbm>>
        %dma_wait3A_19 = arith.constant 0 : i32
        %dma_wait3A_20 = tpu.memref_slice %arg4[%add3A_14, %dma_wait3A_19] : memref<320000x128xf32, #tpu.memory_space<hbm>> -> memref<80x128xf32, #tpu.memory_space<hbm>>
        tpu.wait_dma2 semaphore(%run_scoped3A : memref<!tpu.dma_semaphore, #tpu.memory_space<semaphore_mem>>) src(%arg6 : memref<80x128xf32, #tpu.memory_space<vmem>>) dst(%dma_wait3A_20 : memref<80x128xf32, #tpu.memory_space<hbm>>)
        tpu.yield
      }) : () -> ()
    }
    %scan3A_6 = arith.constant 125 : i32
    return
  }
}

#map = affine_map<(d0, d1) -> (0)>
#map1 = affine_map<(d0, d1) -> (0, 0, 0)>
module attributes {stable_mosaic.version = 14 : i64} {
  func.func @k(%arg0: i32, %arg1: i32, %arg2: memref<320000xi32, #tpu.memory_space<hbm>>, %arg3: memref<2x10240x16xf32, #tpu.memory_space<hbm>>, %arg4: memref<80xi32, #tpu.memory_space<vmem>>, %arg5: memref<80x16xf32, #tpu.memory_space<vmem>>, %arg6: memref<10240x16xf32, #tpu.memory_space<vmem_shared>>) attributes {dimension_semantics = [#tpu.dimension_semantics<core_parallel>, #tpu.dimension_semantics<subcore_parallel>], iteration_bounds = array<i64: 2, 16>, scalar_prefetch = 0 : i64, scratch_operands = 3 : i64, tpu.core_type = #tpu.core_type<sc_vector_subcore>, window_params = [{transform_indices = #map}, {transform_indices = #map1}]} {
    %mul3A = arith.constant 2 : i32
    %mul3A_0 = arith.muli %arg1, %mul3A : i32
    %add3A = arith.addi %mul3A_0, %arg0 : i32
    %scan3A = arith.constant 0 : i32
    %scan3A_1 = arith.constant 80 : i32
    %scan3A_2 = arith.addi %scan3A, %scan3A_1 : i32
    %scan3A_3 = arith.constant 1 : i32
    scf.for %scan3A_25 = %scan3A to %scan3A_2 step %scan3A_3  : i32 {
      %mul3A_26 = arith.constant 1 : i32
      %mul3A_27 = arith.muli %scan3A_25, %mul3A_26 : i32
      %add3A_28 = arith.constant 0 : i32
      %add3A_29 = arith.addi %add3A_28, %mul3A_27 : i32
      %broadcast_in_dim3A = arith.constant 0.000000e+00 : f32
      %broadcast_in_dim3A_30 = vector.broadcast %broadcast_in_dim3A : f32 to vector<16xf32>
      %swap3A = arith.index_cast %add3A_29 : i32 to index
      %swap3A_31 = arith.constant 0 : index
      %swap3A_32 = tpu.vector_load %arg5[%swap3A, %swap3A_31] {strides = array<i32>} : memref<80x16xf32, #tpu.memory_space<vmem>>, vector<1x16xf32>,
      %swap3A_33 = vector.shape_cast %swap3A_32 : vector<1x16xf32> to vector<16xf32>
      %swap3A_34 = vector.shape_cast %broadcast_in_dim3A_30 : vector<16xf32> to vector<1x16xf32>
      tpu.vector_store %arg5[%swap3A, %swap3A_31], %swap3A_34 {strides = array<i32>} : memref<80x16xf32, #tpu.memory_space<vmem>>, vector<1x16xf32>,
    }
    %scan3A_4 = arith.constant 80 : i32
    %scan3A_5 = arith.constant 0 : i32
    %scan3A_6 = arith.constant 8 : i32
    %scan3A_7 = arith.addi %scan3A_5, %scan3A_6 : i32
    %scan3A_8 = arith.constant 1 : i32
    scf.for %scan3A_25 = %scan3A_5 to %scan3A_7 step %scan3A_8  : i32 {
      %mul3A_26 = arith.constant 1 : i32
      %mul3A_27 = arith.muli %scan3A_25, %mul3A_26 : i32
      %add3A_28 = arith.constant 0 : i32
      %add3A_29 = arith.addi %add3A_28, %mul3A_27 : i32
      %mul3A_30 = arith.constant 640 : i32
      %mul3A_31 = arith.muli %arg1, %mul3A_30 : i32
      %mul3A_32 = arith.constant 80 : i32
      %mul3A_33 = arith.muli %add3A_29, %mul3A_32 : i32
      %add3A_34 = arith.addi %mul3A_31, %mul3A_33 : i32
      "tpu.region"() ({
        %run_scoped3A = tpu.sem_alloc : memref<!tpu.dma_semaphore, #tpu.memory_space<semaphore_mem>>
        %dma_start3A = arith.constant 0 : i32
        %dma_start3A_35 = tpu.memref_slice %arg6[%add3A_34, %dma_start3A] : memref<10240x16xf32, #tpu.memory_space<vmem_shared>> -> memref<80x16xf32, #tpu.memory_space<vmem_shared>>
        %dma_start3A_36 = arith.constant 0 : i32
        %dma_start3A_37 = tpu.memref_slice %arg6[%add3A_34, %dma_start3A_36] : memref<10240x16xf32, #tpu.memory_space<vmem_shared>> -> memref<80x16xf32, #tpu.memory_space<vmem_shared>>
        tpu.enqueue_dma source(%arg5 : memref<80x16xf32, #tpu.memory_space<vmem>>) target(%dma_start3A_37 : memref<80x16xf32, #tpu.memory_space<vmem_shared>>) target_semaphore(%run_scoped3A : memref<!tpu.dma_semaphore, #tpu.memory_space<semaphore_mem>>)
        %dma_wait3A = arith.constant 0 : i32
        %dma_wait3A_38 = tpu.memref_slice %arg6[%add3A_34, %dma_wait3A] : memref<10240x16xf32, #tpu.memory_space<vmem_shared>> -> memref<80x16xf32, #tpu.memory_space<vmem_shared>>
        %dma_wait3A_39 = arith.constant 0 : i32
        %dma_wait3A_40 = tpu.memref_slice %arg6[%add3A_34, %dma_wait3A_39] : memref<10240x16xf32, #tpu.memory_space<vmem_shared>> -> memref<80x16xf32, #tpu.memory_space<vmem_shared>>
        tpu.wait_dma2 semaphore(%run_scoped3A : memref<!tpu.dma_semaphore, #tpu.memory_space<semaphore_mem>>) src(%arg5 : memref<80x16xf32, #tpu.memory_space<vmem>>) dst(%dma_wait3A_40 : memref<80x16xf32, #tpu.memory_space<vmem_shared>>)
        tpu.yield
      }) : () -> ()
    }
    %scan3A_9 = arith.constant 8 : i32
    %barrier3A = arith.constant 0 : index
    tpu.barrier barrier_id(%barrier3A)
    %scan3A_10 = arith.constant 0 : i32
    %scan3A_11 = arith.constant 80 : i32
    %scan3A_12 = arith.addi %scan3A_10, %scan3A_11 : i32
    %scan3A_13 = arith.constant 1 : i32
    scf.for %scan3A_25 = %scan3A_10 to %scan3A_12 step %scan3A_13  : i32 {
      %mul3A_26 = arith.constant 1 : i32
      %mul3A_27 = arith.muli %scan3A_25, %mul3A_26 : i32
      %add3A_28 = arith.constant 0 : i32
      %add3A_29 = arith.addi %add3A_28, %mul3A_27 : i32
      %broadcast_in_dim3A = arith.constant 1.000000e+00 : f32
      %broadcast_in_dim3A_30 = vector.broadcast %broadcast_in_dim3A : f32 to vector<16xf32>
      %swap3A = arith.index_cast %add3A_29 : i32 to index
      %swap3A_31 = arith.constant 0 : index
      %swap3A_32 = tpu.vector_load %arg5[%swap3A, %swap3A_31] {strides = array<i32>} : memref<80x16xf32, #tpu.memory_space<vmem>>, vector<1x16xf32>,
      %swap3A_33 = vector.shape_cast %swap3A_32 : vector<1x16xf32> to vector<16xf32>
      %swap3A_34 = vector.shape_cast %broadcast_in_dim3A_30 : vector<16xf32> to vector<1x16xf32>
      tpu.vector_store %arg5[%swap3A, %swap3A_31], %swap3A_34 {strides = array<i32>} : memref<80x16xf32, #tpu.memory_space<vmem>>, vector<1x16xf32>,
    }
    %scan3A_14 = arith.constant 80 : i32
    %scan3A_15 = arith.constant 0 : i32
    %scan3A_16 = arith.constant 125 : i32
    %scan3A_17 = arith.addi %scan3A_15, %scan3A_16 : i32
    %scan3A_18 = arith.constant 1 : i32
    scf.for %scan3A_25 = %scan3A_15 to %scan3A_17 step %scan3A_18  : i32 {
      %mul3A_26 = arith.constant 1 : i32
      %mul3A_27 = arith.muli %scan3A_25, %mul3A_26 : i32
      %add3A_28 = arith.constant 0 : i32
      %add3A_29 = arith.addi %add3A_28, %mul3A_27 : i32
      %mul3A_30 = arith.constant 10000 : i32
      %mul3A_31 = arith.muli %add3A, %mul3A_30 : i32
      %mul3A_32 = arith.constant 80 : i32
      %mul3A_33 = arith.muli %add3A_29, %mul3A_32 : i32
      %add3A_34 = arith.addi %mul3A_31, %mul3A_33 : i32
      "tpu.region"() ({
        %run_scoped3A = tpu.sem_alloc : memref<!tpu.dma_semaphore, #tpu.memory_space<semaphore_mem>>
        %dma_start3A = tpu.memref_slice %arg2[%add3A_34] : memref<320000xi32, #tpu.memory_space<hbm>> -> memref<80xi32, #tpu.memory_space<hbm>>
        %dma_start3A_35 = tpu.memref_slice %arg2[%add3A_34] : memref<320000xi32, #tpu.memory_space<hbm>> -> memref<80xi32, #tpu.memory_space<hbm>>
        tpu.enqueue_dma source(%dma_start3A_35 : memref<80xi32, #tpu.memory_space<hbm>>) target(%arg4 : memref<80xi32, #tpu.memory_space<vmem>>) target_semaphore(%run_scoped3A : memref<!tpu.dma_semaphore, #tpu.memory_space<semaphore_mem>>)
        %dma_wait3A = tpu.memref_slice %arg2[%add3A_34] : memref<320000xi32, #tpu.memory_space<hbm>> -> memref<80xi32, #tpu.memory_space<hbm>>
        %dma_wait3A_36 = tpu.memref_slice %arg2[%add3A_34] : memref<320000xi32, #tpu.memory_space<hbm>> -> memref<80xi32, #tpu.memory_space<hbm>>
        tpu.wait_dma2 semaphore(%run_scoped3A : memref<!tpu.dma_semaphore, #tpu.memory_space<semaphore_mem>>) src(%dma_wait3A_36 : memref<80xi32, #tpu.memory_space<hbm>>) dst(%arg4 : memref<80xi32, #tpu.memory_space<vmem>>)
        tpu.yield
      }) : () -> ()
      "tpu.region"() ({
        %run_scoped3A = tpu.sem_alloc : memref<!tpu.dma_semaphore, #tpu.memory_space<semaphore_mem>>
        %dma_start3A = arith.constant 0 : i32
        %dma_start3A_35 = arith.constant 0 : i32
        %dma_start3A_36 = tpu.memref_slice %arg6[%dma_start3A, %dma_start3A_35] : memref<10240x16xf32, #tpu.memory_space<vmem_shared>> -> memref<10240x16xf32, #tpu.memory_space<vmem_shared>>
        tpu.enqueue_indirect_dma source(%arg5 : memref<80x16xf32, #tpu.memory_space<vmem>>) target(%dma_start3A_36 : memref<10240x16xf32, #tpu.memory_space<vmem_shared>>) offsets(%arg4 : memref<80xi32, #tpu.memory_space<vmem>>) semaphore(%run_scoped3A : memref<!tpu.dma_semaphore, #tpu.memory_space<semaphore_mem>>) {add = true}
        %dma_wait3A = arith.constant 0 : i32
        %dma_wait3A_37 = arith.constant 0 : i32
        %dma_wait3A_38 = tpu.memref_slice %arg6[%dma_wait3A, %dma_wait3A_37] : memref<10240x16xf32, #tpu.memory_space<vmem_shared>> -> memref<10240x16xf32, #tpu.memory_space<vmem_shared>>
        tpu.wait_indirect_dma semaphore(%run_scoped3A : memref<!tpu.dma_semaphore, #tpu.memory_space<semaphore_mem>>) src(%arg5 : memref<80x16xf32, #tpu.memory_space<vmem>>) dst(%dma_wait3A_38 : memref<10240x16xf32, #tpu.memory_space<vmem_shared>>)
        tpu.yield
      }) : () -> ()
    }
    %scan3A_19 = arith.constant 125 : i32
    %barrier3A_20 = arith.constant 0 : index
    tpu.barrier barrier_id(%barrier3A_20)
    %mul3A_21 = arith.constant 640 : i32
    %mul3A_22 = arith.muli %arg1, %mul3A_21 : i32
    %mul3A_23 = arith.constant 640 : i32
    %mul3A_24 = arith.muli %arg1, %mul3A_23 : i32
    "tpu.region"() ({
      %run_scoped3A = tpu.sem_alloc : memref<!tpu.dma_semaphore, #tpu.memory_space<semaphore_mem>>
      %dma_start3A = arith.constant 0 : i32
      %dma_start3A_25 = tpu.memref_slice %arg3[%arg0, %mul3A_24, %dma_start3A] : memref<2x10240x16xf32, #tpu.memory_space<hbm>> -> memref<1x640x16xf32, #tpu.memory_space<hbm>>
      %dma_start3A_26 = tpu.memref_squeeze %dma_start3A_25 : memref<1x640x16xf32, #tpu.memory_space<hbm>> -> memref<640x16xf32, #tpu.memory_space<hbm>>
      %dma_start3A_27 = arith.constant 0 : i32
      %dma_start3A_28 = tpu.memref_slice %arg6[%mul3A_22, %dma_start3A_27] : memref<10240x16xf32, #tpu.memory_space<vmem_shared>> -> memref<640x16xf32, #tpu.memory_space<vmem_shared>>
      tpu.enqueue_dma source(%dma_start3A_28 : memref<640x16xf32, #tpu.memory_space<vmem_shared>>) target(%dma_start3A_26 : memref<640x16xf32, #tpu.memory_space<hbm>>) target_semaphore(%run_scoped3A : memref<!tpu.dma_semaphore, #tpu.memory_space<semaphore_mem>>)
      %dma_wait3A = arith.constant 0 : i32
      %dma_wait3A_29 = tpu.memref_slice %arg3[%arg0, %mul3A_24, %dma_wait3A] : memref<2x10240x16xf32, #tpu.memory_space<hbm>> -> memref<1x640x16xf32, #tpu.memory_space<hbm>>
      %dma_wait3A_30 = tpu.memref_squeeze %dma_wait3A_29 : memref<1x640x16xf32, #tpu.memory_space<hbm>> -> memref<640x16xf32, #tpu.memory_space<hbm>>
      %dma_wait3A_31 = arith.constant 0 : i32
      %dma_wait3A_32 = tpu.memref_slice %arg6[%mul3A_22, %dma_wait3A_31] : memref<10240x16xf32, #tpu.memory_space<vmem_shared>> -> memref<640x16xf32, #tpu.memory_space<vmem_shared>>
      tpu.wait_dma2 semaphore(%run_scoped3A : memref<!tpu.dma_semaphore, #tpu.memory_space<semaphore_mem>>) src(%dma_wait3A_32 : memref<640x16xf32, #tpu.memory_space<vmem_shared>>) dst(%dma_wait3A_30 : memref<640x16xf32, #tpu.memory_space<hbm>>)
      tpu.yield
    }) : () -> ()
    return
  }
}

#map = affine_map<(d0, d1) -> (0, 0)>
#map1 = affine_map<(d0, d1) -> (0)>
#map2 = affine_map<(d0, d1) -> (0, 0, 0)>
module attributes {stable_mosaic.version = 14 : i64} {
  func.func @k(%arg0: i32, %arg1: i32, %arg2: memref<320000x128xf32, #tpu.memory_space<hbm>>, %arg3: memref<320000xi32, #tpu.memory_space<hbm>>, %arg4: memref<2x10240x128xf32, #tpu.memory_space<hbm>>, %arg5: memref<80xi32, #tpu.memory_space<vmem>>, %arg6: memref<80x128xf32, #tpu.memory_space<vmem>>, %arg7: memref<10240x128xf32, #tpu.memory_space<vmem_shared>>) attributes {dimension_semantics = [#tpu.dimension_semantics<core_parallel>, #tpu.dimension_semantics<subcore_parallel>], iteration_bounds = array<i64: 2, 16>, scalar_prefetch = 0 : i64, scratch_operands = 3 : i64, tpu.core_type = #tpu.core_type<sc_vector_subcore>, window_params = [{transform_indices = #map}, {transform_indices = #map1}, {transform_indices = #map2}]} {
    %mul3A = arith.constant 2 : i32
    %mul3A_0 = arith.muli %arg1, %mul3A : i32
    %add3A = arith.addi %mul3A_0, %arg0 : i32
    %scan3A = arith.constant 0 : i32
    %scan3A_1 = arith.constant 80 : i32
    %scan3A_2 = arith.addi %scan3A, %scan3A_1 : i32
    %scan3A_3 = arith.constant 1 : i32
    scf.for %scan3A_20 = %scan3A to %scan3A_2 step %scan3A_3  : i32 {
      %mul3A_21 = arith.constant 1 : i32
      %mul3A_22 = arith.muli %scan3A_20, %mul3A_21 : i32
      %add3A_23 = arith.constant 0 : i32
      %add3A_24 = arith.addi %add3A_23, %mul3A_22 : i32
      %scan3A_25 = arith.constant 0 : i32
      %scan3A_26 = arith.constant 8 : i32
      %scan3A_27 = arith.addi %scan3A_25, %scan3A_26 : i32
      %scan3A_28 = arith.constant 1 : i32
      scf.for %scan3A_30 = %scan3A_25 to %scan3A_27 step %scan3A_28  : i32 {
        %mul3A_31 = arith.constant 16 : i32
        %mul3A_32 = arith.muli %scan3A_30, %mul3A_31 : i32
        %add3A_33 = arith.constant 0 : i32
        %add3A_34 = arith.addi %add3A_33, %mul3A_32 : i32
        %broadcast_in_dim3A = arith.constant 0.000000e+00 : f32
        %broadcast_in_dim3A_35 = vector.broadcast %broadcast_in_dim3A : f32 to vector<16xf32>
        %swap3A = arith.index_cast %add3A_24 : i32 to index
        %swap3A_36 = arith.index_cast %add3A_34 : i32 to index
        %swap3A_37 = tpu.vector_load %arg6[%swap3A, %swap3A_36] {strides = array<i32>} : memref<80x128xf32, #tpu.memory_space<vmem>>, vector<1x16xf32>,
        %swap3A_38 = vector.shape_cast %swap3A_37 : vector<1x16xf32> to vector<16xf32>
        %swap3A_39 = vector.shape_cast %broadcast_in_dim3A_35 : vector<16xf32> to vector<1x16xf32>
        tpu.vector_store %arg6[%swap3A, %swap3A_36], %swap3A_39 {strides = array<i32>} : memref<80x128xf32, #tpu.memory_space<vmem>>, vector<1x16xf32>,
      }
      %scan3A_29 = arith.constant 8 : i32
    }
    %scan3A_4 = arith.constant 80 : i32
    %scan3A_5 = arith.constant 0 : i32
    %scan3A_6 = arith.constant 8 : i32
    %scan3A_7 = arith.addi %scan3A_5, %scan3A_6 : i32
    %scan3A_8 = arith.constant 1 : i32
    scf.for %scan3A_20 = %scan3A_5 to %scan3A_7 step %scan3A_8  : i32 {
      %mul3A_21 = arith.constant 1 : i32
      %mul3A_22 = arith.muli %scan3A_20, %mul3A_21 : i32
      %add3A_23 = arith.constant 0 : i32
      %add3A_24 = arith.addi %add3A_23, %mul3A_22 : i32
      %mul3A_25 = arith.constant 640 : i32
      %mul3A_26 = arith.muli %arg1, %mul3A_25 : i32
      %mul3A_27 = arith.constant 80 : i32
      %mul3A_28 = arith.muli %add3A_24, %mul3A_27 : i32
      %add3A_29 = arith.addi %mul3A_26, %mul3A_28 : i32
      "tpu.region"() ({
        %run_scoped3A = tpu.sem_alloc : memref<!tpu.dma_semaphore, #tpu.memory_space<semaphore_mem>>
        %dma_start3A = arith.constant 0 : i32
        %dma_start3A_30 = tpu.memref_slice %arg7[%add3A_29, %dma_start3A] : memref<10240x128xf32, #tpu.memory_space<vmem_shared>> -> memref<80x128xf32, #tpu.memory_space<vmem_shared>>
        %dma_start3A_31 = arith.constant 0 : i32
        %dma_start3A_32 = tpu.memref_slice %arg7[%add3A_29, %dma_start3A_31] : memref<10240x128xf32, #tpu.memory_space<vmem_shared>> -> memref<80x128xf32, #tpu.memory_space<vmem_shared>>
        tpu.enqueue_dma source(%arg6 : memref<80x128xf32, #tpu.memory_space<vmem>>) target(%dma_start3A_32 : memref<80x128xf32, #tpu.memory_space<vmem_shared>>) target_semaphore(%run_scoped3A : memref<!tpu.dma_semaphore, #tpu.memory_space<semaphore_mem>>)
        %dma_wait3A = arith.constant 0 : i32
        %dma_wait3A_33 = tpu.memref_slice %arg7[%add3A_29, %dma_wait3A] : memref<10240x128xf32, #tpu.memory_space<vmem_shared>> -> memref<80x128xf32, #tpu.memory_space<vmem_shared>>
        %dma_wait3A_34 = arith.constant 0 : i32
        %dma_wait3A_35 = tpu.memref_slice %arg7[%add3A_29, %dma_wait3A_34] : memref<10240x128xf32, #tpu.memory_space<vmem_shared>> -> memref<80x128xf32, #tpu.memory_space<vmem_shared>>
        tpu.wait_dma2 semaphore(%run_scoped3A : memref<!tpu.dma_semaphore, #tpu.memory_space<semaphore_mem>>) src(%arg6 : memref<80x128xf32, #tpu.memory_space<vmem>>) dst(%dma_wait3A_35 : memref<80x128xf32, #tpu.memory_space<vmem_shared>>)
        tpu.yield
      }) : () -> ()
    }
    %scan3A_9 = arith.constant 8 : i32
    %barrier3A = arith.constant 0 : index
    tpu.barrier barrier_id(%barrier3A)
    %scan3A_10 = arith.constant 0 : i32
    %scan3A_11 = arith.constant 125 : i32
    %scan3A_12 = arith.addi %scan3A_10, %scan3A_11 : i32
    %scan3A_13 = arith.constant 1 : i32
    scf.for %scan3A_20 = %scan3A_10 to %scan3A_12 step %scan3A_13  : i32 {
      %mul3A_21 = arith.constant 1 : i32
      %mul3A_22 = arith.muli %scan3A_20, %mul3A_21 : i32
      %add3A_23 = arith.constant 0 : i32
      %add3A_24 = arith.addi %add3A_23, %mul3A_22 : i32
      %mul3A_25 = arith.constant 10000 : i32
      %mul3A_26 = arith.muli %add3A, %mul3A_25 : i32
      %mul3A_27 = arith.constant 80 : i32
      %mul3A_28 = arith.muli %add3A_24, %mul3A_27 : i32
      %add3A_29 = arith.addi %mul3A_26, %mul3A_28 : i32
      "tpu.region"() ({
        %run_scoped3A = tpu.sem_alloc : memref<!tpu.dma_semaphore, #tpu.memory_space<semaphore_mem>>
        %dma_start3A = tpu.memref_slice %arg3[%add3A_29] : memref<320000xi32, #tpu.memory_space<hbm>> -> memref<80xi32, #tpu.memory_space<hbm>>
        %dma_start3A_30 = tpu.memref_slice %arg3[%add3A_29] : memref<320000xi32, #tpu.memory_space<hbm>> -> memref<80xi32, #tpu.memory_space<hbm>>
        tpu.enqueue_dma source(%dma_start3A_30 : memref<80xi32, #tpu.memory_space<hbm>>) target(%arg5 : memref<80xi32, #tpu.memory_space<vmem>>) target_semaphore(%run_scoped3A : memref<!tpu.dma_semaphore, #tpu.memory_space<semaphore_mem>>)
        %dma_wait3A = tpu.memref_slice %arg3[%add3A_29] : memref<320000xi32, #tpu.memory_space<hbm>> -> memref<80xi32, #tpu.memory_space<hbm>>
        %dma_wait3A_31 = tpu.memref_slice %arg3[%add3A_29] : memref<320000xi32, #tpu.memory_space<hbm>> -> memref<80xi32, #tpu.memory_space<hbm>>
        tpu.wait_dma2 semaphore(%run_scoped3A : memref<!tpu.dma_semaphore, #tpu.memory_space<semaphore_mem>>) src(%dma_wait3A_31 : memref<80xi32, #tpu.memory_space<hbm>>) dst(%arg5 : memref<80xi32, #tpu.memory_space<vmem>>)
        tpu.yield
      }) : () -> ()
      "tpu.region"() ({
        %run_scoped3A = tpu.sem_alloc : memref<!tpu.dma_semaphore, #tpu.memory_space<semaphore_mem>>
        %dma_start3A = arith.constant 0 : i32
        %dma_start3A_30 = tpu.memref_slice %arg2[%add3A_29, %dma_start3A] : memref<320000x128xf32, #tpu.memory_space<hbm>> -> memref<80x128xf32, #tpu.memory_space<hbm>>
        %dma_start3A_31 = arith.constant 0 : i32
        %dma_start3A_32 = tpu.memref_slice %arg2[%add3A_29, %dma_start3A_31] : memref<320000x128xf32, #tpu.memory_space<hbm>> -> memref<80x128xf32, #tpu.memory_space<hbm>>
        tpu.enqueue_dma source(%dma_start3A_32 : memref<80x128xf32, #tpu.memory_space<hbm>>) target(%arg6 : memref<80x128xf32, #tpu.memory_space<vmem>>) target_semaphore(%run_scoped3A : memref<!tpu.dma_semaphore, #tpu.memory_space<semaphore_mem>>)
        %dma_wait3A = arith.constant 0 : i32
        %dma_wait3A_33 = tpu.memref_slice %arg2[%add3A_29, %dma_wait3A] : memref<320000x128xf32, #tpu.memory_space<hbm>> -> memref<80x128xf32, #tpu.memory_space<hbm>>
        %dma_wait3A_34 = arith.constant 0 : i32
        %dma_wait3A_35 = tpu.memref_slice %arg2[%add3A_29, %dma_wait3A_34] : memref<320000x128xf32, #tpu.memory_space<hbm>> -> memref<80x128xf32, #tpu.memory_space<hbm>>
        tpu.wait_dma2 semaphore(%run_scoped3A : memref<!tpu.dma_semaphore, #tpu.memory_space<semaphore_mem>>) src(%dma_wait3A_35 : memref<80x128xf32, #tpu.memory_space<hbm>>) dst(%arg6 : memref<80x128xf32, #tpu.memory_space<vmem>>)
        tpu.yield
      }) : () -> ()
      "tpu.region"() ({
        %run_scoped3A = tpu.sem_alloc : memref<!tpu.dma_semaphore, #tpu.memory_space<semaphore_mem>>
        %dma_start3A = arith.constant 0 : i32
        %dma_start3A_30 = arith.constant 0 : i32
        %dma_start3A_31 = tpu.memref_slice %arg7[%dma_start3A, %dma_start3A_30] : memref<10240x128xf32, #tpu.memory_space<vmem_shared>> -> memref<10240x128xf32, #tpu.memory_space<vmem_shared>>
        tpu.enqueue_indirect_dma source(%arg6 : memref<80x128xf32, #tpu.memory_space<vmem>>) target(%dma_start3A_31 : memref<10240x128xf32, #tpu.memory_space<vmem_shared>>) offsets(%arg5 : memref<80xi32, #tpu.memory_space<vmem>>) semaphore(%run_scoped3A : memref<!tpu.dma_semaphore, #tpu.memory_space<semaphore_mem>>) {add = true}
        %dma_wait3A = arith.constant 0 : i32
        %dma_wait3A_32 = arith.constant 0 : i32
        %dma_wait3A_33 = tpu.memref_slice %arg7[%dma_wait3A, %dma_wait3A_32] : memref<10240x128xf32, #tpu.memory_space<vmem_shared>> -> memref<10240x128xf32, #tpu.memory_space<vmem_shared>>
        tpu.wait_indirect_dma semaphore(%run_scoped3A : memref<!tpu.dma_semaphore, #tpu.memory_space<semaphore_mem>>) src(%arg6 : memref<80x128xf32, #tpu.memory_space<vmem>>) dst(%dma_wait3A_33 : memref<10240x128xf32, #tpu.memory_space<vmem_shared>>)
        tpu.yield
      }) : () -> ()
    }
    %scan3A_14 = arith.constant 125 : i32
    %barrier3A_15 = arith.constant 0 : index
    tpu.barrier barrier_id(%barrier3A_15)
    %mul3A_16 = arith.constant 640 : i32
    %mul3A_17 = arith.muli %arg1, %mul3A_16 : i32
    %mul3A_18 = arith.constant 640 : i32
    %mul3A_19 = arith.muli %arg1, %mul3A_18 : i32
    "tpu.region"() ({
      %run_scoped3A = tpu.sem_alloc : memref<!tpu.dma_semaphore, #tpu.memory_space<semaphore_mem>>
      %dma_start3A = arith.constant 0 : i32
      %dma_start3A_20 = tpu.memref_slice %arg4[%arg0, %mul3A_19, %dma_start3A] : memref<2x10240x128xf32, #tpu.memory_space<hbm>> -> memref<1x640x128xf32, #tpu.memory_space<hbm>>
      %dma_start3A_21 = tpu.memref_squeeze %dma_start3A_20 : memref<1x640x128xf32, #tpu.memory_space<hbm>> -> memref<640x128xf32, #tpu.memory_space<hbm>>
      %dma_start3A_22 = arith.constant 0 : i32
      %dma_start3A_23 = tpu.memref_slice %arg7[%mul3A_17, %dma_start3A_22] : memref<10240x128xf32, #tpu.memory_space<vmem_shared>> -> memref<640x128xf32, #tpu.memory_space<vmem_shared>>
      tpu.enqueue_dma source(%dma_start3A_23 : memref<640x128xf32, #tpu.memory_space<vmem_shared>>) target(%dma_start3A_21 : memref<640x128xf32, #tpu.memory_space<hbm>>) target_semaphore(%run_scoped3A : memref<!tpu.dma_semaphore, #tpu.memory_space<semaphore_mem>>)
      %dma_wait3A = arith.constant 0 : i32
      %dma_wait3A_24 = tpu.memref_slice %arg4[%arg0, %mul3A_19, %dma_wait3A] : memref<2x10240x128xf32, #tpu.memory_space<hbm>> -> memref<1x640x128xf32, #tpu.memory_space<hbm>>
      %dma_wait3A_25 = tpu.memref_squeeze %dma_wait3A_24 : memref<1x640x128xf32, #tpu.memory_space<hbm>> -> memref<640x128xf32, #tpu.memory_space<hbm>>
      %dma_wait3A_26 = arith.constant 0 : i32
      %dma_wait3A_27 = tpu.memref_slice %arg7[%mul3A_17, %dma_wait3A_26] : memref<10240x128xf32, #tpu.memory_space<vmem_shared>> -> memref<640x128xf32, #tpu.memory_space<vmem_shared>>
      tpu.wait_dma2 semaphore(%run_scoped3A : memref<!tpu.dma_semaphore, #tpu.memory_space<semaphore_mem>>) src(%dma_wait3A_27 : memref<640x128xf32, #tpu.memory_space<vmem_shared>>) dst(%dma_wait3A_25 : memref<640x128xf32, #tpu.memory_space<hbm>>)
      tpu.yield
    }) : () -> ()
    return
  }
}

#map = affine_map<(d0, d1) -> (0, 0)>
#map1 = affine_map<(d0, d1) -> (0)>
module attributes {stable_mosaic.version = 14 : i64} {
  func.func @k(%arg0: i32, %arg1: i32, %arg2: memref<10240x128xf32, #tpu.memory_space<hbm>>, %arg3: memref<320000xi32, #tpu.memory_space<hbm>>, %arg4: memref<320000x128xf32, #tpu.memory_space<hbm>>, %arg5: memref<80xi32, #tpu.memory_space<vmem>>, %arg6: memref<80x128xf32, #tpu.memory_space<vmem>>) attributes {dimension_semantics = [#tpu.dimension_semantics<core_parallel>, #tpu.dimension_semantics<subcore_parallel>], iteration_bounds = array<i64: 2, 16>, scalar_prefetch = 0 : i64, scratch_operands = 2 : i64, tpu.core_type = #tpu.core_type<sc_vector_subcore>, window_params = [{transform_indices = #map}, {transform_indices = #map1}, {transform_indices = #map}]} {
    %mul3A = arith.constant 2 : i32
    %mul3A_0 = arith.muli %arg1, %mul3A : i32
    %add3A = arith.addi %mul3A_0, %arg0 : i32
    %mul3A_1 = arith.constant 10000 : i32
    %mul3A_2 = arith.muli %add3A, %mul3A_1 : i32
    %scan3A = arith.constant 0 : i32
    %scan3A_3 = arith.constant 125 : i32
    %scan3A_4 = arith.addi %scan3A, %scan3A_3 : i32
    %scan3A_5 = arith.constant 1 : i32
    scf.for %scan3A_7 = %scan3A to %scan3A_4 step %scan3A_5  : i32 {
      %mul3A_8 = arith.constant 1 : i32
      %mul3A_9 = arith.muli %scan3A_7, %mul3A_8 : i32
      %add3A_10 = arith.constant 0 : i32
      %add3A_11 = arith.addi %add3A_10, %mul3A_9 : i32
      %mul3A_12 = arith.constant 80 : i32
      %mul3A_13 = arith.muli %add3A_11, %mul3A_12 : i32
      %add3A_14 = arith.addi %mul3A_2, %mul3A_13 : i32
      "tpu.region"() ({
        %run_scoped3A = tpu.sem_alloc : memref<!tpu.dma_semaphore, #tpu.memory_space<semaphore_mem>>
        %dma_start3A = tpu.memref_slice %arg3[%add3A_14] : memref<320000xi32, #tpu.memory_space<hbm>> -> memref<80xi32, #tpu.memory_space<hbm>>
        %dma_start3A_15 = tpu.memref_slice %arg3[%add3A_14] : memref<320000xi32, #tpu.memory_space<hbm>> -> memref<80xi32, #tpu.memory_space<hbm>>
        tpu.enqueue_dma source(%dma_start3A_15 : memref<80xi32, #tpu.memory_space<hbm>>) target(%arg5 : memref<80xi32, #tpu.memory_space<vmem>>) target_semaphore(%run_scoped3A : memref<!tpu.dma_semaphore, #tpu.memory_space<semaphore_mem>>)
        %dma_wait3A = tpu.memref_slice %arg3[%add3A_14] : memref<320000xi32, #tpu.memory_space<hbm>> -> memref<80xi32, #tpu.memory_space<hbm>>
        %dma_wait3A_16 = tpu.memref_slice %arg3[%add3A_14] : memref<320000xi32, #tpu.memory_space<hbm>> -> memref<80xi32, #tpu.memory_space<hbm>>
        tpu.wait_dma2 semaphore(%run_scoped3A : memref<!tpu.dma_semaphore, #tpu.memory_space<semaphore_mem>>) src(%dma_wait3A_16 : memref<80xi32, #tpu.memory_space<hbm>>) dst(%arg5 : memref<80xi32, #tpu.memory_space<vmem>>)
        tpu.yield
      }) : () -> ()
      "tpu.region"() ({
        %run_scoped3A = tpu.sem_alloc : memref<!tpu.dma_semaphore, #tpu.memory_space<semaphore_mem>>
        %dma_start3A = arith.constant 0 : i32
        %dma_start3A_15 = arith.constant 0 : i32
        %dma_start3A_16 = tpu.memref_slice %arg2[%dma_start3A, %dma_start3A_15] : memref<10240x128xf32, #tpu.memory_space<hbm>> -> memref<10240x128xf32, #tpu.memory_space<hbm>>
        tpu.enqueue_indirect_dma source(%dma_start3A_16 : memref<10240x128xf32, #tpu.memory_space<hbm>>) target(%arg6 : memref<80x128xf32, #tpu.memory_space<vmem>>) offsets(%arg5 : memref<80xi32, #tpu.memory_space<vmem>>) semaphore(%run_scoped3A : memref<!tpu.dma_semaphore, #tpu.memory_space<semaphore_mem>>)
        %dma_wait3A = arith.constant 0 : i32
        %dma_wait3A_17 = arith.constant 0 : i32
        %dma_wait3A_18 = tpu.memref_slice %arg2[%dma_wait3A, %dma_wait3A_17] : memref<10240x128xf32, #tpu.memory_space<hbm>> -> memref<10240x128xf32, #tpu.memory_space<hbm>>
        tpu.wait_indirect_dma semaphore(%run_scoped3A : memref<!tpu.dma_semaphore, #tpu.memory_space<semaphore_mem>>) src(%dma_wait3A_18 : memref<10240x128xf32, #tpu.memory_space<hbm>>) dst(%arg6 : memref<80x128xf32, #tpu.memory_space<vmem>>)
        tpu.yield
      }) : () -> ()
      "tpu.region"() ({
        %run_scoped3A = tpu.sem_alloc : memref<!tpu.dma_semaphore, #tpu.memory_space<semaphore_mem>>
        %dma_start3A = arith.constant 0 : i32
        %dma_start3A_15 = tpu.memref_slice %arg4[%add3A_14, %dma_start3A] : memref<320000x128xf32, #tpu.memory_space<hbm>> -> memref<80x128xf32, #tpu.memory_space<hbm>>
        %dma_start3A_16 = arith.constant 0 : i32
        %dma_start3A_17 = tpu.memref_slice %arg4[%add3A_14, %dma_start3A_16] : memref<320000x128xf32, #tpu.memory_space<hbm>> -> memref<80x128xf32, #tpu.memory_space<hbm>>
        tpu.enqueue_dma source(%arg6 : memref<80x128xf32, #tpu.memory_space<vmem>>) target(%dma_start3A_17 : memref<80x128xf32, #tpu.memory_space<hbm>>) target_semaphore(%run_scoped3A : memref<!tpu.dma_semaphore, #tpu.memory_space<semaphore_mem>>)
        %dma_wait3A = arith.constant 0 : i32
        %dma_wait3A_18 = tpu.memref_slice %arg4[%add3A_14, %dma_wait3A] : memref<320000x128xf32, #tpu.memory_space<hbm>> -> memref<80x128xf32, #tpu.memory_space<hbm>>
        %dma_wait3A_19 = arith.constant 0 : i32
        %dma_wait3A_20 = tpu.memref_slice %arg4[%add3A_14, %dma_wait3A_19] : memref<320000x128xf32, #tpu.memory_space<hbm>> -> memref<80x128xf32, #tpu.memory_space<hbm>>
        tpu.wait_dma2 semaphore(%run_scoped3A : memref<!tpu.dma_semaphore, #tpu.memory_space<semaphore_mem>>) src(%arg6 : memref<80x128xf32, #tpu.memory_space<vmem>>) dst(%dma_wait3A_20 : memref<80x128xf32, #tpu.memory_space<hbm>>)
        tpu.yield
      }) : () -> ()
    }
    %scan3A_6 = arith.constant 125 : i32
    return
  }
}

#map = affine_map<(d0, d1) -> (0, 0)>
#map1 = affine_map<(d0, d1) -> (0)>
#map2 = affine_map<(d0, d1) -> (0, 0, 0)>
module attributes {stable_mosaic.version = 14 : i64} {
  func.func @k(%arg0: i32, %arg1: i32, %arg2: memref<320000x128xf32, #tpu.memory_space<hbm>>, %arg3: memref<320000xi32, #tpu.memory_space<hbm>>, %arg4: memref<2x10240x128xf32, #tpu.memory_space<hbm>>, %arg5: memref<80xi32, #tpu.memory_space<vmem>>, %arg6: memref<80x128xf32, #tpu.memory_space<vmem>>, %arg7: memref<10240x128xf32, #tpu.memory_space<vmem_shared>>) attributes {dimension_semantics = [#tpu.dimension_semantics<core_parallel>, #tpu.dimension_semantics<subcore_parallel>], iteration_bounds = array<i64: 2, 16>, scalar_prefetch = 0 : i64, scratch_operands = 3 : i64, tpu.core_type = #tpu.core_type<sc_vector_subcore>, window_params = [{transform_indices = #map}, {transform_indices = #map1}, {transform_indices = #map2}]} {
    %mul3A = arith.constant 2 : i32
    %mul3A_0 = arith.muli %arg1, %mul3A : i32
    %add3A = arith.addi %mul3A_0, %arg0 : i32
    %scan3A = arith.constant 0 : i32
    %scan3A_1 = arith.constant 80 : i32
    %scan3A_2 = arith.addi %scan3A, %scan3A_1 : i32
    %scan3A_3 = arith.constant 1 : i32
    scf.for %scan3A_20 = %scan3A to %scan3A_2 step %scan3A_3  : i32 {
      %mul3A_21 = arith.constant 1 : i32
      %mul3A_22 = arith.muli %scan3A_20, %mul3A_21 : i32
      %add3A_23 = arith.constant 0 : i32
      %add3A_24 = arith.addi %add3A_23, %mul3A_22 : i32
      %scan3A_25 = arith.constant 0 : i32
      %scan3A_26 = arith.constant 8 : i32
      %scan3A_27 = arith.addi %scan3A_25, %scan3A_26 : i32
      %scan3A_28 = arith.constant 1 : i32
      scf.for %scan3A_30 = %scan3A_25 to %scan3A_27 step %scan3A_28  : i32 {
        %mul3A_31 = arith.constant 16 : i32
        %mul3A_32 = arith.muli %scan3A_30, %mul3A_31 : i32
        %add3A_33 = arith.constant 0 : i32
        %add3A_34 = arith.addi %add3A_33, %mul3A_32 : i32
        %broadcast_in_dim3A = arith.constant 0.000000e+00 : f32
        %broadcast_in_dim3A_35 = vector.broadcast %broadcast_in_dim3A : f32 to vector<16xf32>
        %swap3A = arith.index_cast %add3A_24 : i32 to index
        %swap3A_36 = arith.index_cast %add3A_34 : i32 to index
        %swap3A_37 = tpu.vector_load %arg6[%swap3A, %swap3A_36] {strides = array<i32>} : memref<80x128xf32, #tpu.memory_space<vmem>>, vector<1x16xf32>,
        %swap3A_38 = vector.shape_cast %swap3A_37 : vector<1x16xf32> to vector<16xf32>
        %swap3A_39 = vector.shape_cast %broadcast_in_dim3A_35 : vector<16xf32> to vector<1x16xf32>
        tpu.vector_store %arg6[%swap3A, %swap3A_36], %swap3A_39 {strides = array<i32>} : memref<80x128xf32, #tpu.memory_space<vmem>>, vector<1x16xf32>,
      }
      %scan3A_29 = arith.constant 8 : i32
    }
    %scan3A_4 = arith.constant 80 : i32
    %scan3A_5 = arith.constant 0 : i32
    %scan3A_6 = arith.constant 8 : i32
    %scan3A_7 = arith.addi %scan3A_5, %scan3A_6 : i32
    %scan3A_8 = arith.constant 1 : i32
    scf.for %scan3A_20 = %scan3A_5 to %scan3A_7 step %scan3A_8  : i32 {
      %mul3A_21 = arith.constant 1 : i32
      %mul3A_22 = arith.muli %scan3A_20, %mul3A_21 : i32
      %add3A_23 = arith.constant 0 : i32
      %add3A_24 = arith.addi %add3A_23, %mul3A_22 : i32
      %mul3A_25 = arith.constant 640 : i32
      %mul3A_26 = arith.muli %arg1, %mul3A_25 : i32
      %mul3A_27 = arith.constant 80 : i32
      %mul3A_28 = arith.muli %add3A_24, %mul3A_27 : i32
      %add3A_29 = arith.addi %mul3A_26, %mul3A_28 : i32
      "tpu.region"() ({
        %run_scoped3A = tpu.sem_alloc : memref<!tpu.dma_semaphore, #tpu.memory_space<semaphore_mem>>
        %dma_start3A = arith.constant 0 : i32
        %dma_start3A_30 = tpu.memref_slice %arg7[%add3A_29, %dma_start3A] : memref<10240x128xf32, #tpu.memory_space<vmem_shared>> -> memref<80x128xf32, #tpu.memory_space<vmem_shared>>
        %dma_start3A_31 = arith.constant 0 : i32
        %dma_start3A_32 = tpu.memref_slice %arg7[%add3A_29, %dma_start3A_31] : memref<10240x128xf32, #tpu.memory_space<vmem_shared>> -> memref<80x128xf32, #tpu.memory_space<vmem_shared>>
        tpu.enqueue_dma source(%arg6 : memref<80x128xf32, #tpu.memory_space<vmem>>) target(%dma_start3A_32 : memref<80x128xf32, #tpu.memory_space<vmem_shared>>) target_semaphore(%run_scoped3A : memref<!tpu.dma_semaphore, #tpu.memory_space<semaphore_mem>>)
        %dma_wait3A = arith.constant 0 : i32
        %dma_wait3A_33 = tpu.memref_slice %arg7[%add3A_29, %dma_wait3A] : memref<10240x128xf32, #tpu.memory_space<vmem_shared>> -> memref<80x128xf32, #tpu.memory_space<vmem_shared>>
        %dma_wait3A_34 = arith.constant 0 : i32
        %dma_wait3A_35 = tpu.memref_slice %arg7[%add3A_29, %dma_wait3A_34] : memref<10240x128xf32, #tpu.memory_space<vmem_shared>> -> memref<80x128xf32, #tpu.memory_space<vmem_shared>>
        tpu.wait_dma2 semaphore(%run_scoped3A : memref<!tpu.dma_semaphore, #tpu.memory_space<semaphore_mem>>) src(%arg6 : memref<80x128xf32, #tpu.memory_space<vmem>>) dst(%dma_wait3A_35 : memref<80x128xf32, #tpu.memory_space<vmem_shared>>)
        tpu.yield
      }) : () -> ()
    }
    %scan3A_9 = arith.constant 8 : i32
    %barrier3A = arith.constant 0 : index
    tpu.barrier barrier_id(%barrier3A)
    %scan3A_10 = arith.constant 0 : i32
    %scan3A_11 = arith.constant 125 : i32
    %scan3A_12 = arith.addi %scan3A_10, %scan3A_11 : i32
    %scan3A_13 = arith.constant 1 : i32
    scf.for %scan3A_20 = %scan3A_10 to %scan3A_12 step %scan3A_13  : i32 {
      %mul3A_21 = arith.constant 1 : i32
      %mul3A_22 = arith.muli %scan3A_20, %mul3A_21 : i32
      %add3A_23 = arith.constant 0 : i32
      %add3A_24 = arith.addi %add3A_23, %mul3A_22 : i32
      %mul3A_25 = arith.constant 10000 : i32
      %mul3A_26 = arith.muli %add3A, %mul3A_25 : i32
      %mul3A_27 = arith.constant 80 : i32
      %mul3A_28 = arith.muli %add3A_24, %mul3A_27 : i32
      %add3A_29 = arith.addi %mul3A_26, %mul3A_28 : i32
      "tpu.region"() ({
        %run_scoped3A = tpu.sem_alloc : memref<!tpu.dma_semaphore, #tpu.memory_space<semaphore_mem>>
        %dma_start3A = tpu.memref_slice %arg3[%add3A_29] : memref<320000xi32, #tpu.memory_space<hbm>> -> memref<80xi32, #tpu.memory_space<hbm>>
        %dma_start3A_30 = tpu.memref_slice %arg3[%add3A_29] : memref<320000xi32, #tpu.memory_space<hbm>> -> memref<80xi32, #tpu.memory_space<hbm>>
        tpu.enqueue_dma source(%dma_start3A_30 : memref<80xi32, #tpu.memory_space<hbm>>) target(%arg5 : memref<80xi32, #tpu.memory_space<vmem>>) target_semaphore(%run_scoped3A : memref<!tpu.dma_semaphore, #tpu.memory_space<semaphore_mem>>)
        %dma_wait3A = tpu.memref_slice %arg3[%add3A_29] : memref<320000xi32, #tpu.memory_space<hbm>> -> memref<80xi32, #tpu.memory_space<hbm>>
        %dma_wait3A_31 = tpu.memref_slice %arg3[%add3A_29] : memref<320000xi32, #tpu.memory_space<hbm>> -> memref<80xi32, #tpu.memory_space<hbm>>
        tpu.wait_dma2 semaphore(%run_scoped3A : memref<!tpu.dma_semaphore, #tpu.memory_space<semaphore_mem>>) src(%dma_wait3A_31 : memref<80xi32, #tpu.memory_space<hbm>>) dst(%arg5 : memref<80xi32, #tpu.memory_space<vmem>>)
        tpu.yield
      }) : () -> ()
      "tpu.region"() ({
        %run_scoped3A = tpu.sem_alloc : memref<!tpu.dma_semaphore, #tpu.memory_space<semaphore_mem>>
        %dma_start3A = arith.constant 0 : i32
        %dma_start3A_30 = tpu.memref_slice %arg2[%add3A_29, %dma_start3A] : memref<320000x128xf32, #tpu.memory_space<hbm>> -> memref<80x128xf32, #tpu.memory_space<hbm>>
        %dma_start3A_31 = arith.constant 0 : i32
        %dma_start3A_32 = tpu.memref_slice %arg2[%add3A_29, %dma_start3A_31] : memref<320000x128xf32, #tpu.memory_space<hbm>> -> memref<80x128xf32, #tpu.memory_space<hbm>>
        tpu.enqueue_dma source(%dma_start3A_32 : memref<80x128xf32, #tpu.memory_space<hbm>>) target(%arg6 : memref<80x128xf32, #tpu.memory_space<vmem>>) target_semaphore(%run_scoped3A : memref<!tpu.dma_semaphore, #tpu.memory_space<semaphore_mem>>)
        %dma_wait3A = arith.constant 0 : i32
        %dma_wait3A_33 = tpu.memref_slice %arg2[%add3A_29, %dma_wait3A] : memref<320000x128xf32, #tpu.memory_space<hbm>> -> memref<80x128xf32, #tpu.memory_space<hbm>>
        %dma_wait3A_34 = arith.constant 0 : i32
        %dma_wait3A_35 = tpu.memref_slice %arg2[%add3A_29, %dma_wait3A_34] : memref<320000x128xf32, #tpu.memory_space<hbm>> -> memref<80x128xf32, #tpu.memory_space<hbm>>
        tpu.wait_dma2 semaphore(%run_scoped3A : memref<!tpu.dma_semaphore, #tpu.memory_space<semaphore_mem>>) src(%dma_wait3A_35 : memref<80x128xf32, #tpu.memory_space<hbm>>) dst(%arg6 : memref<80x128xf32, #tpu.memory_space<vmem>>)
        tpu.yield
      }) : () -> ()
      "tpu.region"() ({
        %run_scoped3A = tpu.sem_alloc : memref<!tpu.dma_semaphore, #tpu.memory_space<semaphore_mem>>
        %dma_start3A = arith.constant 0 : i32
        %dma_start3A_30 = arith.constant 0 : i32
        %dma_start3A_31 = tpu.memref_slice %arg7[%dma_start3A, %dma_start3A_30] : memref<10240x128xf32, #tpu.memory_space<vmem_shared>> -> memref<10240x128xf32, #tpu.memory_space<vmem_shared>>
        tpu.enqueue_indirect_dma source(%arg6 : memref<80x128xf32, #tpu.memory_space<vmem>>) target(%dma_start3A_31 : memref<10240x128xf32, #tpu.memory_space<vmem_shared>>) offsets(%arg5 : memref<80xi32, #tpu.memory_space<vmem>>) semaphore(%run_scoped3A : memref<!tpu.dma_semaphore, #tpu.memory_space<semaphore_mem>>) {add = true}
        %dma_wait3A = arith.constant 0 : i32
        %dma_wait3A_32 = arith.constant 0 : i32
        %dma_wait3A_33 = tpu.memref_slice %arg7[%dma_wait3A, %dma_wait3A_32] : memref<10240x128xf32, #tpu.memory_space<vmem_shared>> -> memref<10240x128xf32, #tpu.memory_space<vmem_shared>>
        tpu.wait_indirect_dma semaphore(%run_scoped3A : memref<!tpu.dma_semaphore, #tpu.memory_space<semaphore_mem>>) src(%arg6 : memref<80x128xf32, #tpu.memory_space<vmem>>) dst(%dma_wait3A_33 : memref<10240x128xf32, #tpu.memory_space<vmem_shared>>)
        tpu.yield
      }) : () -> ()
    }
    %scan3A_14 = arith.constant 125 : i32
    %barrier3A_15 = arith.constant 0 : index
    tpu.barrier barrier_id(%barrier3A_15)
    %mul3A_16 = arith.constant 640 : i32
    %mul3A_17 = arith.muli %arg1, %mul3A_16 : i32
    %mul3A_18 = arith.constant 640 : i32
    %mul3A_19 = arith.muli %arg1, %mul3A_18 : i32
    "tpu.region"() ({
      %run_scoped3A = tpu.sem_alloc : memref<!tpu.dma_semaphore, #tpu.memory_space<semaphore_mem>>
      %dma_start3A = arith.constant 0 : i32
      %dma_start3A_20 = tpu.memref_slice %arg4[%arg0, %mul3A_19, %dma_start3A] : memref<2x10240x128xf32, #tpu.memory_space<hbm>> -> memref<1x640x128xf32, #tpu.memory_space<hbm>>
      %dma_start3A_21 = tpu.memref_squeeze %dma_start3A_20 : memref<1x640x128xf32, #tpu.memory_space<hbm>> -> memref<640x128xf32, #tpu.memory_space<hbm>>
      %dma_start3A_22 = arith.constant 0 : i32
      %dma_start3A_23 = tpu.memref_slice %arg7[%mul3A_17, %dma_start3A_22] : memref<10240x128xf32, #tpu.memory_space<vmem_shared>> -> memref<640x128xf32, #tpu.memory_space<vmem_shared>>
      tpu.enqueue_dma source(%dma_start3A_23 : memref<640x128xf32, #tpu.memory_space<vmem_shared>>) target(%dma_start3A_21 : memref<640x128xf32, #tpu.memory_space<hbm>>) target_semaphore(%run_scoped3A : memref<!tpu.dma_semaphore, #tpu.memory_space<semaphore_mem>>)
      %dma_wait3A = arith.constant 0 : i32
      %dma_wait3A_24 = tpu.memref_slice %arg4[%arg0, %mul3A_19, %dma_wait3A] : memref<2x10240x128xf32, #tpu.memory_space<hbm>> -> memref<1x640x128xf32, #tpu.memory_space<hbm>>
      %dma_wait3A_25 = tpu.memref_squeeze %dma_wait3A_24 : memref<1x640x128xf32, #tpu.memory_space<hbm>> -> memref<640x128xf32, #tpu.memory_space<hbm>>
      %dma_wait3A_26 = arith.constant 0 : i32
      %dma_wait3A_27 = tpu.memref_slice %arg7[%mul3A_17, %dma_wait3A_26] : memref<10240x128xf32, #tpu.memory_space<vmem_shared>> -> memref<640x128xf32, #tpu.memory_space<vmem_shared>>
      tpu.wait_dma2 semaphore(%run_scoped3A : memref<!tpu.dma_semaphore, #tpu.memory_space<semaphore_mem>>) src(%dma_wait3A_27 : memref<640x128xf32, #tpu.memory_space<vmem_shared>>) dst(%dma_wait3A_25 : memref<640x128xf32, #tpu.memory_space<hbm>>)
      tpu.yield
    }) : () -> ()
    return
  }
}

#map = affine_map<(d0, d1) -> (0, 0)>
#map1 = affine_map<(d0, d1) -> (0)>
module attributes {stable_mosaic.version = 14 : i64} {
  func.func @k(%arg0: i32, %arg1: i32, %arg2: memref<10240x128xf32, #tpu.memory_space<hbm>>, %arg3: memref<320000xi32, #tpu.memory_space<hbm>>, %arg4: memref<320000x128xf32, #tpu.memory_space<hbm>>, %arg5: memref<80xi32, #tpu.memory_space<vmem>>, %arg6: memref<80x128xf32, #tpu.memory_space<vmem>>) attributes {dimension_semantics = [#tpu.dimension_semantics<core_parallel>, #tpu.dimension_semantics<subcore_parallel>], iteration_bounds = array<i64: 2, 16>, scalar_prefetch = 0 : i64, scratch_operands = 2 : i64, tpu.core_type = #tpu.core_type<sc_vector_subcore>, window_params = [{transform_indices = #map}, {transform_indices = #map1}, {transform_indices = #map}]} {
    %mul3A = arith.constant 2 : i32
    %mul3A_0 = arith.muli %arg1, %mul3A : i32
    %add3A = arith.addi %mul3A_0, %arg0 : i32
    %mul3A_1 = arith.constant 10000 : i32
    %mul3A_2 = arith.muli %add3A, %mul3A_1 : i32
    %scan3A = arith.constant 0 : i32
    %scan3A_3 = arith.constant 125 : i32
    %scan3A_4 = arith.addi %scan3A, %scan3A_3 : i32
    %scan3A_5 = arith.constant 1 : i32
    scf.for %scan3A_7 = %scan3A to %scan3A_4 step %scan3A_5  : i32 {
      %mul3A_8 = arith.constant 1 : i32
      %mul3A_9 = arith.muli %scan3A_7, %mul3A_8 : i32
      %add3A_10 = arith.constant 0 : i32
      %add3A_11 = arith.addi %add3A_10, %mul3A_9 : i32
      %mul3A_12 = arith.constant 80 : i32
      %mul3A_13 = arith.muli %add3A_11, %mul3A_12 : i32
      %add3A_14 = arith.addi %mul3A_2, %mul3A_13 : i32
      "tpu.region"() ({
        %run_scoped3A = tpu.sem_alloc : memref<!tpu.dma_semaphore, #tpu.memory_space<semaphore_mem>>
        %dma_start3A = tpu.memref_slice %arg3[%add3A_14] : memref<320000xi32, #tpu.memory_space<hbm>> -> memref<80xi32, #tpu.memory_space<hbm>>
        %dma_start3A_15 = tpu.memref_slice %arg3[%add3A_14] : memref<320000xi32, #tpu.memory_space<hbm>> -> memref<80xi32, #tpu.memory_space<hbm>>
        tpu.enqueue_dma source(%dma_start3A_15 : memref<80xi32, #tpu.memory_space<hbm>>) target(%arg5 : memref<80xi32, #tpu.memory_space<vmem>>) target_semaphore(%run_scoped3A : memref<!tpu.dma_semaphore, #tpu.memory_space<semaphore_mem>>)
        %dma_wait3A = tpu.memref_slice %arg3[%add3A_14] : memref<320000xi32, #tpu.memory_space<hbm>> -> memref<80xi32, #tpu.memory_space<hbm>>
        %dma_wait3A_16 = tpu.memref_slice %arg3[%add3A_14] : memref<320000xi32, #tpu.memory_space<hbm>> -> memref<80xi32, #tpu.memory_space<hbm>>
        tpu.wait_dma2 semaphore(%run_scoped3A : memref<!tpu.dma_semaphore, #tpu.memory_space<semaphore_mem>>) src(%dma_wait3A_16 : memref<80xi32, #tpu.memory_space<hbm>>) dst(%arg5 : memref<80xi32, #tpu.memory_space<vmem>>)
        tpu.yield
      }) : () -> ()
      "tpu.region"() ({
        %run_scoped3A = tpu.sem_alloc : memref<!tpu.dma_semaphore, #tpu.memory_space<semaphore_mem>>
        %dma_start3A = arith.constant 0 : i32
        %dma_start3A_15 = arith.constant 0 : i32
        %dma_start3A_16 = tpu.memref_slice %arg2[%dma_start3A, %dma_start3A_15] : memref<10240x128xf32, #tpu.memory_space<hbm>> -> memref<10240x128xf32, #tpu.memory_space<hbm>>
        tpu.enqueue_indirect_dma source(%dma_start3A_16 : memref<10240x128xf32, #tpu.memory_space<hbm>>) target(%arg6 : memref<80x128xf32, #tpu.memory_space<vmem>>) offsets(%arg5 : memref<80xi32, #tpu.memory_space<vmem>>) semaphore(%run_scoped3A : memref<!tpu.dma_semaphore, #tpu.memory_space<semaphore_mem>>)
        %dma_wait3A = arith.constant 0 : i32
        %dma_wait3A_17 = arith.constant 0 : i32
        %dma_wait3A_18 = tpu.memref_slice %arg2[%dma_wait3A, %dma_wait3A_17] : memref<10240x128xf32, #tpu.memory_space<hbm>> -> memref<10240x128xf32, #tpu.memory_space<hbm>>
        tpu.wait_indirect_dma semaphore(%run_scoped3A : memref<!tpu.dma_semaphore, #tpu.memory_space<semaphore_mem>>) src(%dma_wait3A_18 : memref<10240x128xf32, #tpu.memory_space<hbm>>) dst(%arg6 : memref<80x128xf32, #tpu.memory_space<vmem>>)
        tpu.yield
      }) : () -> ()
      "tpu.region"() ({
        %run_scoped3A = tpu.sem_alloc : memref<!tpu.dma_semaphore, #tpu.memory_space<semaphore_mem>>
        %dma_start3A = arith.constant 0 : i32
        %dma_start3A_15 = tpu.memref_slice %arg4[%add3A_14, %dma_start3A] : memref<320000x128xf32, #tpu.memory_space<hbm>> -> memref<80x128xf32, #tpu.memory_space<hbm>>
        %dma_start3A_16 = arith.constant 0 : i32
        %dma_start3A_17 = tpu.memref_slice %arg4[%add3A_14, %dma_start3A_16] : memref<320000x128xf32, #tpu.memory_space<hbm>> -> memref<80x128xf32, #tpu.memory_space<hbm>>
        tpu.enqueue_dma source(%arg6 : memref<80x128xf32, #tpu.memory_space<vmem>>) target(%dma_start3A_17 : memref<80x128xf32, #tpu.memory_space<hbm>>) target_semaphore(%run_scoped3A : memref<!tpu.dma_semaphore, #tpu.memory_space<semaphore_mem>>)
        %dma_wait3A = arith.constant 0 : i32
        %dma_wait3A_18 = tpu.memref_slice %arg4[%add3A_14, %dma_wait3A] : memref<320000x128xf32, #tpu.memory_space<hbm>> -> memref<80x128xf32, #tpu.memory_space<hbm>>
        %dma_wait3A_19 = arith.constant 0 : i32
        %dma_wait3A_20 = tpu.memref_slice %arg4[%add3A_14, %dma_wait3A_19] : memref<320000x128xf32, #tpu.memory_space<hbm>> -> memref<80x128xf32, #tpu.memory_space<hbm>>
        tpu.wait_dma2 semaphore(%run_scoped3A : memref<!tpu.dma_semaphore, #tpu.memory_space<semaphore_mem>>) src(%arg6 : memref<80x128xf32, #tpu.memory_space<vmem>>) dst(%dma_wait3A_20 : memref<80x128xf32, #tpu.memory_space<hbm>>)
        tpu.yield
      }) : () -> ()
    }
    %scan3A_6 = arith.constant 125 : i32
    return
  }
}

#map = affine_map<(d0, d1) -> (0, 0)>
#map1 = affine_map<(d0, d1) -> (0)>
#map2 = affine_map<(d0, d1) -> (0, 0, 0)>
module attributes {stable_mosaic.version = 14 : i64} {
  func.func @k(%arg0: i32, %arg1: i32, %arg2: memref<320000x128xf32, #tpu.memory_space<hbm>>, %arg3: memref<320000xi32, #tpu.memory_space<hbm>>, %arg4: memref<2x10240x128xf32, #tpu.memory_space<hbm>>, %arg5: memref<80xi32, #tpu.memory_space<vmem>>, %arg6: memref<80x128xf32, #tpu.memory_space<vmem>>, %arg7: memref<10240x128xf32, #tpu.memory_space<vmem_shared>>) attributes {dimension_semantics = [#tpu.dimension_semantics<core_parallel>, #tpu.dimension_semantics<subcore_parallel>], iteration_bounds = array<i64: 2, 16>, scalar_prefetch = 0 : i64, scratch_operands = 3 : i64, tpu.core_type = #tpu.core_type<sc_vector_subcore>, window_params = [{transform_indices = #map}, {transform_indices = #map1}, {transform_indices = #map2}]} {
    %mul3A = arith.constant 2 : i32
    %mul3A_0 = arith.muli %arg1, %mul3A : i32
    %add3A = arith.addi %mul3A_0, %arg0 : i32
    %scan3A = arith.constant 0 : i32
    %scan3A_1 = arith.constant 80 : i32
    %scan3A_2 = arith.addi %scan3A, %scan3A_1 : i32
    %scan3A_3 = arith.constant 1 : i32
    scf.for %scan3A_20 = %scan3A to %scan3A_2 step %scan3A_3  : i32 {
      %mul3A_21 = arith.constant 1 : i32
      %mul3A_22 = arith.muli %scan3A_20, %mul3A_21 : i32
      %add3A_23 = arith.constant 0 : i32
      %add3A_24 = arith.addi %add3A_23, %mul3A_22 : i32
      %scan3A_25 = arith.constant 0 : i32
      %scan3A_26 = arith.constant 8 : i32
      %scan3A_27 = arith.addi %scan3A_25, %scan3A_26 : i32
      %scan3A_28 = arith.constant 1 : i32
      scf.for %scan3A_30 = %scan3A_25 to %scan3A_27 step %scan3A_28  : i32 {
        %mul3A_31 = arith.constant 16 : i32
        %mul3A_32 = arith.muli %scan3A_30, %mul3A_31 : i32
        %add3A_33 = arith.constant 0 : i32
        %add3A_34 = arith.addi %add3A_33, %mul3A_32 : i32
        %broadcast_in_dim3A = arith.constant 0.000000e+00 : f32
        %broadcast_in_dim3A_35 = vector.broadcast %broadcast_in_dim3A : f32 to vector<16xf32>
        %swap3A = arith.index_cast %add3A_24 : i32 to index
        %swap3A_36 = arith.index_cast %add3A_34 : i32 to index
        %swap3A_37 = tpu.vector_load %arg6[%swap3A, %swap3A_36] {strides = array<i32>} : memref<80x128xf32, #tpu.memory_space<vmem>>, vector<1x16xf32>,
        %swap3A_38 = vector.shape_cast %swap3A_37 : vector<1x16xf32> to vector<16xf32>
        %swap3A_39 = vector.shape_cast %broadcast_in_dim3A_35 : vector<16xf32> to vector<1x16xf32>
        tpu.vector_store %arg6[%swap3A, %swap3A_36], %swap3A_39 {strides = array<i32>} : memref<80x128xf32, #tpu.memory_space<vmem>>, vector<1x16xf32>,
      }
      %scan3A_29 = arith.constant 8 : i32
    }
    %scan3A_4 = arith.constant 80 : i32
    %scan3A_5 = arith.constant 0 : i32
    %scan3A_6 = arith.constant 8 : i32
    %scan3A_7 = arith.addi %scan3A_5, %scan3A_6 : i32
    %scan3A_8 = arith.constant 1 : i32
    scf.for %scan3A_20 = %scan3A_5 to %scan3A_7 step %scan3A_8  : i32 {
      %mul3A_21 = arith.constant 1 : i32
      %mul3A_22 = arith.muli %scan3A_20, %mul3A_21 : i32
      %add3A_23 = arith.constant 0 : i32
      %add3A_24 = arith.addi %add3A_23, %mul3A_22 : i32
      %mul3A_25 = arith.constant 640 : i32
      %mul3A_26 = arith.muli %arg1, %mul3A_25 : i32
      %mul3A_27 = arith.constant 80 : i32
      %mul3A_28 = arith.muli %add3A_24, %mul3A_27 : i32
      %add3A_29 = arith.addi %mul3A_26, %mul3A_28 : i32
      "tpu.region"() ({
        %run_scoped3A = tpu.sem_alloc : memref<!tpu.dma_semaphore, #tpu.memory_space<semaphore_mem>>
        %dma_start3A = arith.constant 0 : i32
        %dma_start3A_30 = tpu.memref_slice %arg7[%add3A_29, %dma_start3A] : memref<10240x128xf32, #tpu.memory_space<vmem_shared>> -> memref<80x128xf32, #tpu.memory_space<vmem_shared>>
        %dma_start3A_31 = arith.constant 0 : i32
        %dma_start3A_32 = tpu.memref_slice %arg7[%add3A_29, %dma_start3A_31] : memref<10240x128xf32, #tpu.memory_space<vmem_shared>> -> memref<80x128xf32, #tpu.memory_space<vmem_shared>>
        tpu.enqueue_dma source(%arg6 : memref<80x128xf32, #tpu.memory_space<vmem>>) target(%dma_start3A_32 : memref<80x128xf32, #tpu.memory_space<vmem_shared>>) target_semaphore(%run_scoped3A : memref<!tpu.dma_semaphore, #tpu.memory_space<semaphore_mem>>)
        %dma_wait3A = arith.constant 0 : i32
        %dma_wait3A_33 = tpu.memref_slice %arg7[%add3A_29, %dma_wait3A] : memref<10240x128xf32, #tpu.memory_space<vmem_shared>> -> memref<80x128xf32, #tpu.memory_space<vmem_shared>>
        %dma_wait3A_34 = arith.constant 0 : i32
        %dma_wait3A_35 = tpu.memref_slice %arg7[%add3A_29, %dma_wait3A_34] : memref<10240x128xf32, #tpu.memory_space<vmem_shared>> -> memref<80x128xf32, #tpu.memory_space<vmem_shared>>
        tpu.wait_dma2 semaphore(%run_scoped3A : memref<!tpu.dma_semaphore, #tpu.memory_space<semaphore_mem>>) src(%arg6 : memref<80x128xf32, #tpu.memory_space<vmem>>) dst(%dma_wait3A_35 : memref<80x128xf32, #tpu.memory_space<vmem_shared>>)
        tpu.yield
      }) : () -> ()
    }
    %scan3A_9 = arith.constant 8 : i32
    %barrier3A = arith.constant 0 : index
    tpu.barrier barrier_id(%barrier3A)
    %scan3A_10 = arith.constant 0 : i32
    %scan3A_11 = arith.constant 125 : i32
    %scan3A_12 = arith.addi %scan3A_10, %scan3A_11 : i32
    %scan3A_13 = arith.constant 1 : i32
    scf.for %scan3A_20 = %scan3A_10 to %scan3A_12 step %scan3A_13  : i32 {
      %mul3A_21 = arith.constant 1 : i32
      %mul3A_22 = arith.muli %scan3A_20, %mul3A_21 : i32
      %add3A_23 = arith.constant 0 : i32
      %add3A_24 = arith.addi %add3A_23, %mul3A_22 : i32
      %mul3A_25 = arith.constant 10000 : i32
      %mul3A_26 = arith.muli %add3A, %mul3A_25 : i32
      %mul3A_27 = arith.constant 80 : i32
      %mul3A_28 = arith.muli %add3A_24, %mul3A_27 : i32
      %add3A_29 = arith.addi %mul3A_26, %mul3A_28 : i32
      "tpu.region"() ({
        %run_scoped3A = tpu.sem_alloc : memref<!tpu.dma_semaphore, #tpu.memory_space<semaphore_mem>>
        %dma_start3A = tpu.memref_slice %arg3[%add3A_29] : memref<320000xi32, #tpu.memory_space<hbm>> -> memref<80xi32, #tpu.memory_space<hbm>>
        %dma_start3A_30 = tpu.memref_slice %arg3[%add3A_29] : memref<320000xi32, #tpu.memory_space<hbm>> -> memref<80xi32, #tpu.memory_space<hbm>>
        tpu.enqueue_dma source(%dma_start3A_30 : memref<80xi32, #tpu.memory_space<hbm>>) target(%arg5 : memref<80xi32, #tpu.memory_space<vmem>>) target_semaphore(%run_scoped3A : memref<!tpu.dma_semaphore, #tpu.memory_space<semaphore_mem>>)
        %dma_wait3A = tpu.memref_slice %arg3[%add3A_29] : memref<320000xi32, #tpu.memory_space<hbm>> -> memref<80xi32, #tpu.memory_space<hbm>>
        %dma_wait3A_31 = tpu.memref_slice %arg3[%add3A_29] : memref<320000xi32, #tpu.memory_space<hbm>> -> memref<80xi32, #tpu.memory_space<hbm>>
        tpu.wait_dma2 semaphore(%run_scoped3A : memref<!tpu.dma_semaphore, #tpu.memory_space<semaphore_mem>>) src(%dma_wait3A_31 : memref<80xi32, #tpu.memory_space<hbm>>) dst(%arg5 : memref<80xi32, #tpu.memory_space<vmem>>)
        tpu.yield
      }) : () -> ()
      "tpu.region"() ({
        %run_scoped3A = tpu.sem_alloc : memref<!tpu.dma_semaphore, #tpu.memory_space<semaphore_mem>>
        %dma_start3A = arith.constant 0 : i32
        %dma_start3A_30 = tpu.memref_slice %arg2[%add3A_29, %dma_start3A] : memref<320000x128xf32, #tpu.memory_space<hbm>> -> memref<80x128xf32, #tpu.memory_space<hbm>>
        %dma_start3A_31 = arith.constant 0 : i32
        %dma_start3A_32 = tpu.memref_slice %arg2[%add3A_29, %dma_start3A_31] : memref<320000x128xf32, #tpu.memory_space<hbm>> -> memref<80x128xf32, #tpu.memory_space<hbm>>
        tpu.enqueue_dma source(%dma_start3A_32 : memref<80x128xf32, #tpu.memory_space<hbm>>) target(%arg6 : memref<80x128xf32, #tpu.memory_space<vmem>>) target_semaphore(%run_scoped3A : memref<!tpu.dma_semaphore, #tpu.memory_space<semaphore_mem>>)
        %dma_wait3A = arith.constant 0 : i32
        %dma_wait3A_33 = tpu.memref_slice %arg2[%add3A_29, %dma_wait3A] : memref<320000x128xf32, #tpu.memory_space<hbm>> -> memref<80x128xf32, #tpu.memory_space<hbm>>
        %dma_wait3A_34 = arith.constant 0 : i32
        %dma_wait3A_35 = tpu.memref_slice %arg2[%add3A_29, %dma_wait3A_34] : memref<320000x128xf32, #tpu.memory_space<hbm>> -> memref<80x128xf32, #tpu.memory_space<hbm>>
        tpu.wait_dma2 semaphore(%run_scoped3A : memref<!tpu.dma_semaphore, #tpu.memory_space<semaphore_mem>>) src(%dma_wait3A_35 : memref<80x128xf32, #tpu.memory_space<hbm>>) dst(%arg6 : memref<80x128xf32, #tpu.memory_space<vmem>>)
        tpu.yield
      }) : () -> ()
      "tpu.region"() ({
        %run_scoped3A = tpu.sem_alloc : memref<!tpu.dma_semaphore, #tpu.memory_space<semaphore_mem>>
        %dma_start3A = arith.constant 0 : i32
        %dma_start3A_30 = arith.constant 0 : i32
        %dma_start3A_31 = tpu.memref_slice %arg7[%dma_start3A, %dma_start3A_30] : memref<10240x128xf32, #tpu.memory_space<vmem_shared>> -> memref<10240x128xf32, #tpu.memory_space<vmem_shared>>
        tpu.enqueue_indirect_dma source(%arg6 : memref<80x128xf32, #tpu.memory_space<vmem>>) target(%dma_start3A_31 : memref<10240x128xf32, #tpu.memory_space<vmem_shared>>) offsets(%arg5 : memref<80xi32, #tpu.memory_space<vmem>>) semaphore(%run_scoped3A : memref<!tpu.dma_semaphore, #tpu.memory_space<semaphore_mem>>) {add = true}
        %dma_wait3A = arith.constant 0 : i32
        %dma_wait3A_32 = arith.constant 0 : i32
        %dma_wait3A_33 = tpu.memref_slice %arg7[%dma_wait3A, %dma_wait3A_32] : memref<10240x128xf32, #tpu.memory_space<vmem_shared>> -> memref<10240x128xf32, #tpu.memory_space<vmem_shared>>
        tpu.wait_indirect_dma semaphore(%run_scoped3A : memref<!tpu.dma_semaphore, #tpu.memory_space<semaphore_mem>>) src(%arg6 : memref<80x128xf32, #tpu.memory_space<vmem>>) dst(%dma_wait3A_33 : memref<10240x128xf32, #tpu.memory_space<vmem_shared>>)
        tpu.yield
      }) : () -> ()
    }
    %scan3A_14 = arith.constant 125 : i32
    %barrier3A_15 = arith.constant 0 : index
    tpu.barrier barrier_id(%barrier3A_15)
    %mul3A_16 = arith.constant 640 : i32
    %mul3A_17 = arith.muli %arg1, %mul3A_16 : i32
    %mul3A_18 = arith.constant 640 : i32
    %mul3A_19 = arith.muli %arg1, %mul3A_18 : i32
    "tpu.region"() ({
      %run_scoped3A = tpu.sem_alloc : memref<!tpu.dma_semaphore, #tpu.memory_space<semaphore_mem>>
      %dma_start3A = arith.constant 0 : i32
      %dma_start3A_20 = tpu.memref_slice %arg4[%arg0, %mul3A_19, %dma_start3A] : memref<2x10240x128xf32, #tpu.memory_space<hbm>> -> memref<1x640x128xf32, #tpu.memory_space<hbm>>
      %dma_start3A_21 = tpu.memref_squeeze %dma_start3A_20 : memref<1x640x128xf32, #tpu.memory_space<hbm>> -> memref<640x128xf32, #tpu.memory_space<hbm>>
      %dma_start3A_22 = arith.constant 0 : i32
      %dma_start3A_23 = tpu.memref_slice %arg7[%mul3A_17, %dma_start3A_22] : memref<10240x128xf32, #tpu.memory_space<vmem_shared>> -> memref<640x128xf32, #tpu.memory_space<vmem_shared>>
      tpu.enqueue_dma source(%dma_start3A_23 : memref<640x128xf32, #tpu.memory_space<vmem_shared>>) target(%dma_start3A_21 : memref<640x128xf32, #tpu.memory_space<hbm>>) target_semaphore(%run_scoped3A : memref<!tpu.dma_semaphore, #tpu.memory_space<semaphore_mem>>)
      %dma_wait3A = arith.constant 0 : i32
      %dma_wait3A_24 = tpu.memref_slice %arg4[%arg0, %mul3A_19, %dma_wait3A] : memref<2x10240x128xf32, #tpu.memory_space<hbm>> -> memref<1x640x128xf32, #tpu.memory_space<hbm>>
      %dma_wait3A_25 = tpu.memref_squeeze %dma_wait3A_24 : memref<1x640x128xf32, #tpu.memory_space<hbm>> -> memref<640x128xf32, #tpu.memory_space<hbm>>
      %dma_wait3A_26 = arith.constant 0 : i32
      %dma_wait3A_27 = tpu.memref_slice %arg7[%mul3A_17, %dma_wait3A_26] : memref<10240x128xf32, #tpu.memory_space<vmem_shared>> -> memref<640x128xf32, #tpu.memory_space<vmem_shared>>
      tpu.wait_dma2 semaphore(%run_scoped3A : memref<!tpu.dma_semaphore, #tpu.memory_space<semaphore_mem>>) src(%dma_wait3A_27 : memref<640x128xf32, #tpu.memory_space<vmem_shared>>) dst(%dma_wait3A_25 : memref<640x128xf32, #tpu.memory_space<hbm>>)
      tpu.yield
    }) : () -> ()
    return
  }
}

module attributes {stable_mosaic.version = 14 : i64} {
  func.func @_mlp2_body(%arg0: i32, %arg1: memref<1024x32xf32, #tpu.memory_space<vmem>>, %arg2: memref<32x128xf32, #tpu.memory_space<vmem>>, %arg3: memref<1x128xf32, #tpu.memory_space<vmem>>, %arg4: memref<128x128xf32, #tpu.memory_space<vmem>>, %arg5: memref<1x128xf32, #tpu.memory_space<vmem>>, %arg6: memref<1024x128xf32, #tpu.memory_space<vmem>>) attributes {dimension_semantics = [#tpu.dimension_semantics<arbitrary>], iteration_bounds = array<i64: 10>, scalar_prefetch = 0 : i64, scratch_operands = 0 : i64, tpu.core_type = #tpu.core_type<tc>, window_params = [{transform_indices = @transform_0, window_bounds = array<i64: 1024, 32>}, {pipeline_mode = #tpu.pipeline_mode<synchronous>, transform_indices = @transform_1, window_bounds = array<i64: 32, 128>}, {pipeline_mode = #tpu.pipeline_mode<synchronous>, transform_indices = @transform_2, window_bounds = array<i64: 1, 128>}, {pipeline_mode = #tpu.pipeline_mode<synchronous>, transform_indices = @transform_3, window_bounds = array<i64: 128, 128>}, {pipeline_mode = #tpu.pipeline_mode<synchronous>, transform_indices = @transform_4, window_bounds = array<i64: 1, 128>}, {transform_indices = @transform_5, window_bounds = array<i64: 1024, 128>}]} {
    %get3A = arith.constant 0 : index
    %get3A_0 = arith.constant 0 : index
    %get3A_1 = vector.load %arg1[%get3A, %get3A_0] : memref<1024x32xf32, #tpu.memory_space<vmem>>, vector<1024x32xf32>
    %get3A_2 = arith.constant 0 : index
    %get3A_3 = arith.constant 0 : index
    %get3A_4 = vector.load %arg2[%get3A_2, %get3A_3] : memref<32x128xf32, #tpu.memory_space<vmem>>, vector<32x128xf32>
    %dot_general3A = arith.constant dense<0.000000e+00> : vector<1024x128xf32>
    %dot_general3A_5 = tpu.matmul %get3A_1, %get3A_4, %dot_general3A {dimension_numbers = #tpu.dot_dimension_numbers<[1], [0], [0], [1], [0, 0, 1, 1], [], []>, transpose_lhs_hint = false} : vector<1024x32xf32>, vector<32x128xf32>, vector<1024x128xf32> -> vector<1024x128xf32>
    %get3A_6 = arith.constant 0 : index
    %get3A_7 = arith.constant 0 : index
    %get3A_8 = vector.load %arg3[%get3A_6, %get3A_7] : memref<1x128xf32, #tpu.memory_space<vmem>>, vector<1x128xf32>
    %add3A = vector.broadcast %get3A_8 : vector<1x128xf32> to vector<1024x128xf32>
    %add3A_9 = arith.addf %dot_general3A_5, %add3A : vector<1024x128xf32>
    %integer_pow3A = arith.mulf %add3A_9, %add3A_9 : vector<1024x128xf32>
    %integer_pow3A_10 = arith.mulf %add3A_9, %integer_pow3A : vector<1024x128xf32>
    %mul3A = arith.constant 4.471500e-02 : f32
    %mul3A_11 = vector.broadcast %mul3A : f32 to vector<1024x128xf32>
    %mul3A_12 = arith.mulf %mul3A_11, %integer_pow3A_10 : vector<1024x128xf32>
    %add3A_13 = arith.addf %add3A_9, %mul3A_12 : vector<1024x128xf32>
    %mul3A_14 = arith.constant 0.797884583 : f32
    %mul3A_15 = vector.broadcast %mul3A_14 : f32 to vector<1024x128xf32>
    %mul3A_16 = arith.mulf %mul3A_15, %add3A_13 : vector<1024x128xf32>
    %tanh3A = math.tanh %mul3A_16 : vector<1024x128xf32>
    %add3A_17 = arith.constant 1.000000e+00 : f32
    %add3A_18 = vector.broadcast %add3A_17 : f32 to vector<1024x128xf32>
    %add3A_19 = arith.addf %add3A_18, %tanh3A : vector<1024x128xf32>
    %mul3A_20 = arith.constant 5.000000e-01 : f32
    %mul3A_21 = vector.broadcast %mul3A_20 : f32 to vector<1024x128xf32>
    %mul3A_22 = arith.mulf %mul3A_21, %add3A_19 : vector<1024x128xf32>
    %mul3A_23 = arith.mulf %add3A_9, %mul3A_22 : vector<1024x128xf32>
    %get3A_24 = arith.constant 0 : index
    %get3A_25 = arith.constant 0 : index
    %get3A_26 = vector.load %arg4[%get3A_24, %get3A_25] : memref<128x128xf32, #tpu.memory_space<vmem>>, vector<128x128xf32>
    %dot_general3A_27 = arith.constant dense<0.000000e+00> : vector<1024x128xf32>
    %dot_general3A_28 = tpu.matmul %mul3A_23, %get3A_26, %dot_general3A_27 {dimension_numbers = #tpu.dot_dimension_numbers<[1], [0], [0], [1], [0, 0, 1, 1], [], []>, transpose_lhs_hint = false} : vector<1024x128xf32>, vector<128x128xf32>, vector<1024x128xf32> -> vector<1024x128xf32>
    %get3A_29 = arith.constant 0 : index
    %get3A_30 = arith.constant 0 : index
    %get3A_31 = vector.load %arg5[%get3A_29, %get3A_30] : memref<1x128xf32, #tpu.memory_space<vmem>>, vector<1x128xf32>
    %add3A_32 = vector.broadcast %get3A_31 : vector<1x128xf32> to vector<1024x128xf32>
    %add3A_33 = arith.addf %dot_general3A_28, %add3A_32 : vector<1024x128xf32>
    %swap3A = arith.constant 0 : index
    %swap3A_34 = arith.constant 0 : index
    %swap3A_35 = vector.load %arg6[%swap3A, %swap3A_34] : memref<1024x128xf32, #tpu.memory_space<vmem>>, vector<1024x128xf32>
    tpu.vector_store %arg6[%swap3A, %swap3A_34], %add3A_33 {strides = array<i32>} : memref<1024x128xf32, #tpu.memory_space<vmem>>, vector<1024x128xf32>,
    return
  }
  func.func @transform_0(%arg0: i32) -> (i32, i32) {
    %c0_i32 = arith.constant 0 : i32
    %c0_i32_0 = arith.constant 0 : i32
    return %arg0, %c0_i32 : i32, i32
  }
  func.func @transform_1(%arg0: i32) -> (i32, i32) {
    %c0_i32 = arith.constant 0 : i32
    %c0_i32_0 = arith.constant 0 : i32
    %c0_i32_1 = arith.constant 0 : i32
    return %c0_i32, %c0_i32_0 : i32, i32
  }
  func.func @transform_2(%arg0: i32) -> (i32, i32) {
    %c0_i32 = arith.constant 0 : i32
    %c0_i32_0 = arith.constant 0 : i32
    %c0_i32_1 = arith.constant 0 : i32
    return %c0_i32, %c0_i32_0 : i32, i32
  }
  func.func @transform_3(%arg0: i32) -> (i32, i32) {
    %c0_i32 = arith.constant 0 : i32
    %c0_i32_0 = arith.constant 0 : i32
    %c0_i32_1 = arith.constant 0 : i32
    return %c0_i32, %c0_i32_0 : i32, i32
  }
  func.func @transform_4(%arg0: i32) -> (i32, i32) {
    %c0_i32 = arith.constant 0 : i32
    %c0_i32_0 = arith.constant 0 : i32
    %c0_i32_1 = arith.constant 0 : i32
    return %c0_i32, %c0_i32_0 : i32, i32
  }
  func.func @transform_5(%arg0: i32) -> (i32, i32) {
    %c0_i32 = arith.constant 0 : i32
    %c0_i32_0 = arith.constant 0 : i32
    return %arg0, %c0_i32 : i32, i32
  }
}

module attributes {stable_mosaic.version = 14 : i64} {
  func.func @_mlp2_body(%arg0: i32, %arg1: memref<1024x128xf32, #tpu.memory_space<vmem>>, %arg2: memref<128x128xf32, #tpu.memory_space<vmem>>, %arg3: memref<1x128xf32, #tpu.memory_space<vmem>>, %arg4: memref<128x128xf32, #tpu.memory_space<vmem>>, %arg5: memref<1x128xf32, #tpu.memory_space<vmem>>, %arg6: memref<1024x128xf32, #tpu.memory_space<vmem>>) attributes {dimension_semantics = [#tpu.dimension_semantics<arbitrary>], iteration_bounds = array<i64: 10>, scalar_prefetch = 0 : i64, scratch_operands = 0 : i64, tpu.core_type = #tpu.core_type<tc>, window_params = [{transform_indices = @transform_0, window_bounds = array<i64: 1024, 128>}, {pipeline_mode = #tpu.pipeline_mode<synchronous>, transform_indices = @transform_1, window_bounds = array<i64: 128, 128>}, {pipeline_mode = #tpu.pipeline_mode<synchronous>, transform_indices = @transform_2, window_bounds = array<i64: 1, 128>}, {pipeline_mode = #tpu.pipeline_mode<synchronous>, transform_indices = @transform_3, window_bounds = array<i64: 128, 128>}, {pipeline_mode = #tpu.pipeline_mode<synchronous>, transform_indices = @transform_4, window_bounds = array<i64: 1, 128>}, {transform_indices = @transform_5, window_bounds = array<i64: 1024, 128>}]} {
    %get3A = arith.constant 0 : index
    %get3A_0 = arith.constant 0 : index
    %get3A_1 = vector.load %arg1[%get3A, %get3A_0] : memref<1024x128xf32, #tpu.memory_space<vmem>>, vector<1024x128xf32>
    %get3A_2 = arith.constant 0 : index
    %get3A_3 = arith.constant 0 : index
    %get3A_4 = vector.load %arg2[%get3A_2, %get3A_3] : memref<128x128xf32, #tpu.memory_space<vmem>>, vector<128x128xf32>
    %dot_general3A = arith.constant dense<0.000000e+00> : vector<1024x128xf32>
    %dot_general3A_5 = tpu.matmul %get3A_1, %get3A_4, %dot_general3A {dimension_numbers = #tpu.dot_dimension_numbers<[1], [0], [0], [1], [0, 0, 1, 1], [], []>, transpose_lhs_hint = false} : vector<1024x128xf32>, vector<128x128xf32>, vector<1024x128xf32> -> vector<1024x128xf32>
    %get3A_6 = arith.constant 0 : index
    %get3A_7 = arith.constant 0 : index
    %get3A_8 = vector.load %arg3[%get3A_6, %get3A_7] : memref<1x128xf32, #tpu.memory_space<vmem>>, vector<1x128xf32>
    %add3A = vector.broadcast %get3A_8 : vector<1x128xf32> to vector<1024x128xf32>
    %add3A_9 = arith.addf %dot_general3A_5, %add3A : vector<1024x128xf32>
    %integer_pow3A = arith.mulf %add3A_9, %add3A_9 : vector<1024x128xf32>
    %integer_pow3A_10 = arith.mulf %add3A_9, %integer_pow3A : vector<1024x128xf32>
    %mul3A = arith.constant 4.471500e-02 : f32
    %mul3A_11 = vector.broadcast %mul3A : f32 to vector<1024x128xf32>
    %mul3A_12 = arith.mulf %mul3A_11, %integer_pow3A_10 : vector<1024x128xf32>
    %add3A_13 = arith.addf %add3A_9, %mul3A_12 : vector<1024x128xf32>
    %mul3A_14 = arith.constant 0.797884583 : f32
    %mul3A_15 = vector.broadcast %mul3A_14 : f32 to vector<1024x128xf32>
    %mul3A_16 = arith.mulf %mul3A_15, %add3A_13 : vector<1024x128xf32>
    %tanh3A = math.tanh %mul3A_16 : vector<1024x128xf32>
    %add3A_17 = arith.constant 1.000000e+00 : f32
    %add3A_18 = vector.broadcast %add3A_17 : f32 to vector<1024x128xf32>
    %add3A_19 = arith.addf %add3A_18, %tanh3A : vector<1024x128xf32>
    %mul3A_20 = arith.constant 5.000000e-01 : f32
    %mul3A_21 = vector.broadcast %mul3A_20 : f32 to vector<1024x128xf32>
    %mul3A_22 = arith.mulf %mul3A_21, %add3A_19 : vector<1024x128xf32>
    %mul3A_23 = arith.mulf %add3A_9, %mul3A_22 : vector<1024x128xf32>
    %get3A_24 = arith.constant 0 : index
    %get3A_25 = arith.constant 0 : index
    %get3A_26 = vector.load %arg4[%get3A_24, %get3A_25] : memref<128x128xf32, #tpu.memory_space<vmem>>, vector<128x128xf32>
    %dot_general3A_27 = arith.constant dense<0.000000e+00> : vector<1024x128xf32>
    %dot_general3A_28 = tpu.matmul %mul3A_23, %get3A_26, %dot_general3A_27 {dimension_numbers = #tpu.dot_dimension_numbers<[1], [0], [0], [1], [0, 0, 1, 1], [], []>, transpose_lhs_hint = false} : vector<1024x128xf32>, vector<128x128xf32>, vector<1024x128xf32> -> vector<1024x128xf32>
    %get3A_29 = arith.constant 0 : index
    %get3A_30 = arith.constant 0 : index
    %get3A_31 = vector.load %arg5[%get3A_29, %get3A_30] : memref<1x128xf32, #tpu.memory_space<vmem>>, vector<1x128xf32>
    %add3A_32 = vector.broadcast %get3A_31 : vector<1x128xf32> to vector<1024x128xf32>
    %add3A_33 = arith.addf %dot_general3A_28, %add3A_32 : vector<1024x128xf32>
    %swap3A = arith.constant 0 : index
    %swap3A_34 = arith.constant 0 : index
    %swap3A_35 = vector.load %arg6[%swap3A, %swap3A_34] : memref<1024x128xf32, #tpu.memory_space<vmem>>, vector<1024x128xf32>
    tpu.vector_store %arg6[%swap3A, %swap3A_34], %add3A_33 {strides = array<i32>} : memref<1024x128xf32, #tpu.memory_space<vmem>>, vector<1024x128xf32>,
    return
  }
  func.func @transform_0(%arg0: i32) -> (i32, i32) {
    %c0_i32 = arith.constant 0 : i32
    %c0_i32_0 = arith.constant 0 : i32
    return %arg0, %c0_i32 : i32, i32
  }
  func.func @transform_1(%arg0: i32) -> (i32, i32) {
    %c0_i32 = arith.constant 0 : i32
    %c0_i32_0 = arith.constant 0 : i32
    %c0_i32_1 = arith.constant 0 : i32
    return %c0_i32, %c0_i32_0 : i32, i32
  }
  func.func @transform_2(%arg0: i32) -> (i32, i32) {
    %c0_i32 = arith.constant 0 : i32
    %c0_i32_0 = arith.constant 0 : i32
    %c0_i32_1 = arith.constant 0 : i32
    return %c0_i32, %c0_i32_0 : i32, i32
  }
  func.func @transform_3(%arg0: i32) -> (i32, i32) {
    %c0_i32 = arith.constant 0 : i32
    %c0_i32_0 = arith.constant 0 : i32
    %c0_i32_1 = arith.constant 0 : i32
    return %c0_i32, %c0_i32_0 : i32, i32
  }
  func.func @transform_4(%arg0: i32) -> (i32, i32) {
    %c0_i32 = arith.constant 0 : i32
    %c0_i32_0 = arith.constant 0 : i32
    %c0_i32_1 = arith.constant 0 : i32
    return %c0_i32, %c0_i32_0 : i32, i32
  }
  func.func @transform_5(%arg0: i32) -> (i32, i32) {
    %c0_i32 = arith.constant 0 : i32
    %c0_i32_0 = arith.constant 0 : i32
    return %arg0, %c0_i32 : i32, i32
  }
}

module attributes {stable_mosaic.version = 14 : i64} {
  func.func @_edge_body(%arg0: i32, %arg1: memref<2000x16xf32, #tpu.memory_space<vmem>>, %arg2: memref<2000x128xf32, #tpu.memory_space<vmem>>, %arg3: memref<16x128xf32, #tpu.memory_space<vmem>>, %arg4: memref<1x128xf32, #tpu.memory_space<vmem>>, %arg5: memref<128x128xf32, #tpu.memory_space<vmem>>, %arg6: memref<1x128xf32, #tpu.memory_space<vmem>>, %arg7: memref<2000x128xf32, #tpu.memory_space<vmem>>) attributes {dimension_semantics = [#tpu.dimension_semantics<arbitrary>], iteration_bounds = array<i64: 160>, scalar_prefetch = 0 : i64, scratch_operands = 0 : i64, tpu.core_type = #tpu.core_type<tc>, window_params = [{transform_indices = @transform_0, window_bounds = array<i64: 2000, 16>}, {transform_indices = @transform_1, window_bounds = array<i64: 2000, 128>}, {pipeline_mode = #tpu.pipeline_mode<synchronous>, transform_indices = @transform_2, window_bounds = array<i64: 16, 128>}, {pipeline_mode = #tpu.pipeline_mode<synchronous>, transform_indices = @transform_3, window_bounds = array<i64: 1, 128>}, {pipeline_mode = #tpu.pipeline_mode<synchronous>, transform_indices = @transform_4, window_bounds = array<i64: 128, 128>}, {pipeline_mode = #tpu.pipeline_mode<synchronous>, transform_indices = @transform_5, window_bounds = array<i64: 1, 128>}, {transform_indices = @transform_6, window_bounds = array<i64: 2000, 128>}]} {
    %get3A = arith.constant 0 : index
    %get3A_0 = arith.constant 0 : index
    %get3A_1 = vector.load %arg1[%get3A, %get3A_0] : memref<2000x16xf32, #tpu.memory_space<vmem>>, vector<2000x16xf32>
    %get3A_2 = arith.constant 0 : index
    %get3A_3 = arith.constant 0 : index
    %get3A_4 = vector.load %arg3[%get3A_2, %get3A_3] : memref<16x128xf32, #tpu.memory_space<vmem>>, vector<16x128xf32>
    %dot_general3A = arith.constant dense<0.000000e+00> : vector<2000x128xf32>
    %dot_general3A_5 = tpu.matmul %get3A_1, %get3A_4, %dot_general3A {dimension_numbers = #tpu.dot_dimension_numbers<[1], [0], [0], [1], [0, 0, 1, 1], [], []>, transpose_lhs_hint = false} : vector<2000x16xf32>, vector<16x128xf32>, vector<2000x128xf32> -> vector<2000x128xf32>
    %get3A_6 = arith.constant 0 : index
    %get3A_7 = arith.constant 0 : index
    %get3A_8 = vector.load %arg4[%get3A_6, %get3A_7] : memref<1x128xf32, #tpu.memory_space<vmem>>, vector<1x128xf32>
    %add3A = vector.broadcast %get3A_8 : vector<1x128xf32> to vector<2000x128xf32>
    %add3A_9 = arith.addf %dot_general3A_5, %add3A : vector<2000x128xf32>
    %integer_pow3A = arith.mulf %add3A_9, %add3A_9 : vector<2000x128xf32>
    %integer_pow3A_10 = arith.mulf %add3A_9, %integer_pow3A : vector<2000x128xf32>
    %mul3A = arith.constant 4.471500e-02 : f32
    %mul3A_11 = vector.broadcast %mul3A : f32 to vector<2000x128xf32>
    %mul3A_12 = arith.mulf %mul3A_11, %integer_pow3A_10 : vector<2000x128xf32>
    %add3A_13 = arith.addf %add3A_9, %mul3A_12 : vector<2000x128xf32>
    %mul3A_14 = arith.constant 0.797884583 : f32
    %mul3A_15 = vector.broadcast %mul3A_14 : f32 to vector<2000x128xf32>
    %mul3A_16 = arith.mulf %mul3A_15, %add3A_13 : vector<2000x128xf32>
    %tanh3A = math.tanh %mul3A_16 : vector<2000x128xf32>
    %add3A_17 = arith.constant 1.000000e+00 : f32
    %add3A_18 = vector.broadcast %add3A_17 : f32 to vector<2000x128xf32>
    %add3A_19 = arith.addf %add3A_18, %tanh3A : vector<2000x128xf32>
    %mul3A_20 = arith.constant 5.000000e-01 : f32
    %mul3A_21 = vector.broadcast %mul3A_20 : f32 to vector<2000x128xf32>
    %mul3A_22 = arith.mulf %mul3A_21, %add3A_19 : vector<2000x128xf32>
    %mul3A_23 = arith.mulf %add3A_9, %mul3A_22 : vector<2000x128xf32>
    %get3A_24 = arith.constant 0 : index
    %get3A_25 = arith.constant 0 : index
    %get3A_26 = vector.load %arg5[%get3A_24, %get3A_25] : memref<128x128xf32, #tpu.memory_space<vmem>>, vector<128x128xf32>
    %dot_general3A_27 = arith.constant dense<0.000000e+00> : vector<2000x128xf32>
    %dot_general3A_28 = tpu.matmul %mul3A_23, %get3A_26, %dot_general3A_27 {dimension_numbers = #tpu.dot_dimension_numbers<[1], [0], [0], [1], [0, 0, 1, 1], [], []>, transpose_lhs_hint = false} : vector<2000x128xf32>, vector<128x128xf32>, vector<2000x128xf32> -> vector<2000x128xf32>
    %get3A_29 = arith.constant 0 : index
    %get3A_30 = arith.constant 0 : index
    %get3A_31 = vector.load %arg6[%get3A_29, %get3A_30] : memref<1x128xf32, #tpu.memory_space<vmem>>, vector<1x128xf32>
    %add3A_32 = vector.broadcast %get3A_31 : vector<1x128xf32> to vector<2000x128xf32>
    %add3A_33 = arith.addf %dot_general3A_28, %add3A_32 : vector<2000x128xf32>
    %get3A_34 = arith.constant 0 : index
    %get3A_35 = arith.constant 0 : index
    %get3A_36 = vector.load %arg2[%get3A_34, %get3A_35] : memref<2000x128xf32, #tpu.memory_space<vmem>>, vector<2000x128xf32>
    %mul3A_37 = arith.mulf %add3A_33, %get3A_36 : vector<2000x128xf32>
    %swap3A = arith.constant 0 : index
    %swap3A_38 = arith.constant 0 : index
    %swap3A_39 = vector.load %arg7[%swap3A, %swap3A_38] : memref<2000x128xf32, #tpu.memory_space<vmem>>, vector<2000x128xf32>
    tpu.vector_store %arg7[%swap3A, %swap3A_38], %mul3A_37 {strides = array<i32>} : memref<2000x128xf32, #tpu.memory_space<vmem>>, vector<2000x128xf32>,
    return
  }
  func.func @transform_0(%arg0: i32) -> (i32, i32) {
    %c0_i32 = arith.constant 0 : i32
    %c0_i32_0 = arith.constant 0 : i32
    return %arg0, %c0_i32 : i32, i32
  }
  func.func @transform_1(%arg0: i32) -> (i32, i32) {
    %c0_i32 = arith.constant 0 : i32
    %c0_i32_0 = arith.constant 0 : i32
    return %arg0, %c0_i32 : i32, i32
  }
  func.func @transform_2(%arg0: i32) -> (i32, i32) {
    %c0_i32 = arith.constant 0 : i32
    %c0_i32_0 = arith.constant 0 : i32
    %c0_i32_1 = arith.constant 0 : i32
    return %c0_i32, %c0_i32_0 : i32, i32
  }
  func.func @transform_3(%arg0: i32) -> (i32, i32) {
    %c0_i32 = arith.constant 0 : i32
    %c0_i32_0 = arith.constant 0 : i32
    %c0_i32_1 = arith.constant 0 : i32
    return %c0_i32, %c0_i32_0 : i32, i32
  }
  func.func @transform_4(%arg0: i32) -> (i32, i32) {
    %c0_i32 = arith.constant 0 : i32
    %c0_i32_0 = arith.constant 0 : i32
    %c0_i32_1 = arith.constant 0 : i32
    return %c0_i32, %c0_i32_0 : i32, i32
  }
  func.func @transform_5(%arg0: i32) -> (i32, i32) {
    %c0_i32 = arith.constant 0 : i32
    %c0_i32_0 = arith.constant 0 : i32
    %c0_i32_1 = arith.constant 0 : i32
    return %c0_i32, %c0_i32_0 : i32, i32
  }
  func.func @transform_6(%arg0: i32) -> (i32, i32) {
    %c0_i32 = arith.constant 0 : i32
    %c0_i32_0 = arith.constant 0 : i32
    return %arg0, %c0_i32 : i32, i32
  }
}

module attributes {stable_mosaic.version = 14 : i64} {
  func.func @_update_body(%arg0: i32, %arg1: memref<1024x128xf32, #tpu.memory_space<vmem>>, %arg2: memref<1024x128xf32, #tpu.memory_space<vmem>>, %arg3: memref<1024x128xf32, #tpu.memory_space<vmem>>, %arg4: memref<1024x16xf32, #tpu.memory_space<vmem>>, %arg5: memref<1024x16xf32, #tpu.memory_space<vmem>>, %arg6: memref<128x128xf32, #tpu.memory_space<vmem>>, %arg7: memref<128x128xf32, #tpu.memory_space<vmem>>, %arg8: memref<1x128xf32, #tpu.memory_space<vmem>>, %arg9: memref<1x128xf32, #tpu.memory_space<vmem>>, %arg10: memref<1x128xf32, #tpu.memory_space<vmem>>, %arg11: memref<1024x128xf32, #tpu.memory_space<vmem>>) attributes {dimension_semantics = [#tpu.dimension_semantics<arbitrary>], iteration_bounds = array<i64: 10>, scalar_prefetch = 0 : i64, scratch_operands = 0 : i64, tpu.core_type = #tpu.core_type<tc>, window_params = [{transform_indices = @transform_0, window_bounds = array<i64: 1024, 128>}, {transform_indices = @transform_1, window_bounds = array<i64: 1024, 128>}, {transform_indices = @transform_2, window_bounds = array<i64: 1024, 128>}, {transform_indices = @transform_3, window_bounds = array<i64: 1024, 16>}, {transform_indices = @transform_4, window_bounds = array<i64: 1024, 16>}, {pipeline_mode = #tpu.pipeline_mode<synchronous>, transform_indices = @transform_5, window_bounds = array<i64: 128, 128>}, {pipeline_mode = #tpu.pipeline_mode<synchronous>, transform_indices = @transform_6, window_bounds = array<i64: 128, 128>}, {pipeline_mode = #tpu.pipeline_mode<synchronous>, transform_indices = @transform_7, window_bounds = array<i64: 1, 128>}, {pipeline_mode = #tpu.pipeline_mode<synchronous>, transform_indices = @transform_8, window_bounds = array<i64: 1, 128>}, {pipeline_mode = #tpu.pipeline_mode<synchronous>, transform_indices = @transform_9, window_bounds = array<i64: 1, 128>}, {transform_indices = @transform_10, window_bounds = array<i64: 1024, 128>}]} {
    %get3A = arith.constant 0 : index
    %get3A_0 = arith.constant 0 : index
    %get3A_1 = vector.load %arg1[%get3A, %get3A_0] : memref<1024x128xf32, #tpu.memory_space<vmem>>, vector<1024x128xf32>
    %get3A_2 = arith.constant 0 : index
    %get3A_3 = arith.constant 0 : index
    %get3A_4 = vector.load %arg4[%get3A_2, %get3A_3] : memref<1024x16xf32, #tpu.memory_space<vmem>>, vector<1024x1xf32>
    %get3A_5 = arith.constant 0 : index
    %get3A_6 = arith.constant 0 : index
    %get3A_7 = vector.load %arg5[%get3A_5, %get3A_6] : memref<1024x16xf32, #tpu.memory_space<vmem>>, vector<1024x1xf32>
    %add3A = arith.addf %get3A_4, %get3A_7 : vector<1024x1xf32>
    %max3A = arith.constant 1.000000e+00 : f32
    %max3A_8 = vector.broadcast %max3A : f32 to vector<1024x1xf32>
    %max3A_9 = arith.maximumf %add3A, %max3A_8 : vector<1024x1xf32>
    %get3A_10 = arith.constant 0 : index
    %get3A_11 = arith.constant 0 : index
    %get3A_12 = vector.load %arg2[%get3A_10, %get3A_11] : memref<1024x128xf32, #tpu.memory_space<vmem>>, vector<1024x128xf32>
    %get3A_13 = arith.constant 0 : index
    %get3A_14 = arith.constant 0 : index
    %get3A_15 = vector.load %arg3[%get3A_13, %get3A_14] : memref<1024x128xf32, #tpu.memory_space<vmem>>, vector<1024x128xf32>
    %add3A_16 = arith.addf %get3A_12, %get3A_15 : vector<1024x128xf32>
    %div3A = vector.broadcast %max3A_9 : vector<1024x1xf32> to vector<1024x128xf32>
    %div3A_17 = arith.divf %add3A_16, %div3A : vector<1024x128xf32>
    %get3A_18 = arith.constant 0 : index
    %get3A_19 = arith.constant 0 : index
    %get3A_20 = vector.load %arg6[%get3A_18, %get3A_19] : memref<128x128xf32, #tpu.memory_space<vmem>>, vector<128x128xf32>
    %dot_general3A = arith.constant dense<0.000000e+00> : vector<1024x128xf32>
    %dot_general3A_21 = tpu.matmul %get3A_1, %get3A_20, %dot_general3A {dimension_numbers = #tpu.dot_dimension_numbers<[1], [0], [0], [1], [0, 0, 1, 1], [], []>, transpose_lhs_hint = false} : vector<1024x128xf32>, vector<128x128xf32>, vector<1024x128xf32> -> vector<1024x128xf32>
    %get3A_22 = arith.constant 0 : index
    %get3A_23 = arith.constant 0 : index
    %get3A_24 = vector.load %arg7[%get3A_22, %get3A_23] : memref<128x128xf32, #tpu.memory_space<vmem>>, vector<128x128xf32>
    %dot_general3A_25 = arith.constant dense<0.000000e+00> : vector<1024x128xf32>
    %dot_general3A_26 = tpu.matmul %div3A_17, %get3A_24, %dot_general3A_25 {dimension_numbers = #tpu.dot_dimension_numbers<[1], [0], [0], [1], [0, 0, 1, 1], [], []>, transpose_lhs_hint = false} : vector<1024x128xf32>, vector<128x128xf32>, vector<1024x128xf32> -> vector<1024x128xf32>
    %add3A_27 = arith.addf %dot_general3A_21, %dot_general3A_26 : vector<1024x128xf32>
    %get3A_28 = arith.constant 0 : index
    %get3A_29 = arith.constant 0 : index
    %get3A_30 = vector.load %arg8[%get3A_28, %get3A_29] : memref<1x128xf32, #tpu.memory_space<vmem>>, vector<1x128xf32>
    %add3A_31 = vector.broadcast %get3A_30 : vector<1x128xf32> to vector<1024x128xf32>
    %add3A_32 = arith.addf %add3A_27, %add3A_31 : vector<1024x128xf32>
    %logistic3A = arith.negf %add3A_32 : vector<1024x128xf32>
    %logistic3A_33 = math.exp %logistic3A : vector<1024x128xf32>
    %logistic3A_34 = arith.constant 1.000000e+00 : f32
    %logistic3A_35 = vector.broadcast %logistic3A_34 : f32 to vector<1024x128xf32>
    %logistic3A_36 = arith.addf %logistic3A_35, %logistic3A_33 : vector<1024x128xf32>
    %logistic3A_37 = arith.divf %logistic3A_35, %logistic3A_36 : vector<1024x128xf32>
    %mul3A = arith.mulf %logistic3A_37, %div3A_17 : vector<1024x128xf32>
    %add3A_38 = arith.addf %get3A_1, %mul3A : vector<1024x128xf32>
    %reduce_sum3A = arith.constant dense<0.000000e+00> : vector<1024xf32>
    %reduce_sum3A_39 = vector.multi_reduction <add>, %add3A_38, %reduce_sum3A [1] : vector<1024x128xf32> to vector<1024xf32>
    %broadcast_in_dim3A = vector.shape_cast %reduce_sum3A_39 : vector<1024xf32> to vector<1024x1xf32>
    %div3A_40 = arith.constant 1.280000e+02 : f32
    %div3A_41 = vector.broadcast %div3A_40 : f32 to vector<1024x1xf32>
    %div3A_42 = arith.divf %broadcast_in_dim3A, %div3A_41 : vector<1024x1xf32>
    %sub3A = vector.broadcast %div3A_42 : vector<1024x1xf32> to vector<1024x128xf32>
    %sub3A_43 = arith.subf %add3A_38, %sub3A : vector<1024x128xf32>
    %integer_pow3A = arith.mulf %sub3A_43, %sub3A_43 : vector<1024x128xf32>
    %reduce_sum3A_44 = arith.constant dense<0.000000e+00> : vector<1024xf32>
    %reduce_sum3A_45 = vector.multi_reduction <add>, %integer_pow3A, %reduce_sum3A_44 [1] : vector<1024x128xf32> to vector<1024xf32>
    %broadcast_in_dim3A_46 = vector.shape_cast %reduce_sum3A_45 : vector<1024xf32> to vector<1024x1xf32>
    %div3A_47 = arith.constant 1.280000e+02 : f32
    %div3A_48 = vector.broadcast %div3A_47 : f32 to vector<1024x1xf32>
    %div3A_49 = arith.divf %broadcast_in_dim3A_46, %div3A_48 : vector<1024x1xf32>
    %sub3A_50 = vector.broadcast %div3A_42 : vector<1024x1xf32> to vector<1024x128xf32>
    %sub3A_51 = arith.subf %add3A_38, %sub3A_50 : vector<1024x128xf32>
    %add3A_52 = arith.constant 9.99999974E-6 : f32
    %add3A_53 = vector.broadcast %add3A_52 : f32 to vector<1024x1xf32>
    %add3A_54 = arith.addf %div3A_49, %add3A_53 : vector<1024x1xf32>
    %sqrt3A = math.sqrt %add3A_54 : vector<1024x1xf32>
    %div3A_55 = vector.broadcast %sqrt3A : vector<1024x1xf32> to vector<1024x128xf32>
    %div3A_56 = arith.divf %sub3A_51, %div3A_55 : vector<1024x128xf32>
    %get3A_57 = arith.constant 0 : index
    %get3A_58 = arith.constant 0 : index
    %get3A_59 = vector.load %arg9[%get3A_57, %get3A_58] : memref<1x128xf32, #tpu.memory_space<vmem>>, vector<1x128xf32>
    %mul3A_60 = vector.broadcast %get3A_59 : vector<1x128xf32> to vector<1024x128xf32>
    %mul3A_61 = arith.mulf %div3A_56, %mul3A_60 : vector<1024x128xf32>
    %get3A_62 = arith.constant 0 : index
    %get3A_63 = arith.constant 0 : index
    %get3A_64 = vector.load %arg10[%get3A_62, %get3A_63] : memref<1x128xf32, #tpu.memory_space<vmem>>, vector<1x128xf32>
    %add3A_65 = vector.broadcast %get3A_64 : vector<1x128xf32> to vector<1024x128xf32>
    %add3A_66 = arith.addf %mul3A_61, %add3A_65 : vector<1024x128xf32>
    %swap3A = arith.constant 0 : index
    %swap3A_67 = arith.constant 0 : index
    %swap3A_68 = vector.load %arg11[%swap3A, %swap3A_67] : memref<1024x128xf32, #tpu.memory_space<vmem>>, vector<1024x128xf32>
    tpu.vector_store %arg11[%swap3A, %swap3A_67], %add3A_66 {strides = array<i32>} : memref<1024x128xf32, #tpu.memory_space<vmem>>, vector<1024x128xf32>,
    return
  }
  func.func @transform_0(%arg0: i32) -> (i32, i32) {
    %c0_i32 = arith.constant 0 : i32
    %c0_i32_0 = arith.constant 0 : i32
    return %arg0, %c0_i32 : i32, i32
  }
  func.func @transform_1(%arg0: i32) -> (i32, i32) {
    %c0_i32 = arith.constant 0 : i32
    %c0_i32_0 = arith.constant 0 : i32
    return %arg0, %c0_i32 : i32, i32
  }
  func.func @transform_2(%arg0: i32) -> (i32, i32) {
    %c0_i32 = arith.constant 0 : i32
    %c0_i32_0 = arith.constant 0 : i32
    return %arg0, %c0_i32 : i32, i32
  }
  func.func @transform_3(%arg0: i32) -> (i32, i32) {
    %c0_i32 = arith.constant 0 : i32
    %c0_i32_0 = arith.constant 0 : i32
    return %arg0, %c0_i32 : i32, i32
  }
  func.func @transform_4(%arg0: i32) -> (i32, i32) {
    %c0_i32 = arith.constant 0 : i32
    %c0_i32_0 = arith.constant 0 : i32
    return %arg0, %c0_i32 : i32, i32
  }
  func.func @transform_5(%arg0: i32) -> (i32, i32) {
    %c0_i32 = arith.constant 0 : i32
    %c0_i32_0 = arith.constant 0 : i32
    %c0_i32_1 = arith.constant 0 : i32
    return %c0_i32, %c0_i32_0 : i32, i32
  }
  func.func @transform_6(%arg0: i32) -> (i32, i32) {
    %c0_i32 = arith.constant 0 : i32
    %c0_i32_0 = arith.constant 0 : i32
    %c0_i32_1 = arith.constant 0 : i32
    return %c0_i32, %c0_i32_0 : i32, i32
  }
  func.func @transform_7(%arg0: i32) -> (i32, i32) {
    %c0_i32 = arith.constant 0 : i32
    %c0_i32_0 = arith.constant 0 : i32
    %c0_i32_1 = arith.constant 0 : i32
    return %c0_i32, %c0_i32_0 : i32, i32
  }
  func.func @transform_8(%arg0: i32) -> (i32, i32) {
    %c0_i32 = arith.constant 0 : i32
    %c0_i32_0 = arith.constant 0 : i32
    %c0_i32_1 = arith.constant 0 : i32
    return %c0_i32, %c0_i32_0 : i32, i32
  }
  func.func @transform_9(%arg0: i32) -> (i32, i32) {
    %c0_i32 = arith.constant 0 : i32
    %c0_i32_0 = arith.constant 0 : i32
    %c0_i32_1 = arith.constant 0 : i32
    return %c0_i32, %c0_i32_0 : i32, i32
  }
  func.func @transform_10(%arg0: i32) -> (i32, i32) {
    %c0_i32 = arith.constant 0 : i32
    %c0_i32_0 = arith.constant 0 : i32
    return %arg0, %c0_i32 : i32, i32
  }
}

module attributes {stable_mosaic.version = 14 : i64} {
  func.func @_mlp2_body(%arg0: i32, %arg1: memref<1024x128xf32, #tpu.memory_space<vmem>>, %arg2: memref<128x64xf32, #tpu.memory_space<vmem>>, %arg3: memref<1x64xf32, #tpu.memory_space<vmem>>, %arg4: memref<64x128xf32, #tpu.memory_space<vmem>>, %arg5: memref<1x128xf32, #tpu.memory_space<vmem>>, %arg6: memref<1024x128xf32, #tpu.memory_space<vmem>>) attributes {dimension_semantics = [#tpu.dimension_semantics<arbitrary>], iteration_bounds = array<i64: 10>, scalar_prefetch = 0 : i64, scratch_operands = 0 : i64, tpu.core_type = #tpu.core_type<tc>, window_params = [{transform_indices = @transform_0, window_bounds = array<i64: 1024, 128>}, {pipeline_mode = #tpu.pipeline_mode<synchronous>, transform_indices = @transform_1, window_bounds = array<i64: 128, 64>}, {pipeline_mode = #tpu.pipeline_mode<synchronous>, transform_indices = @transform_2, window_bounds = array<i64: 1, 64>}, {pipeline_mode = #tpu.pipeline_mode<synchronous>, transform_indices = @transform_3, window_bounds = array<i64: 64, 128>}, {pipeline_mode = #tpu.pipeline_mode<synchronous>, transform_indices = @transform_4, window_bounds = array<i64: 1, 128>}, {transform_indices = @transform_5, window_bounds = array<i64: 1024, 128>}]} {
    %get3A = arith.constant 0 : index
    %get3A_0 = arith.constant 0 : index
    %get3A_1 = vector.load %arg1[%get3A, %get3A_0] : memref<1024x128xf32, #tpu.memory_space<vmem>>, vector<1024x128xf32>
    %get3A_2 = arith.constant 0 : index
    %get3A_3 = arith.constant 0 : index
    %get3A_4 = vector.load %arg2[%get3A_2, %get3A_3] : memref<128x64xf32, #tpu.memory_space<vmem>>, vector<128x64xf32>
    %dot_general3A = arith.constant dense<0.000000e+00> : vector<1024x64xf32>
    %dot_general3A_5 = tpu.matmul %get3A_1, %get3A_4, %dot_general3A {dimension_numbers = #tpu.dot_dimension_numbers<[1], [0], [0], [1], [0, 0, 1, 1], [], []>, transpose_lhs_hint = false} : vector<1024x128xf32>, vector<128x64xf32>, vector<1024x64xf32> -> vector<1024x64xf32>
    %get3A_6 = arith.constant 0 : index
    %get3A_7 = arith.constant 0 : index
    %get3A_8 = vector.load %arg3[%get3A_6, %get3A_7] : memref<1x64xf32, #tpu.memory_space<vmem>>, vector<1x64xf32>
    %add3A = vector.broadcast %get3A_8 : vector<1x64xf32> to vector<1024x64xf32>
    %add3A_9 = arith.addf %dot_general3A_5, %add3A : vector<1024x64xf32>
    %integer_pow3A = arith.mulf %add3A_9, %add3A_9 : vector<1024x64xf32>
    %integer_pow3A_10 = arith.mulf %add3A_9, %integer_pow3A : vector<1024x64xf32>
    %mul3A = arith.constant 4.471500e-02 : f32
    %mul3A_11 = vector.broadcast %mul3A : f32 to vector<1024x64xf32>
    %mul3A_12 = arith.mulf %mul3A_11, %integer_pow3A_10 : vector<1024x64xf32>
    %add3A_13 = arith.addf %add3A_9, %mul3A_12 : vector<1024x64xf32>
    %mul3A_14 = arith.constant 0.797884583 : f32
    %mul3A_15 = vector.broadcast %mul3A_14 : f32 to vector<1024x64xf32>
    %mul3A_16 = arith.mulf %mul3A_15, %add3A_13 : vector<1024x64xf32>
    %tanh3A = math.tanh %mul3A_16 : vector<1024x64xf32>
    %add3A_17 = arith.constant 1.000000e+00 : f32
    %add3A_18 = vector.broadcast %add3A_17 : f32 to vector<1024x64xf32>
    %add3A_19 = arith.addf %add3A_18, %tanh3A : vector<1024x64xf32>
    %mul3A_20 = arith.constant 5.000000e-01 : f32
    %mul3A_21 = vector.broadcast %mul3A_20 : f32 to vector<1024x64xf32>
    %mul3A_22 = arith.mulf %mul3A_21, %add3A_19 : vector<1024x64xf32>
    %mul3A_23 = arith.mulf %add3A_9, %mul3A_22 : vector<1024x64xf32>
    %get3A_24 = arith.constant 0 : index
    %get3A_25 = arith.constant 0 : index
    %get3A_26 = vector.load %arg4[%get3A_24, %get3A_25] : memref<64x128xf32, #tpu.memory_space<vmem>>, vector<64x128xf32>
    %dot_general3A_27 = arith.constant dense<0.000000e+00> : vector<1024x128xf32>
    %dot_general3A_28 = tpu.matmul %mul3A_23, %get3A_26, %dot_general3A_27 {dimension_numbers = #tpu.dot_dimension_numbers<[1], [0], [0], [1], [0, 0, 1, 1], [], []>, transpose_lhs_hint = false} : vector<1024x64xf32>, vector<64x128xf32>, vector<1024x128xf32> -> vector<1024x128xf32>
    %get3A_29 = arith.constant 0 : index
    %get3A_30 = arith.constant 0 : index
    %get3A_31 = vector.load %arg5[%get3A_29, %get3A_30] : memref<1x128xf32, #tpu.memory_space<vmem>>, vector<1x128xf32>
    %add3A_32 = vector.broadcast %get3A_31 : vector<1x128xf32> to vector<1024x128xf32>
    %add3A_33 = arith.addf %dot_general3A_28, %add3A_32 : vector<1024x128xf32>
    %swap3A = arith.constant 0 : index
    %swap3A_34 = arith.constant 0 : index
    %swap3A_35 = vector.load %arg6[%swap3A, %swap3A_34] : memref<1024x128xf32, #tpu.memory_space<vmem>>, vector<1024x128xf32>
    tpu.vector_store %arg6[%swap3A, %swap3A_34], %add3A_33 {strides = array<i32>} : memref<1024x128xf32, #tpu.memory_space<vmem>>, vector<1024x128xf32>,
    return
  }
  func.func @transform_0(%arg0: i32) -> (i32, i32) {
    %c0_i32 = arith.constant 0 : i32
    %c0_i32_0 = arith.constant 0 : i32
    return %arg0, %c0_i32 : i32, i32
  }
  func.func @transform_1(%arg0: i32) -> (i32, i32) {
    %c0_i32 = arith.constant 0 : i32
    %c0_i32_0 = arith.constant 0 : i32
    %c0_i32_1 = arith.constant 0 : i32
    return %c0_i32, %c0_i32_0 : i32, i32
  }
  func.func @transform_2(%arg0: i32) -> (i32, i32) {
    %c0_i32 = arith.constant 0 : i32
    %c0_i32_0 = arith.constant 0 : i32
    %c0_i32_1 = arith.constant 0 : i32
    return %c0_i32, %c0_i32_0 : i32, i32
  }
  func.func @transform_3(%arg0: i32) -> (i32, i32) {
    %c0_i32 = arith.constant 0 : i32
    %c0_i32_0 = arith.constant 0 : i32
    %c0_i32_1 = arith.constant 0 : i32
    return %c0_i32, %c0_i32_0 : i32, i32
  }
  func.func @transform_4(%arg0: i32) -> (i32, i32) {
    %c0_i32 = arith.constant 0 : i32
    %c0_i32_0 = arith.constant 0 : i32
    %c0_i32_1 = arith.constant 0 : i32
    return %c0_i32, %c0_i32_0 : i32, i32
  }
  func.func @transform_5(%arg0: i32) -> (i32, i32) {
    %c0_i32 = arith.constant 0 : i32
    %c0_i32_0 = arith.constant 0 : i32
    return %arg0, %c0_i32 : i32, i32
  }
}

</mosaic_0001>

<sc_bundles>
// kernel: kernel.27.cloned.1.call-start
scs
__scs_entry_jumppad:
0x0: {  	(pc) =	sbr.rel $0x88, $3  }
0x1: {  	(tag) =	ssettag $0x0;
	lr =	simm.s32 $0x1  }
0x2: {  	[smem:$0x3F5E] =	sst lr;
	_ =	strace $0xD0000000  }
0x3: {  	_ = 	snop  }
0x4: {  	_ = 	snop  }
0x5: {  	_ = 	snop  }
0x6: {  	_ = 	snop  }
0x7: {  	_ = 	snop  }
__scs_overlays_trampoline_lowered:
0x8: {  	[smem:$0x3F6D] =	sst s0  }
0x9: {  	[smem:$0x3F6E] =	sst s1  }
0xa: {  	[smem:$0x3F6F] =	sst s2  }
0xb: {  	[smem:$0x3F70] =	sst s3  }
0xc: {  	[smem:$0x3F71] =	sst s4  }
0xd: {  	[smem:$0x3F72] =	sst s5  }
0xe: {  	[smem:$0x3F73] =	sst s6  }
0xf: {  	[smem:$0x3F74] =	sst s7  }
0x10: {  	[smem:$0x3F75] =	sst s8  }
0x11: {  	[smem:$0x3F76] =	sst s9;
	s0 =	simm.s32 @!p0 $0x0  }
0x12: {  	s1 =	sld [smem:$0x3F5C];
	s0 =	simm.s32 @p0 $0x1  }
0x13: {  	[smem:$0x3F77] =	sst s0;
	s0 =	simm.s32 @!p1 $0x0  }
0x14: {  	s2 =	sld [smem:$0x3F5B];
	s0 =	simm.s32 @p1 $0x1  }
0x15: {  	[smem:$0x3F78] =	sst s0;
	s0 =	simm.s32 @!p2 $0x0  }
0x16: {  	s3 =	sld [smem:$0x3FDB];
	s0 =	simm.s32 @p2 $0x1  }
0x17: {  	s4 =	simm.s32 $0x1BF5;
	[smem:$0x3F7A] =	sst s0  }
0x18: {  	s0 =	sld [smem:$0x3F5D];
	_ =	swait.ge [sflag:s4], $0x0  }
0x19: {  	s7 =	sld [smem:$0x3F5E]  }
0x1a: {  	s8 =	sadd.s32 $0xFFFFE003, lr  }
0x1b: {  	s9 =	sadd.s32 $0xFFFFFEF7, lr;
	s5 =	simm.s32 $0xFFFFFFFF;
	p2 =	slt.u32 s8, $0xFFFFF086  }
0x1c: {  	p1 =	slt.u32 s9, $0xF7A;
	s5 =	simm.s32 @!p2 $0x0  }
0x1d: {  	s5 =	simm.s32 @p1 $0x1;
	p0 =	seq.s32 s7, s2  }
0x1e: {  	s7 =	smul.u32 @!p0 $0xF7A, s2;
	p2 =	seq.s32 @!p0 s5, $0x0  }
0x1f: {  	s9 =	smul.u32 $0xF7A, s1;
	s8 =	simm.s32 @!p0 $0x1BF5;
	p2 =	por !p2, p0  }
0x20: {  	[sflag:s8] =	ssyncset.s32 @!p0 $0xFFFFF086;
	s6 =	sadd.s32 @!p0 s3, s7;
	s7 =	simm.s32 @!p0 $0x108  }
0x21: {  	s3 =	sadd.s32 s3, s9;
	s6 =	sadd.s32 @!p0 $0x88, s6;
	s7 =	simm.s32 @p2 $0x1082  }
0x22: {  	[simem:s7], [sflag:s8] =	dma.local @!p0 [hbm:s6], $0xF7A  }
0x23: {  	s9 =	sor.u32 $0xD0000000, s2;
	s6 =	simm.s32 $0x108;
	_ =	swait.ge @!p0 [sflag:s8], $0x0  }
0x24: {  	s3 =	sadd.s32 $0x88, s3;
	s6 =	simm.s32 @!p1 $0x1082;
	[sflag:s4] =	ssyncset.s32 $0xFFFFF086  }
0x25: {  	[simem:s6], [sflag:s4] =	dma.local [hbm:s3], $0xF7A  }
0x26: {  	[smem:$0x3F5E] =	sst s1;
	(tag) =	ssettag s2;
	_ =	strace s9  }
0x27: {  	s1 =	sld [smem:$0x3F6E]  }
0x28: {  	s2 =	sld [smem:$0x3F6F]  }
0x29: {  	s4 =	sld [smem:$0x3F71]  }
0x2a: {  	p0 =	seq.s32 s5, $0x0;
	s5 =	sld [smem:$0x3F72]  }
0x2b: {  	s6 =	sld [smem:$0x3F73]  }
0x2c: {  	s7 =	sld [smem:$0x3F74]  }
0x2d: {  	s3 =	simm.s32 $0x108;
	s8 =	sld [smem:$0x3F75]  }
0x2e: {  	s3 =	simm.s32 @!p0 $0x1082;
	s9 =	sld [smem:$0x3F76]  }
0x2f: {  	lr =	sadd.s32 s0, s3;
	s0 =	sld [smem:$0x3F6D]  }
0x30: {  	s3 =	sld [smem:$0x3F70]  }
0x31: {  	[smem:$0x3F79] =	sst s10  }
0x32: {  	s10 =	sld [smem:$0x3F77];
	_ =	sdelay $0x3  }
0x33: {  	p0 =	seq.s32 s10, $0x1;
	s10 =	sld [smem:$0x3F79];
	_ =	sdelay $0x3  }
0x34: {  	[smem:$0x3F79] =	sst s10  }
0x35: {  	s10 =	sld [smem:$0x3F78];
	_ =	sdelay $0x3  }
0x36: {  	p1 =	seq.s32 s10, $0x1;
	s10 =	sld [smem:$0x3F79];
	_ =	sdelay $0x3  }
0x37: {  	[smem:$0x3F79] =	sst s10  }
0x38: {  	s10 =	sld [smem:$0x3F7A]  }
0x39: {  	_ = 	snop;
	(pc) =	sbr.ind lr, $3  }
0x3a: {  	_ = 	snop  }
0x3b: {  	_ = 	snop  }
0x3c: {  	p2 =	seq.s32 s10, $0x1;
	s10 =	sld [smem:$0x3F79]  }
0x3d: {  	_ =	shalt  }
0x3e: {  	_ =	shalt  }
0x3f: {  	_ =	shalt  }
0x40: {  	_ =	shalt  }
0x41: {  	_ =	shalt  }
0x42: {  	_ =	shalt  }
0x43: {  	_ =	shalt  }
0x44: {  	_ =	shalt  }
0x45: {  	_ =	shalt  }
0x46: {  	_ =	shalt  }
0x47: {  	_ =	shalt  }
0x48: {  	_ =	shalt  }
0x49: {  	_ =	shalt  }
0x4a: {  	_ =	shalt  }
0x4b: {  	_ =	shalt  }
0x4c: {  	_ =	shalt  }
0x4d: {  	_ =	shalt  }
0x4e: {  	_ =	shalt  }
0x4f: {  	_ =	shalt  }
0x50: {  	_ =	shalt  }
0x51: {  	_ =	shalt  }
0x52: {  	_ =	shalt  }
0x53: {  	_ =	shalt  }
0x54: {  	_ =	shalt  }
0x55: {  	_ =	shalt  }
0x56: {  	_ =	shalt  }
0x57: {  	_ =	shalt  }
0x58: {  	_ =	shalt  }
0x59: {  	_ =	shalt  }
0x5a: {  	_ =	shalt  }
0x5b: {  	_ =	shalt  }
0x5c: {  	_ =	shalt  }
0x5d: {  	_ =	shalt  }
0x5e: {  	_ =	shalt  }
0x5f: {  	_ =	shalt  }
0x60: {  	_ =	shalt  }
0x61: {  	_ =	shalt  }
0x62: {  	_ =	shalt  }
0x63: {  	_ =	shalt  }
0x64: {  	_ =	shalt  }
0x65: {  	_ =	shalt  }
0x66: {  	_ =	shalt  }
0x67: {  	_ =	shalt  }
0x68: {  	_ =	shalt  }
0x69: {  	_ =	shalt  }
0x6a: {  	_ =	shalt  }
0x6b: {  	_ =	shalt  }
0x6c: {  	_ =	shalt  }
0x6d: {  	_ =	shalt  }
0x6e: {  	_ =	shalt  }
0x6f: {  	_ =	shalt  }
0x70: {  	_ =	shalt  }
0x71: {  	_ =	shalt  }
0x72: {  	_ =	shalt  }
0x73: {  	_ =	shalt  }
0x74: {  	_ =	shalt  }
0x75: {  	_ =	shalt  }
0x76: {  	_ =	shalt  }
0x77: {  	_ =	shalt  }
0x78: {  	_ =	shalt  }
0x79: {  	_ =	shalt  }
0x7a: {  	_ =	shalt  }
0x7b: {  	_ =	shalt  }
0x7c: {  	_ =	shalt  }
0x7d: {  	_ =	shalt  }
0x7e: {  	_ =	shalt  }
0x7f: {  	_ =	shalt  }
0x80: {  	_ =	shalt  }
0x81: {  	_ =	shalt  }
0x82: {  	_ =	shalt  }
0x83: {  	_ =	shalt  }
0x84: {  	_ =	shalt  }
0x85: {  	_ =	shalt  }
0x86: {  	_ =	shalt  }
0x87: {  	_ =	shalt  }
.Lfunc_end0:
.L_simem_size_0:
called_computation_lowered:
.L_overlay_start_0:
0x88: {  	s2 =	sld [smem:$0x3FD9]  }
0x89: {  	s3 =	sld [smem:$0x3FFE];
	_ =	sdelay $0x1  }
0x8a: {  	s1 =	srdreg.scid  }
0x8b: {  	s0 =	sand.u32 $0x1, s1  }
0x8c: {  	s17 =	sshll.u32 s0, $0xA;
	s2 =	sadd.s32 s3, s2  }
0x8d: {  	s2 =	sadd.s32 s2, s17  }
0x8e: {  	[smem:$0x3F85] =	sst s2  }
0x8f: {  	_ = 	snop  }
0x90: {  	(tm) =	ssettm $0x1  }
0x91: {  	s18 =	sld [smem:$0x3FFB];
	_ =	sdelay $0x3  }
0x92: {  	_ =	strace s18  }
0x93: {  	s2 =	sld [smem:$0x3FFC];
	_ =	sdelay $0x3  }
0x94: {  	_ =	strace s2  }
0x95: {  	s2 =	sld [smem:$0x3FFD];
	_ =	sdelay $0x3  }
0x96: {  	_ =	strace s2  }
0x97: {  	_ =	strace $0x8FFFFFFF  }
0x98: {  	s19 =	sld [smem:$0x3FDB];
	_ =	sdelay $0x1  }
0x99: {  	s20 =	simm.s32 $_scs_section_size  }
0x9a: {  	s4 =	simm.s32 $_size__tile_overlayer_lowered;
	s5 =	simm.s32 $_tile_overlayer_lowered  }
0x9b: {  	s6 =	simm.s32 $0x1BFF;
	s21 =	sshll.u32 s5, $0x1;
	s3 =	sadd.s32 s20, s19  }
0x9c: {  	s22 =	simm.s32 $0x0;
	s4 =	sshll.u32 s4, $0x1;
	s5 =	sadd.s32 s21, s3  }
0x9d: {  	[timem:s22], [sflag:s6] =	dma.local [hbm:s5], s4  }
0x9e: {  	_ =	swait.ge [sflag:s6], s4  }
0x9f: {  	s4 =	ssub.s32 $0x0, s4;
	[sflag:s6] =	ssyncset.done $0x0  }
0xa0: {  	[sflag:s6] =	ssyncadd.s32 s4;
	_ =	sdelay $0x1  }
0xa1: {  	s23 =	simm.s32 $0x1B8B  }
0xa2: {  	_ =	swait.ge [sflag:s23], $0x1  }
0xa3: {  	[sflag:s23] =	ssyncset.done $0x0  }
0xa4: {  	[sflag:s23] =	ssyncadd.s32 $0xFFFFFFFF  }
0xa5: {  	s4 =	sld [smem:$0x0]  }
0xa6: {  	s5 =	sand.u32 $0xFFFFFFFE, s1  }
0xa7: {  	p0 =	sne.s32 s1, s5  }
0xa8: {  	s5 =	sshll.u32 @p0 s5, $0xE  }
0xa9: {  	s5 =	sadd.s32 @p0 $0x11B8D, s5;
	s6 =	sshll.u32 @p0 s4, $0x11  }
0xaa: {  	s5 =	sor.u32 @p0 s6, s5  }
0xab: {  	[sflag:s5] =	ssyncadd.remote.s32 @p0 $0x1;
	_ =	sdelay $0x1  }
0xac: {  	s5 =	simm.s32 @p0 $0x1B8D  }
0xad: {  	_ =	swait.eq @p0 [sflag:s5], $0x1  }
0xae: {  	[sflag:s5] =	ssyncadd.s32 @p0 $0xFFFFFFFF  }
0xaf: {  	s6 =	sshll.u32 @!p0 s1, $0xE  }
0xb0: {  	s6 =	sor.u32 @!p0 $0x4000, s6;
	s5 =	simm.s32 @!p0 $0x1B8D  }
0xb1: {  	s4 =	sshll.u32 @!p0 s4, $0x11;
	s6 =	sadd.s32 @!p0 $0x11B8D, s6;
	_ =	swait.eq @!p0 [sflag:s5], $0x1  }
0xb2: {  	s4 =	sor.u32 @!p0 s4, s6;
	[sflag:s5] =	ssyncadd.s32 @!p0 $0xFFFFFFFF  }
0xb3: {  	s25 =	simm.s32 $0x1B8E;
	s24 =	sld [smem:$0x3FFE];
	[sflag:s4] =	ssyncadd.remote.s32 @!p0 $0x1  }
0xb4: {  	s26 =	simm.s32 $execute0_lowered;
	[smem:$0x3FD2] =	sst s25  }
0xb5: {  	s5 =	sshll.u32 s26, $0x1;
	_ =	strace $0x80000049;
	[dreg:$0x1] =	wrdreg $0xFFFFFFFF  }
0xb6: {  	s28 =	simm.s32 $_size_execute0_lowered;
	s3 =	sadd.s32 s3, s5;
	[dreg:$0x0] =	wrdreg $0x0  }
0xb7: {  	s5 =	sshll.u32 s28, $0x1;
	[dreg:$0x2] =	wrdreg s3  }
0xb8: {  	[dreg:$0x3] =	wrdreg s5  }
0xb9: {  	[dreg:$0x4] =	wrdreg $0xC0  }
0xba: {  	_ =	task [dreg:s22], $0x5FFFF  }
0xbb: {  	[dreg:$0x1] =	wrdreg $0xFFFFFFFF  }
0xbc: {  	[dreg:$0x0] =	wrdreg $0x60  }
0xbd: {  	[dreg:$0x2] =	wrdreg s24  }
0xbe: {  	[dreg:$0x3] =	wrdreg $0x28800  }
0xbf: {  	[dreg:$0x4] =	wrdreg $0x9  }
0xc0: {  	_ =	task.clear_ibuf [dreg:s22], $0x5FFFF;
	_ =	strace $0x90000049  }
0xc1: {  	s29 =	simm.s32 $0x9;
	_ =	strace $0x8000004B  }
0xc2: {  	_ =	swait.ge [sflag:s29], $0x1  }
0xc3: {  	[sflag:s29] =	ssyncadd.s32 $0xFFFFFFFF  }
0xc4: {  	_ =	strace $0x9000004B  }
0xc5: {  	_ =	sfence  }
0xc6: {  	s30 =	sld [smem:$0x0];
	_ =	sdelay $0x2  }
0xc7: {  	s31 =	sshll.u32 s1, $0xD;
	s1 =	sshrl.u32 s1, $0x2  }
0xc8: {  	s4 =	sand.u32 $0x4000, s31;
	s1 =	sadd.s32 s1, s30  }
0xc9: {  	s0 =	sor.u32 s4, s0;
	s1 =	sshll.u32 s1, $0x11  }
0xca: {  	s0 =	sor.u32 s1, s0  }
0xcb: {  	s0 =	sadd.s32 $0x8F2B, s0  }
0xcc: {  	[sflag:s0] =	ssyncadd.remote.s32 $0x1  }
0xcd: {  	_ =	sfence.sel $0xFFFF  }
0xce: {  	[dreg:$0x0] =	wrdreg $0xFFFFFFFF;
	(pc) =	sbr.abs _section_cstart, $3  }
0xcf: {  	[dreg:$0x1] =	wrdreg $0xFFFFFFFF  }
0xd0: {  	_ =	task.clear_ibuf [dreg:s22], $0x2FFFF;
	_ =	strace $0x9FFFFFFF  }
0xd1: {  	(tm) =	ssettm $0x7FFFFFFF  }
tec
execute0_lowered:
.L_overlay_start_1:
0x0: {  	(tag) =	ssettag $0x1  }
0x1: {  	s1 =	srdreg.scid  }
0x2: {  	s0 =	stileid.u32;
	s4 =	rddreg [dreg:$0x0]  }
0x3: {  	s2 =	rddreg [dreg:$0x1];
	s3 =	simm.s32 $0x0;
	s6 =	smul.u32 $0x4E20, s0  }
0x4: {  	s15 =	simm.s32 $0x80;
	s16 =	simm.s32 $0x1;
	s25 =	smul.u32 $0x14000, s0  }
0x5: {  	s17 =	simm.s32 $0x50;
	s5 =	sand.u32 $0x1, s1;
	s26 =	smul.u32 $0x50000, s0  }
0x6: {  	s20 =	simm.s32 $0x0;
	s1 =	rddreg [dreg:$0x2];
	s7 =	smul.u32 $0x2710, s5  }
0x7: {  	[smem:$0x7FF] =	sst s3;
	s18 =	sshll.u32 s0, $0x6;
	s8 =	smul.u32 $0x140000, s5  }
0x8: {  	_ =	strace $0x8000004A;
	s5 =	ssub.s32 $0x2, s5;
	s18 =	sor.u32 $0x1C01, s18  }
0x9: {  	s29 =	sshrl.u32 s5, $0x1;
	s31 =	sshrl.u32 s26, $0x2;
	s6 =	sadd.s32 s7, s6  }
0xa: {  	s7 =	sadd.s32 s25, s8;
	s30 =	ssub.s32 s5, s29;
	s5 =	sadd.s32 s31, s2  }
0xb: {  	s6 =	sshrl.u32 s6, $0x3;
	s28 =	sshrl.u32 s7, $0x3;
	s7 =	sadd.s32 $0x2800, s5  }
0xc: {  	s8 =	sadd.s32 $0x5000, s5;
	s9 =	sadd.s32 $0x7800, s5;
	s10 =	sadd.s32 $0xA000, s5  }
0xd: {  	s11 =	sadd.s32 $0xC800, s5;
	s12 =	sadd.s32 $0xF000, s5;
	s13 =	sadd.s32 $0x11800, s5  }
0xe: {  	s19 =	sshrl.u32 s5, $0x3;
	s14 =	sadd.s32 s6, s4;
	s4 =	sadd.s32 s28, s4  }
0xf: {  	v0 =	vimm.f32 $0.0e+00;
	v1 =	vimm.f32 $1.000000000e+00;
	s6 =	smax.u32 s30, $0x1;
	s4 =	sadd.s32 $0x553800, s4;
	s14 =	sadd.s32 $0x17A00, s14  }
.LBB2_1:
0x10: {  	s21 =	simm.s32 $0x200;
	s22 =	simm.s32 $0x0  }
.LBB2_2:
0x11: {  	p0 =	sne.s32 s21, $0x9E00;
	[tilespmem:s22+$0x80] =	vst v0;
	s22 =	smov.u32 s21;
	s21 =	sadd.s32 $0x200, s21  }
.Ltmp0:
0x12: {  	(pc) =	sbr.rel @p0 .LBB2_2-.Ltmp0, $2  }
0x13: {  	_ =	sdelay $0x2  }
0x14: {  	s22 =	sshra.s32 s22, $0x2  }
0x15: {  	[tilespmem:s22+$0x80] =	vst v0  }
0x16: {  	[spmem:s5] =	stream.linear.scatter [tilespmem:s15], [sflag:$0x1], $0x2800, $0x38;
	[tilespmem:$0x5080] =	vst v63  }
0x17: {  	_ =	swait.ge [sflag:s16], $0x2800  }
0x18: {  	[sflag:s16] =	ssyncset.done $0x0  }
0x19: {  	[sflag:s16] =	ssyncadd.s32 $0xFFFFD800  }
0x1a: {  	[spmem:s7] =	stream.linear.scatter [tilespmem:s15], [sflag:$0x1], $0x2800, $0x38;
	[tilespmem:$0x5080] =	vst v63  }
0x1b: {  	_ =	swait.ge [sflag:s16], $0x2800  }
0x1c: {  	[sflag:s16] =	ssyncset.done $0x0  }
0x1d: {  	[sflag:s16] =	ssyncadd.s32 $0xFFFFD800  }
0x1e: {  	[spmem:s8] =	stream.linear.scatter [tilespmem:s15], [sflag:$0x1], $0x2800, $0x38;
	[tilespmem:$0x5080] =	vst v63  }
0x1f: {  	_ =	swait.ge [sflag:s16], $0x2800  }
0x20: {  	[sflag:s16] =	ssyncset.done $0x0  }
0x21: {  	[sflag:s16] =	ssyncadd.s32 $0xFFFFD800  }
0x22: {  	[spmem:s9] =	stream.linear.scatter [tilespmem:s15], [sflag:$0x1], $0x2800, $0x38;
	[tilespmem:$0x5080] =	vst v63  }
0x23: {  	_ =	swait.ge [sflag:s16], $0x2800  }
0x24: {  	[sflag:s16] =	ssyncset.done $0x0  }
0x25: {  	[sflag:s16] =	ssyncadd.s32 $0xFFFFD800  }
0x26: {  	[spmem:s10] =	stream.linear.scatter [tilespmem:s15], [sflag:$0x1], $0x2800, $0x38;
	[tilespmem:$0x5080] =	vst v63  }
0x27: {  	_ =	swait.ge [sflag:s16], $0x2800  }
0x28: {  	[sflag:s16] =	ssyncset.done $0x0  }
0x29: {  	[sflag:s16] =	ssyncadd.s32 $0xFFFFD800  }
0x2a: {  	[spmem:s11] =	stream.linear.scatter [tilespmem:s15], [sflag:$0x1], $0x2800, $0x38;
	[tilespmem:$0x5080] =	vst v63  }
0x2b: {  	_ =	swait.ge [sflag:s16], $0x2800  }
0x2c: {  	[sflag:s16] =	ssyncset.done $0x0  }
0x2d: {  	[sflag:s16] =	ssyncadd.s32 $0xFFFFD800  }
0x2e: {  	[spmem:s12] =	stream.linear.scatter [tilespmem:s15], [sflag:$0x1], $0x2800, $0x38;
	[tilespmem:$0x5080] =	vst v63  }
0x2f: {  	_ =	swait.ge [sflag:s16], $0x2800  }
0x30: {  	[sflag:s16] =	ssyncset.done $0x0  }
0x31: {  	[sflag:s16] =	ssyncadd.s32 $0xFFFFD800  }
0x32: {  	[spmem:s13] =	stream.linear.scatter [tilespmem:s15], [sflag:$0x1], $0x2800, $0x38;
	[tilespmem:$0x5080] =	vst v63  }
0x33: {  	_ =	swait.ge [sflag:s16], $0x2800  }
0x34: {  	[sflag:s16] =	ssyncset.done $0x0  }
0x35: {  	[sflag:s16] =	ssyncadd.s32 $0xFFFFD800  }
0x36: {  	s21 =	simm.s32 $0x200;
	s22 =	simm.s32 $0x0;
	[bflag:$0x0] =	sbarrier.arrive $0xFFFF  }
.LBB2_4:
0x37: {  	p0 =	sne.s32 s21, $0x9E00;
	[tilespmem:s22+$0x80] =	vst v1;
	s22 =	smov.u32 s21;
	s21 =	sadd.s32 $0x200, s21  }
.Ltmp1:
0x38: {  	(pc) =	sbr.rel @p0 .LBB2_4-.Ltmp1, $2  }
0x39: {  	_ =	sdelay $0x2  }
0x3a: {  	s22 =	sshra.s32 s22, $0x2  }
0x3b: {  	[tilespmem:s22+$0x80] =	vst v1;
	s21 =	sadd.s32 $0x0, s14  }
0x3c: {  	[tilespmem:s3], [sflag:$0x1] =	stream.linear.gather [hbm4b:s21+s3], $0x50, $0x38;
	[tilespmem:$0x5080] =	vst v63  }
0x3d: {  	_ =	swait.ge [sflag:s16], $0x50  }
0x3e: {  	[sflag:s16] =	ssyncset.done $0x0  }
0x3f: {  	[sflag:s16] =	ssyncadd.s32 $0xFFFFFFB0  }
0x40: {  	[spmem:s2] =	stream.indirect.scatter.add.f32 [tilespmem:s15], [sflag:$0x1], $0x10, s3, s17, $0xb8;
	[tilespmem:$0x5080] =	vst v63  }
0x41: {  	_ =	swait.ge [sflag:s16], $0x500  }
0x42: {  	s22 =	simm.s32 $0x14;
	s21 =	simm.s32 $0xA;
	[sflag:s16] =	ssyncset.done $0x0  }
.LBB2_6:
0x43: {  	s23 =	sadd.s32 s21, s14  }
0x44: {  	[sflag:s16] =	ssyncadd.s32 $0xFFFFFB00;
	s21 =	smov.u32 s22;
	s24 =	sadd.s32 $0xA, s22  }
0x45: {  	[tilespmem:s3], [sflag:$0x1] =	stream.linear.gather [hbm4b:s23+s3], $0x50, $0x38;
	[tilespmem:$0x5080] =	vst v63  }
0x46: {  	p0 =	sne.s32 s22, $0x4D8;
	_ =	swait.ge [sflag:s16], $0x50  }
.Ltmp2:
0x47: {  	[sflag:s16] =	ssyncset.done $0x0;
	(pc) =	sbr.rel @p0 .LBB2_6-.Ltmp2, $4  }
0x48: {  	[sflag:s16] =	ssyncadd.s32 $0xFFFFFFB0  }
0x49: {  	[spmem:s2] =	stream.indirect.scatter.add.f32 [tilespmem:s15], [sflag:$0x1], $0x10, s3, s17, $0xb8;
	[tilespmem:$0x5080] =	vst v63  }
0x4a: {  	_ =	swait.ge [sflag:s16], $0x500  }
0x4b: {  	s22 =	smov.u32 s24;
	[sflag:s16] =	ssyncset.done $0x0  }
0x4c: {  	s21 =	sadd.s32 s21, s14;
	[sflag:s16] =	ssyncadd.s32 $0xFFFFFB00  }
0x4d: {  	[tilespmem:s3], [sflag:$0x1] =	stream.linear.gather [hbm4b:s21+s3], $0x50, $0x38;
	[tilespmem:$0x5080] =	vst v63  }
0x4e: {  	_ =	swait.ge [sflag:s16], $0x50  }
0x4f: {  	[sflag:s16] =	ssyncset.done $0x0  }
0x50: {  	[sflag:s16] =	ssyncadd.s32 $0xFFFFFFB0  }
0x51: {  	[spmem:s2] =	stream.indirect.scatter.add.f32 [tilespmem:s15], [sflag:$0x1], $0x10, s3, s17, $0xb8;
	[tilespmem:$0x5080] =	vst v63  }
0x52: {  	_ =	swait.ge [sflag:s16], $0x500  }
0x53: {  	s20 =	sadd.s32 $0x1, s20;
	[sflag:s16] =	ssyncset.done $0x0  }
0x54: {  	p0 =	sne.s32 s20, s6;
	[sflag:s16] =	ssyncadd.s32 $0xFFFFFB00  }
.Ltmp3:
0x55: {  	[bflag:$0x0] =	sbarrier.arrive $0xFFFF;
	(pc) =	sbr.rel @p0 .LBB2_1-.Ltmp3, $4  }
0x56: {  	[hbm:s4], [sflag:s18] =	dma.local [spmem:s19], $0x2800  }
0x57: {  	_ =	swait.ge [sflag:s16], $0x2800  }
0x58: {  	[sflag:s16] =	ssyncset.done $0x0  }
0x59: {  	[sflag:s16] =	ssyncadd.s32 $0xFFFFD800  }
0x5a: {  	_ =	sfence.sel $0x180000  }
0x5b: {  	[bflag:$0x0] =	sbarrier.arrive $0xFFFF  }
0x5c: {  	p0 =	sne.s32 s0, $0x0;
	_ =	strace $0x9000004A  }
0x5d: {  	s0 =	sadd.s32 @!p0 $0x100000, s1;
	[bflag:$0x2] =	sbarrier.arrive $0xFFFF  }
0x5e: {  	[sflag:s0] =	ssyncadd.tile.s32 @!p0 $0x1;
	_ =	shalt  }
.Lfunc_end2:
_tile_overlayer_lowered:
.L_overlay_start_2:
0x5f: {  	(tag) =	ssettag $0x2  }
0x60: {  	s0 =	rddreg [dreg:$0x0];
	s2 =	stileid.u32  }
0x61: {  	s1 =	rddreg [dreg:$0x1];
	p0 =	sne.s32 s2, $0x0  }
0x62: {  	s3 =	rddreg [dreg:$0x2];
	[bflag:$0x3] =	sbarrier.arrive $0xFFFF;
	s2 =	simm.s32 @!p0 $0x1C01  }
0x63: {  	[timem:s3], [sflag:s2] =	dma.local @!p0 [hbm:s0], s1  }
0x64: {  	s0 =	simm.s32 @!p0 $0x1  }
0x65: {  	_ =	swait.ge @!p0 [sflag:s0], s1  }
0x66: {  	s1 =	ssub.s32 @!p0 $0x0, s1;
	[sflag:s0] =	ssyncset.done @!p0 $0x0  }
0x67: {  	[sflag:s0] =	ssyncadd.s32 @!p0 s1  }
0x68: {  	[bflag:$0x3] =	sbarrier.arrive $0xFFFF  }
0x69: {  	_ =	shalt  }

// kernel: kernel.30.cloned.1.call-start
scs
__scs_entry_jumppad:
0x0: {  	(pc) =	sbr.rel $0x88, $3  }
0x1: {  	(tag) =	ssettag $0x0;
	lr =	simm.s32 $0x1  }
0x2: {  	[smem:$0x3F5E] =	sst lr;
	_ =	strace $0xD0000000  }
0x3: {  	_ = 	snop  }
0x4: {  	_ = 	snop  }
0x5: {  	_ = 	snop  }
0x6: {  	_ = 	snop  }
0x7: {  	_ = 	snop  }
__scs_overlays_trampoline_lowered:
0x8: {  	[smem:$0x3F6D] =	sst s0  }
0x9: {  	[smem:$0x3F6E] =	sst s1  }
0xa: {  	[smem:$0x3F6F] =	sst s2  }
0xb: {  	[smem:$0x3F70] =	sst s3  }
0xc: {  	[smem:$0x3F71] =	sst s4  }
0xd: {  	[smem:$0x3F72] =	sst s5  }
0xe: {  	[smem:$0x3F73] =	sst s6  }
0xf: {  	[smem:$0x3F74] =	sst s7  }
0x10: {  	[smem:$0x3F75] =	sst s8  }
0x11: {  	[smem:$0x3F76] =	sst s9;
	s0 =	simm.s32 @!p0 $0x0  }
0x12: {  	s1 =	sld [smem:$0x3F5C];
	s0 =	simm.s32 @p0 $0x1  }
0x13: {  	[smem:$0x3F77] =	sst s0;
	s0 =	simm.s32 @!p1 $0x0  }
0x14: {  	s2 =	sld [smem:$0x3F5B];
	s0 =	simm.s32 @p1 $0x1  }
0x15: {  	[smem:$0x3F78] =	sst s0;
	s0 =	simm.s32 @!p2 $0x0  }
0x16: {  	s3 =	sld [smem:$0x3FDB];
	s0 =	simm.s32 @p2 $0x1  }
0x17: {  	s4 =	simm.s32 $0x1BF5;
	[smem:$0x3F7A] =	sst s0  }
0x18: {  	s0 =	sld [smem:$0x3F5D];
	_ =	swait.ge [sflag:s4], $0x0  }
0x19: {  	s7 =	sld [smem:$0x3F5E]  }
0x1a: {  	s8 =	sadd.s32 $0xFFFFE003, lr  }
0x1b: {  	s9 =	sadd.s32 $0xFFFFFEF7, lr;
	s5 =	simm.s32 $0xFFFFFFFF;
	p2 =	slt.u32 s8, $0xFFFFF086  }
0x1c: {  	p1 =	slt.u32 s9, $0xF7A;
	s5 =	simm.s32 @!p2 $0x0  }
0x1d: {  	s5 =	simm.s32 @p1 $0x1;
	p0 =	seq.s32 s7, s2  }
0x1e: {  	s7 =	smul.u32 @!p0 $0xF7A, s2;
	p2 =	seq.s32 @!p0 s5, $0x0  }
0x1f: {  	s9 =	smul.u32 $0xF7A, s1;
	s8 =	simm.s32 @!p0 $0x1BF5;
	p2 =	por !p2, p0  }
0x20: {  	[sflag:s8] =	ssyncset.s32 @!p0 $0xFFFFF086;
	s6 =	sadd.s32 @!p0 s3, s7;
	s7 =	simm.s32 @!p0 $0x108  }
0x21: {  	s3 =	sadd.s32 s3, s9;
	s6 =	sadd.s32 @!p0 $0x88, s6;
	s7 =	simm.s32 @p2 $0x1082  }
0x22: {  	[simem:s7], [sflag:s8] =	dma.local @!p0 [hbm:s6], $0xF7A  }
0x23: {  	s9 =	sor.u32 $0xD0000000, s2;
	s6 =	simm.s32 $0x108;
	_ =	swait.ge @!p0 [sflag:s8], $0x0  }
0x24: {  	s3 =	sadd.s32 $0x88, s3;
	s6 =	simm.s32 @!p1 $0x1082;
	[sflag:s4] =	ssyncset.s32 $0xFFFFF086  }
0x25: {  	[simem:s6], [sflag:s4] =	dma.local [hbm:s3], $0xF7A  }
0x26: {  	[smem:$0x3F5E] =	sst s1;
	(tag) =	ssettag s2;
	_ =	strace s9  }
0x27: {  	s1 =	sld [smem:$0x3F6E]  }
0x28: {  	s2 =	sld [smem:$0x3F6F]  }
0x29: {  	s4 =	sld [smem:$0x3F71]  }
0x2a: {  	p0 =	seq.s32 s5, $0x0;
	s5 =	sld [smem:$0x3F72]  }
0x2b: {  	s6 =	sld [smem:$0x3F73]  }
0x2c: {  	s7 =	sld [smem:$0x3F74]  }
0x2d: {  	s3 =	simm.s32 $0x108;
	s8 =	sld [smem:$0x3F75]  }
0x2e: {  	s3 =	simm.s32 @!p0 $0x1082;
	s9 =	sld [smem:$0x3F76]  }
0x2f: {  	lr =	sadd.s32 s0, s3;
	s0 =	sld [smem:$0x3F6D]  }
0x30: {  	s3 =	sld [smem:$0x3F70]  }
0x31: {  	[smem:$0x3F79] =	sst s10  }
0x32: {  	s10 =	sld [smem:$0x3F77];
	_ =	sdelay $0x3  }
0x33: {  	p0 =	seq.s32 s10, $0x1;
	s10 =	sld [smem:$0x3F79];
	_ =	sdelay $0x3  }
0x34: {  	[smem:$0x3F79] =	sst s10  }
0x35: {  	s10 =	sld [smem:$0x3F78];
	_ =	sdelay $0x3  }
0x36: {  	p1 =	seq.s32 s10, $0x1;
	s10 =	sld [smem:$0x3F79];
	_ =	sdelay $0x3  }
0x37: {  	[smem:$0x3F79] =	sst s10  }
0x38: {  	s10 =	sld [smem:$0x3F7A]  }
0x39: {  	_ = 	snop;
	(pc) =	sbr.ind lr, $3  }
0x3a: {  	_ = 	snop  }
0x3b: {  	_ = 	snop  }
0x3c: {  	p2 =	seq.s32 s10, $0x1;
	s10 =	sld [smem:$0x3F79]  }
0x3d: {  	_ =	shalt  }
0x3e: {  	_ =	shalt  }
0x3f: {  	_ =	shalt  }
0x40: {  	_ =	shalt  }
0x41: {  	_ =	shalt  }
0x42: {  	_ =	shalt  }
0x43: {  	_ =	shalt  }
0x44: {  	_ =	shalt  }
0x45: {  	_ =	shalt  }
0x46: {  	_ =	shalt  }
0x47: {  	_ =	shalt  }
0x48: {  	_ =	shalt  }
0x49: {  	_ =	shalt  }
0x4a: {  	_ =	shalt  }
0x4b: {  	_ =	shalt  }
0x4c: {  	_ =	shalt  }
0x4d: {  	_ =	shalt  }
0x4e: {  	_ =	shalt  }
0x4f: {  	_ =	shalt  }
0x50: {  	_ =	shalt  }
0x51: {  	_ =	shalt  }
0x52: {  	_ =	shalt  }
0x53: {  	_ =	shalt  }
0x54: {  	_ =	shalt  }
0x55: {  	_ =	shalt  }
0x56: {  	_ =	shalt  }
0x57: {  	_ =	shalt  }
0x58: {  	_ =	shalt  }
0x59: {  	_ =	shalt  }
0x5a: {  	_ =	shalt  }
0x5b: {  	_ =	shalt  }
0x5c: {  	_ =	shalt  }
0x5d: {  	_ =	shalt  }
0x5e: {  	_ =	shalt  }
0x5f: {  	_ =	shalt  }
0x60: {  	_ =	shalt  }
0x61: {  	_ =	shalt  }
0x62: {  	_ =	shalt  }
0x63: {  	_ =	shalt  }
0x64: {  	_ =	shalt  }
0x65: {  	_ =	shalt  }
0x66: {  	_ =	shalt  }
0x67: {  	_ =	shalt  }
0x68: {  	_ =	shalt  }
0x69: {  	_ =	shalt  }
0x6a: {  	_ =	shalt  }
0x6b: {  	_ =	shalt  }
0x6c: {  	_ =	shalt  }
0x6d: {  	_ =	shalt  }
0x6e: {  	_ =	shalt  }
0x6f: {  	_ =	shalt  }
0x70: {  	_ =	shalt  }
0x71: {  	_ =	shalt  }
0x72: {  	_ =	shalt  }
0x73: {  	_ =	shalt  }
0x74: {  	_ =	shalt  }
0x75: {  	_ =	shalt  }
0x76: {  	_ =	shalt  }
0x77: {  	_ =	shalt  }
0x78: {  	_ =	shalt  }
0x79: {  	_ =	shalt  }
0x7a: {  	_ =	shalt  }
0x7b: {  	_ =	shalt  }
0x7c: {  	_ =	shalt  }
0x7d: {  	_ =	shalt  }
0x7e: {  	_ =	shalt  }
0x7f: {  	_ =	shalt  }
0x80: {  	_ =	shalt  }
0x81: {  	_ =	shalt  }
0x82: {  	_ =	shalt  }
0x83: {  	_ =	shalt  }
0x84: {  	_ =	shalt  }
0x85: {  	_ =	shalt  }
0x86: {  	_ =	shalt  }
0x87: {  	_ =	shalt  }
.Lfunc_end0:
.L_simem_size_0:
called_computation.1_lowered:
.L_overlay_start_0:
0x88: {  	s2 =	sld [smem:$0x3FD9]  }
0x89: {  	s3 =	sld [smem:$0x3FFE];
	_ =	sdelay $0x1  }
0x8a: {  	s1 =	srdreg.scid  }
0x8b: {  	s0 =	sand.u32 $0x1, s1  }
0x8c: {  	s16 =	sshll.u32 s0, $0xA;
	s2 =	sadd.s32 s3, s2  }
0x8d: {  	s2 =	sadd.s32 s2, s16  }
0x8e: {  	[smem:$0x3F85] =	sst s2  }
0x8f: {  	_ = 	snop  }
0x90: {  	(tm) =	ssettm $0x1  }
0x91: {  	s17 =	sld [smem:$0x3FFB];
	_ =	sdelay $0x3  }
0x92: {  	_ =	strace s17  }
0x93: {  	s2 =	sld [smem:$0x3FFC];
	_ =	sdelay $0x3  }
0x94: {  	_ =	strace s2  }
0x95: {  	s2 =	sld [smem:$0x3FFD];
	_ =	sdelay $0x3  }
0x96: {  	_ =	strace s2  }
0x97: {  	_ =	strace $0x8FFFFFFF  }
0x98: {  	s18 =	sld [smem:$0x3FDB];
	_ =	sdelay $0x1  }
0x99: {  	s19 =	simm.s32 $_scs_section_size  }
0x9a: {  	s4 =	simm.s32 $_size__tile_overlayer_lowered;
	s5 =	simm.s32 $_tile_overlayer_lowered  }
0x9b: {  	s22 =	simm.s32 $0x1BFF;
	s21 =	sshll.u32 s5, $0x1;
	s2 =	sadd.s32 s19, s18  }
0x9c: {  	s6 =	simm.s32 $0x0;
	s20 =	sshll.u32 s4, $0x1;
	s4 =	sadd.s32 s21, s2  }
0x9d: {  	[timem:s6], [sflag:s22] =	dma.local [hbm:s4], s20  }
0x9e: {  	_ =	swait.ge [sflag:s22], s20  }
0x9f: {  	s3 =	ssub.s32 $0x0, s20;
	[sflag:s22] =	ssyncset.done $0x0  }
0xa0: {  	[sflag:s22] =	ssyncadd.s32 s3;
	_ =	sdelay $0x1  }
0xa1: {  	s23 =	simm.s32 $0x1B8B  }
0xa2: {  	_ =	swait.ge [sflag:s23], $0x1  }
0xa3: {  	[sflag:s23] =	ssyncset.done $0x0  }
0xa4: {  	s25 =	simm.s32 $0x1B8E;
	s24 =	sld [smem:$0x3FFE];
	[sflag:s23] =	ssyncadd.s32 $0xFFFFFFFF  }
0xa5: {  	s26 =	simm.s32 $execute0_lowered;
	[smem:$0x3FD2] =	sst s25  }
0xa6: {  	s4 =	sshll.u32 s26, $0x1;
	_ =	strace $0x80000046;
	[dreg:$0x1] =	wrdreg $0xFFFFFFFF  }
0xa7: {  	s28 =	simm.s32 $_size_execute0_lowered;
	s2 =	sadd.s32 s2, s4;
	[dreg:$0x0] =	wrdreg $0x0  }
0xa8: {  	s4 =	sshll.u32 s28, $0x1;
	[dreg:$0x2] =	wrdreg s2  }
0xa9: {  	[dreg:$0x3] =	wrdreg s4  }
0xaa: {  	[dreg:$0x4] =	wrdreg $0xC0  }
0xab: {  	_ =	task [dreg:s6], $0x5FFFF  }
0xac: {  	[dreg:$0x1] =	wrdreg $0xFFFFFFFF  }
0xad: {  	[dreg:$0x0] =	wrdreg $0x60  }
0xae: {  	[dreg:$0x2] =	wrdreg s24  }
0xaf: {  	[dreg:$0x3] =	wrdreg $0xA  }
0xb0: {  	_ =	task.clear_ibuf [dreg:s6], $0x4FFFF;
	_ =	strace $0x90000046  }
0xb1: {  	s29 =	simm.s32 $0xA;
	_ =	strace $0x80000048  }
0xb2: {  	_ =	swait.ge [sflag:s29], $0x1  }
0xb3: {  	[sflag:s29] =	ssyncadd.s32 $0xFFFFFFFF  }
0xb4: {  	_ =	strace $0x90000048  }
0xb5: {  	_ =	sfence  }
0xb6: {  	s30 =	sld [smem:$0x0];
	_ =	sdelay $0x2  }
0xb7: {  	s31 =	sshll.u32 s1, $0xD;
	s1 =	sshrl.u32 s1, $0x2  }
0xb8: {  	s3 =	sand.u32 $0x4000, s31;
	s1 =	sadd.s32 s1, s30  }
0xb9: {  	s0 =	sor.u32 s3, s0;
	s1 =	sshll.u32 s1, $0x11  }
0xba: {  	s0 =	sor.u32 s1, s0  }
0xbb: {  	s0 =	sadd.s32 $0x8F2B, s0  }
0xbc: {  	[sflag:s0] =	ssyncadd.remote.s32 $0x1  }
0xbd: {  	_ =	sfence.sel $0xFFFF  }
0xbe: {  	[dreg:$0x0] =	wrdreg $0xFFFFFFFF;
	(pc) =	sbr.abs _section_cstart, $3  }
0xbf: {  	[dreg:$0x1] =	wrdreg $0xFFFFFFFF  }
0xc0: {  	_ =	task.clear_ibuf [dreg:s6], $0x2FFFF;
	_ =	strace $0x9FFFFFFF  }
0xc1: {  	(tm) =	ssettm $0x7FFFFFFF  }
tec
execute0_lowered:
.L_overlay_start_1:
0x0: {  	(tag) =	ssettag $0x1  }
0x1: {  	s4 =	rddreg [dreg:$0x0]  }
0x2: {  	s0 =	rddreg [dreg:$0x1];
	s2 =	simm.s32 $0x0;
	s1 =	stileid.u32  }
0x3: {  	s3 =	srdreg.scid;
	s10 =	simm.s32 $0x0;
	s6 =	smul.u32 $0x4E20, s1  }
0x4: {  	[smem:$0x7FF] =	sst s2;
	s5 =	sand.u32 $0x1, s3;
	s8 =	smul.u32 $0x4E200, s1  }
0x5: {  	s3 =	sadd.s32 $0x49800, s4;
	s7 =	smul.u32 $0x2710, s5;
	s9 =	ssub.s32 $0x2, s5  }
0x6: {  	_ =	strace $0x80000047;
	s5 =	smul.u32 $0x27100, s5;
	s31 =	sshrl.u32 s9, $0x1  }
0x7: {  	s8 =	sadd.s32 s8, s4;
	s6 =	sadd.s32 s7, s6;
	s7 =	ssub.s32 s9, s31  }
0x8: {  	s5 =	sadd.s32 s5, s8;
	s8 =	simm.s32 $0x50;
	s6 =	sshrl.u32 s6, $0x3  }
0x9: {  	s9 =	simm.s32 $0x80;
	s5 =	sadd.s32 $0x71800, s5;
	s6 =	sadd.s32 s6, s4  }
0xa: {  	s4 =	smax.u32 s7, $0x1;
	s7 =	simm.s32 $0x1;
	s6 =	sadd.s32 $0xDC00, s6  }
.LBB2_1:
0xb: {  	s11 =	sadd.s32 $0x0, s6  }
0xc: {  	[tilespmem:s2], [sflag:$0x1] =	stream.linear.gather [hbm4b:s11+s2], $0x50, $0x38;
	[tilespmem:$0x2880] =	vst v63  }
0xd: {  	_ =	swait.ge [sflag:s7], $0x50  }
0xe: {  	[sflag:s7] =	ssyncset.done $0x0  }
0xf: {  	[sflag:s7] =	ssyncadd.s32 $0xFFFFFFB0  }
0x10: {  	[tilespmem:s9], [sflag:$0x1] =	stream.indirect.gather [hbm4b:s3+s8], $0x80, s2, s8, $0xb8;
	[tilespmem:$0x2880] =	vst v63  }
0x11: {  	_ =	swait.ge [sflag:s7], $0x2800  }
0x12: {  	[sflag:s7] =	ssyncset.done $0x0  }
0x13: {  	[sflag:s7] =	ssyncadd.s32 $0xFFFFD800  }
0x14: {  	[hbm4b:s5+s2] =	stream.linear.scatter [tilespmem:s9], [sflag:$0x1], $0x2800, $0x38;
	[tilespmem:$0x2880] =	vst v63  }
0x15: {  	s12 =	simm.s32 $0xA;
	_ =	swait.ge [sflag:s7], $0x2800  }
0x16: {  	s13 =	simm.s32 $0x14;
	s11 =	sadd.s32 $0x500, s5;
	[sflag:s7] =	ssyncset.done $0x0  }
.LBB2_2:
0x17: {  	s14 =	sadd.s32 s12, s6  }
0x18: {  	[sflag:s7] =	ssyncadd.s32 $0xFFFFD800;
	s12 =	smov.u32 s13;
	s15 =	sadd.s32 $0xA, s13  }
0x19: {  	[tilespmem:s2], [sflag:$0x1] =	stream.linear.gather [hbm4b:s14+s2], $0x50, $0x38;
	[tilespmem:$0x2880] =	vst v63  }
0x1a: {  	p0 =	sne.s32 s13, $0x4D8;
	_ =	swait.ge [sflag:s7], $0x50  }
0x1b: {  	[sflag:s7] =	ssyncset.done $0x0  }
0x1c: {  	[sflag:s7] =	ssyncadd.s32 $0xFFFFFFB0  }
0x1d: {  	[tilespmem:s9], [sflag:$0x1] =	stream.indirect.gather [hbm4b:s3+s8], $0x80, s2, s8, $0xb8;
	[tilespmem:$0x2880] =	vst v63  }
0x1e: {  	_ =	swait.ge [sflag:s7], $0x2800  }
.Ltmp0:
0x1f: {  	[sflag:s7] =	ssyncset.done $0x0;
	(pc) =	sbr.rel @p0 .LBB2_2-.Ltmp0, $4  }
0x20: {  	[sflag:s7] =	ssyncadd.s32 $0xFFFFD800  }
0x21: {  	[hbm4b:s11+s2] =	stream.linear.scatter [tilespmem:s9], [sflag:$0x1], $0x2800, $0x38;
	[tilespmem:$0x2880] =	vst v63  }
0x22: {  	_ =	swait.ge [sflag:s7], $0x2800  }
0x23: {  	s13 =	smov.u32 s15;
	s11 =	sadd.s32 $0x500, s11;
	[sflag:s7] =	ssyncset.done $0x0  }
0x24: {  	s12 =	sadd.s32 s12, s6;
	[sflag:s7] =	ssyncadd.s32 $0xFFFFD800  }
0x25: {  	[tilespmem:s2], [sflag:$0x1] =	stream.linear.gather [hbm4b:s12+s2], $0x50, $0x38;
	[tilespmem:$0x2880] =	vst v63  }
0x26: {  	_ =	swait.ge [sflag:s7], $0x50  }
0x27: {  	[sflag:s7] =	ssyncset.done $0x0  }
0x28: {  	[sflag:s7] =	ssyncadd.s32 $0xFFFFFFB0  }
0x29: {  	[tilespmem:s9], [sflag:$0x1] =	stream.indirect.gather [hbm4b:s3+s8], $0x80, s2, s8, $0xb8;
	[tilespmem:$0x2880] =	vst v63  }
0x2a: {  	s10 =	sadd.s32 $0x1, s10;
	_ =	swait.ge [sflag:s7], $0x2800  }
0x2b: {  	p0 =	sne.s32 s10, s4;
	[sflag:s7] =	ssyncset.done $0x0  }
.Ltmp1:
0x2c: {  	[sflag:s7] =	ssyncadd.s32 $0xFFFFD800;
	(pc) =	sbr.rel @p0 .LBB2_1-.Ltmp1, $4  }
0x2d: {  	[hbm4b:s11+s2] =	stream.linear.scatter [tilespmem:s9], [sflag:$0x1], $0x2800, $0x38;
	[tilespmem:$0x2880] =	vst v63  }
0x2e: {  	_ =	swait.ge [sflag:s7], $0x2800  }
0x2f: {  	[sflag:s7] =	ssyncset.done $0x0  }
0x30: {  	[sflag:s7] =	ssyncadd.s32 $0xFFFFD800  }
0x31: {  	_ =	sfence.sel $0x180000  }
0x32: {  	[bflag:$0x0] =	sbarrier.arrive $0xFFFF  }
0x33: {  	p0 =	sne.s32 s1, $0x0;
	_ =	strace $0x90000047  }
0x34: {  	s0 =	sadd.s32 @!p0 $0x100000, s0;
	[bflag:$0x2] =	sbarrier.arrive $0xFFFF  }
0x35: {  	[sflag:s0] =	ssyncadd.tile.s32 @!p0 $0x1;
	_ =	shalt  }
.Lfunc_end2:
_tile_overlayer_lowered:
.L_overlay_start_2:
0x36: {  	(tag) =	ssettag $0x2  }
0x37: {  	s0 =	rddreg [dreg:$0x0];
	s2 =	stileid.u32  }
0x38: {  	s1 =	rddreg [dreg:$0x1];
	p0 =	sne.s32 s2, $0x0  }
0x39: {  	s3 =	rddreg [dreg:$0x2];
	[bflag:$0x3] =	sbarrier.arrive $0xFFFF;
	s2 =	simm.s32 @!p0 $0x1C01  }
0x3a: {  	[timem:s3], [sflag:s2] =	dma.local @!p0 [hbm:s0], s1  }
0x3b: {  	s0 =	simm.s32 @!p0 $0x1  }
0x3c: {  	_ =	swait.ge @!p0 [sflag:s0], s1  }
0x3d: {  	s1 =	ssub.s32 @!p0 $0x0, s1;
	[sflag:s0] =	ssyncset.done @!p0 $0x0  }
0x3e: {  	[sflag:s0] =	ssyncadd.s32 @!p0 s1  }
0x3f: {  	[bflag:$0x3] =	sbarrier.arrive $0xFFFF  }
0x40: {  	_ =	shalt  }

// kernel: kernel.33.cloned.1.call-start
scs
__scs_entry_jumppad:
0x0: {  	(pc) =	sbr.rel $0x88, $3  }
0x1: {  	(tag) =	ssettag $0x0;
	lr =	simm.s32 $0x1  }
0x2: {  	[smem:$0x3F5E] =	sst lr;
	_ =	strace $0xD0000000  }
0x3: {  	_ = 	snop  }
0x4: {  	_ = 	snop  }
0x5: {  	_ = 	snop  }
0x6: {  	_ = 	snop  }
0x7: {  	_ = 	snop  }
__scs_overlays_trampoline_lowered:
0x8: {  	[smem:$0x3F6D] =	sst s0  }
0x9: {  	[smem:$0x3F6E] =	sst s1  }
0xa: {  	[smem:$0x3F6F] =	sst s2  }
0xb: {  	[smem:$0x3F70] =	sst s3  }
0xc: {  	[smem:$0x3F71] =	sst s4  }
0xd: {  	[smem:$0x3F72] =	sst s5  }
0xe: {  	[smem:$0x3F73] =	sst s6  }
0xf: {  	[smem:$0x3F74] =	sst s7  }
0x10: {  	[smem:$0x3F75] =	sst s8  }
0x11: {  	[smem:$0x3F76] =	sst s9;
	s0 =	simm.s32 @!p0 $0x0  }
0x12: {  	s1 =	sld [smem:$0x3F5C];
	s0 =	simm.s32 @p0 $0x1  }
0x13: {  	[smem:$0x3F77] =	sst s0;
	s0 =	simm.s32 @!p1 $0x0  }
0x14: {  	s2 =	sld [smem:$0x3F5B];
	s0 =	simm.s32 @p1 $0x1  }
0x15: {  	[smem:$0x3F78] =	sst s0;
	s0 =	simm.s32 @!p2 $0x0  }
0x16: {  	s3 =	sld [smem:$0x3FDB];
	s0 =	simm.s32 @p2 $0x1  }
0x17: {  	s4 =	simm.s32 $0x1BF5;
	[smem:$0x3F7A] =	sst s0  }
0x18: {  	s0 =	sld [smem:$0x3F5D];
	_ =	swait.ge [sflag:s4], $0x0  }
0x19: {  	s7 =	sld [smem:$0x3F5E]  }
0x1a: {  	s8 =	sadd.s32 $0xFFFFE003, lr  }
0x1b: {  	s9 =	sadd.s32 $0xFFFFFEF7, lr;
	s5 =	simm.s32 $0xFFFFFFFF;
	p2 =	slt.u32 s8, $0xFFFFF086  }
0x1c: {  	p1 =	slt.u32 s9, $0xF7A;
	s5 =	simm.s32 @!p2 $0x0  }
0x1d: {  	s5 =	simm.s32 @p1 $0x1;
	p0 =	seq.s32 s7, s2  }
0x1e: {  	s7 =	smul.u32 @!p0 $0xF7A, s2;
	p2 =	seq.s32 @!p0 s5, $0x0  }
0x1f: {  	s9 =	smul.u32 $0xF7A, s1;
	s8 =	simm.s32 @!p0 $0x1BF5;
	p2 =	por !p2, p0  }
0x20: {  	[sflag:s8] =	ssyncset.s32 @!p0 $0xFFFFF086;
	s6 =	sadd.s32 @!p0 s3, s7;
	s7 =	simm.s32 @!p0 $0x108  }
0x21: {  	s3 =	sadd.s32 s3, s9;
	s6 =	sadd.s32 @!p0 $0x88, s6;
	s7 =	simm.s32 @p2 $0x1082  }
0x22: {  	[simem:s7], [sflag:s8] =	dma.local @!p0 [hbm:s6], $0xF7A  }
0x23: {  	s9 =	sor.u32 $0xD0000000, s2;
	s6 =	simm.s32 $0x108;
	_ =	swait.ge @!p0 [sflag:s8], $0x0  }
0x24: {  	s3 =	sadd.s32 $0x88, s3;
	s6 =	simm.s32 @!p1 $0x1082;
	[sflag:s4] =	ssyncset.s32 $0xFFFFF086  }
0x25: {  	[simem:s6], [sflag:s4] =	dma.local [hbm:s3], $0xF7A  }
0x26: {  	[smem:$0x3F5E] =	sst s1;
	(tag) =	ssettag s2;
	_ =	strace s9  }
0x27: {  	s1 =	sld [smem:$0x3F6E]  }
0x28: {  	s2 =	sld [smem:$0x3F6F]  }
0x29: {  	s4 =	sld [smem:$0x3F71]  }
0x2a: {  	p0 =	seq.s32 s5, $0x0;
	s5 =	sld [smem:$0x3F72]  }
0x2b: {  	s6 =	sld [smem:$0x3F73]  }
0x2c: {  	s7 =	sld [smem:$0x3F74]  }
0x2d: {  	s3 =	simm.s32 $0x108;
	s8 =	sld [smem:$0x3F75]  }
0x2e: {  	s3 =	simm.s32 @!p0 $0x1082;
	s9 =	sld [smem:$0x3F76]  }
0x2f: {  	lr =	sadd.s32 s0, s3;
	s0 =	sld [smem:$0x3F6D]  }
0x30: {  	s3 =	sld [smem:$0x3F70]  }
0x31: {  	[smem:$0x3F79] =	sst s10  }
0x32: {  	s10 =	sld [smem:$0x3F77];
	_ =	sdelay $0x3  }
0x33: {  	p0 =	seq.s32 s10, $0x1;
	s10 =	sld [smem:$0x3F79];
	_ =	sdelay $0x3  }
0x34: {  	[smem:$0x3F79] =	sst s10  }
0x35: {  	s10 =	sld [smem:$0x3F78];
	_ =	sdelay $0x3  }
0x36: {  	p1 =	seq.s32 s10, $0x1;
	s10 =	sld [smem:$0x3F79];
	_ =	sdelay $0x3  }
0x37: {  	[smem:$0x3F79] =	sst s10  }
0x38: {  	s10 =	sld [smem:$0x3F7A]  }
0x39: {  	_ = 	snop;
	(pc) =	sbr.ind lr, $3  }
0x3a: {  	_ = 	snop  }
0x3b: {  	_ = 	snop  }
0x3c: {  	p2 =	seq.s32 s10, $0x1;
	s10 =	sld [smem:$0x3F79]  }
0x3d: {  	_ =	shalt  }
0x3e: {  	_ =	shalt  }
0x3f: {  	_ =	shalt  }
0x40: {  	_ =	shalt  }
0x41: {  	_ =	shalt  }
0x42: {  	_ =	shalt  }
0x43: {  	_ =	shalt  }
0x44: {  	_ =	shalt  }
0x45: {  	_ =	shalt  }
0x46: {  	_ =	shalt  }
0x47: {  	_ =	shalt  }
0x48: {  	_ =	shalt  }
0x49: {  	_ =	shalt  }
0x4a: {  	_ =	shalt  }
0x4b: {  	_ =	shalt  }
0x4c: {  	_ =	shalt  }
0x4d: {  	_ =	shalt  }
0x4e: {  	_ =	shalt  }
0x4f: {  	_ =	shalt  }
0x50: {  	_ =	shalt  }
0x51: {  	_ =	shalt  }
0x52: {  	_ =	shalt  }
0x53: {  	_ =	shalt  }
0x54: {  	_ =	shalt  }
0x55: {  	_ =	shalt  }
0x56: {  	_ =	shalt  }
0x57: {  	_ =	shalt  }
0x58: {  	_ =	shalt  }
0x59: {  	_ =	shalt  }
0x5a: {  	_ =	shalt  }
0x5b: {  	_ =	shalt  }
0x5c: {  	_ =	shalt  }
0x5d: {  	_ =	shalt  }
0x5e: {  	_ =	shalt  }
0x5f: {  	_ =	shalt  }
0x60: {  	_ =	shalt  }
0x61: {  	_ =	shalt  }
0x62: {  	_ =	shalt  }
0x63: {  	_ =	shalt  }
0x64: {  	_ =	shalt  }
0x65: {  	_ =	shalt  }
0x66: {  	_ =	shalt  }
0x67: {  	_ =	shalt  }
0x68: {  	_ =	shalt  }
0x69: {  	_ =	shalt  }
0x6a: {  	_ =	shalt  }
0x6b: {  	_ =	shalt  }
0x6c: {  	_ =	shalt  }
0x6d: {  	_ =	shalt  }
0x6e: {  	_ =	shalt  }
0x6f: {  	_ =	shalt  }
0x70: {  	_ =	shalt  }
0x71: {  	_ =	shalt  }
0x72: {  	_ =	shalt  }
0x73: {  	_ =	shalt  }
0x74: {  	_ =	shalt  }
0x75: {  	_ =	shalt  }
0x76: {  	_ =	shalt  }
0x77: {  	_ =	shalt  }
0x78: {  	_ =	shalt  }
0x79: {  	_ =	shalt  }
0x7a: {  	_ =	shalt  }
0x7b: {  	_ =	shalt  }
0x7c: {  	_ =	shalt  }
0x7d: {  	_ =	shalt  }
0x7e: {  	_ =	shalt  }
0x7f: {  	_ =	shalt  }
0x80: {  	_ =	shalt  }
0x81: {  	_ =	shalt  }
0x82: {  	_ =	shalt  }
0x83: {  	_ =	shalt  }
0x84: {  	_ =	shalt  }
0x85: {  	_ =	shalt  }
0x86: {  	_ =	shalt  }
0x87: {  	_ =	shalt  }
.Lfunc_end0:
.L_simem_size_0:
called_computation.2_lowered:
.L_overlay_start_0:
0x88: {  	s2 =	sld [smem:$0x3FD9]  }
0x89: {  	s3 =	sld [smem:$0x3FFE];
	_ =	sdelay $0x1  }
0x8a: {  	s1 =	srdreg.scid  }
0x8b: {  	s0 =	sand.u32 $0x1, s1  }
0x8c: {  	s17 =	sshll.u32 s0, $0xA;
	s2 =	sadd.s32 s3, s2  }
0x8d: {  	s2 =	sadd.s32 s2, s17  }
0x8e: {  	[smem:$0x3F85] =	sst s2  }
0x8f: {  	_ = 	snop  }
0x90: {  	(tm) =	ssettm $0x1  }
0x91: {  	s18 =	sld [smem:$0x3FFB];
	_ =	sdelay $0x3  }
0x92: {  	_ =	strace s18  }
0x93: {  	s2 =	sld [smem:$0x3FFC];
	_ =	sdelay $0x3  }
0x94: {  	_ =	strace s2  }
0x95: {  	s2 =	sld [smem:$0x3FFD];
	_ =	sdelay $0x3  }
0x96: {  	_ =	strace s2  }
0x97: {  	_ =	strace $0x8FFFFFFF  }
0x98: {  	s19 =	sld [smem:$0x3FDB];
	_ =	sdelay $0x1  }
0x99: {  	s20 =	simm.s32 $_scs_section_size  }
0x9a: {  	s4 =	simm.s32 $_size__tile_overlayer_lowered;
	s5 =	simm.s32 $_tile_overlayer_lowered  }
0x9b: {  	s6 =	simm.s32 $0x1BFF;
	s21 =	sshll.u32 s5, $0x1;
	s3 =	sadd.s32 s20, s19  }
0x9c: {  	s22 =	simm.s32 $0x0;
	s4 =	sshll.u32 s4, $0x1;
	s5 =	sadd.s32 s21, s3  }
0x9d: {  	[timem:s22], [sflag:s6] =	dma.local [hbm:s5], s4  }
0x9e: {  	_ =	swait.ge [sflag:s6], s4  }
0x9f: {  	s4 =	ssub.s32 $0x0, s4;
	[sflag:s6] =	ssyncset.done $0x0  }
0xa0: {  	[sflag:s6] =	ssyncadd.s32 s4;
	_ =	sdelay $0x1  }
0xa1: {  	s23 =	simm.s32 $0x1B8B  }
0xa2: {  	_ =	swait.ge [sflag:s23], $0x1  }
0xa3: {  	[sflag:s23] =	ssyncset.done $0x0  }
0xa4: {  	[sflag:s23] =	ssyncadd.s32 $0xFFFFFFFF  }
0xa5: {  	s4 =	sld [smem:$0x0]  }
0xa6: {  	s5 =	sand.u32 $0xFFFFFFFE, s1  }
0xa7: {  	p0 =	sne.s32 s1, s5  }
0xa8: {  	s5 =	sshll.u32 @p0 s5, $0xE  }
0xa9: {  	s5 =	sadd.s32 @p0 $0x11B8D, s5;
	s6 =	sshll.u32 @p0 s4, $0x11  }
0xaa: {  	s5 =	sor.u32 @p0 s6, s5  }
0xab: {  	[sflag:s5] =	ssyncadd.remote.s32 @p0 $0x1;
	_ =	sdelay $0x1  }
0xac: {  	s5 =	simm.s32 @p0 $0x1B8D  }
0xad: {  	_ =	swait.eq @p0 [sflag:s5], $0x1  }
0xae: {  	[sflag:s5] =	ssyncadd.s32 @p0 $0xFFFFFFFF  }
0xaf: {  	s6 =	sshll.u32 @!p0 s1, $0xE  }
0xb0: {  	s6 =	sor.u32 @!p0 $0x4000, s6;
	s5 =	simm.s32 @!p0 $0x1B8D  }
0xb1: {  	s4 =	sshll.u32 @!p0 s4, $0x11;
	s6 =	sadd.s32 @!p0 $0x11B8D, s6;
	_ =	swait.eq @!p0 [sflag:s5], $0x1  }
0xb2: {  	s4 =	sor.u32 @!p0 s4, s6;
	[sflag:s5] =	ssyncadd.s32 @!p0 $0xFFFFFFFF  }
0xb3: {  	s25 =	simm.s32 $0x1B8E;
	s24 =	sld [smem:$0x3FFE];
	[sflag:s4] =	ssyncadd.remote.s32 @!p0 $0x1  }
0xb4: {  	s26 =	simm.s32 $execute0_lowered;
	[smem:$0x3FD2] =	sst s25  }
0xb5: {  	s5 =	sshll.u32 s26, $0x1;
	_ =	strace $0x8000004C;
	[dreg:$0x1] =	wrdreg $0xFFFFFFFF  }
0xb6: {  	s28 =	simm.s32 $_size_execute0_lowered;
	s3 =	sadd.s32 s3, s5;
	[dreg:$0x0] =	wrdreg $0x0  }
0xb7: {  	s5 =	sshll.u32 s28, $0x1;
	[dreg:$0x2] =	wrdreg s3  }
0xb8: {  	[dreg:$0x3] =	wrdreg s5  }
0xb9: {  	[dreg:$0x4] =	wrdreg $0xC0  }
0xba: {  	_ =	task [dreg:s22], $0x5FFFF  }
0xbb: {  	[dreg:$0x1] =	wrdreg $0xFFFFFFFF  }
0xbc: {  	[dreg:$0x0] =	wrdreg $0x60  }
0xbd: {  	[dreg:$0x2] =	wrdreg s24  }
0xbe: {  	[dreg:$0x3] =	wrdreg $0x28800  }
0xbf: {  	[dreg:$0x4] =	wrdreg $0xA  }
0xc0: {  	_ =	task.clear_ibuf [dreg:s22], $0x5FFFF;
	_ =	strace $0x9000004C  }
0xc1: {  	s29 =	simm.s32 $0xA;
	_ =	strace $0x8000004E  }
0xc2: {  	_ =	swait.ge [sflag:s29], $0x1  }
0xc3: {  	[sflag:s29] =	ssyncadd.s32 $0xFFFFFFFF  }
0xc4: {  	_ =	strace $0x9000004E  }
0xc5: {  	_ =	sfence  }
0xc6: {  	s30 =	sld [smem:$0x0];
	_ =	sdelay $0x2  }
0xc7: {  	s31 =	sshll.u32 s1, $0xD;
	s1 =	sshrl.u32 s1, $0x2  }
0xc8: {  	s4 =	sand.u32 $0x4000, s31;
	s1 =	sadd.s32 s1, s30  }
0xc9: {  	s0 =	sor.u32 s4, s0;
	s1 =	sshll.u32 s1, $0x11  }
0xca: {  	s0 =	sor.u32 s1, s0  }
0xcb: {  	s0 =	sadd.s32 $0x8F2B, s0  }
0xcc: {  	[sflag:s0] =	ssyncadd.remote.s32 $0x1  }
0xcd: {  	_ =	sfence.sel $0xFFFF  }
0xce: {  	[dreg:$0x0] =	wrdreg $0xFFFFFFFF;
	(pc) =	sbr.abs _section_cstart, $3  }
0xcf: {  	[dreg:$0x1] =	wrdreg $0xFFFFFFFF  }
0xd0: {  	_ =	task.clear_ibuf [dreg:s22], $0x2FFFF;
	_ =	strace $0x9FFFFFFF  }
0xd1: {  	(tm) =	ssettm $0x7FFFFFFF  }
tec
execute0_lowered:
.L_overlay_start_1:
0x0: {  	(tag) =	ssettag $0x1  }
0x1: {  	s0 =	stileid.u32  }
0x2: {  	s1 =	srdreg.scid;
	s5 =	rddreg [dreg:$0x0]  }
0x3: {  	s2 =	rddreg [dreg:$0x1];
	s4 =	smul.u32 $0x4E200, s0  }
0x4: {  	s3 =	simm.s32 $0x0;
	s17 =	simm.s32 $0x1;
	s6 =	smul.u32 $0x4E20, s0  }
0x5: {  	s18 =	simm.s32 $0x50;
	s21 =	simm.s32 $0x0;
	s23 =	smul.u32 $0x14000, s0  }
0x6: {  	s9 =	sand.u32 $0x1, s1;
	s1 =	rddreg [dreg:$0x2];
	s28 =	smul.u32 $0x50000, s0  }
0x7: {  	[smem:$0x7FF] =	sst s3;
	s19 =	sshll.u32 s0, $0x6;
	s7 =	smul.u32 $0x2710, s9  }
0x8: {  	s8 =	smul.u32 $0x140000, s9;
	_ =	strace $0x8000004D;
	s26 =	ssub.s32 $0x2, s9  }
0x9: {  	s16 =	smul.u32 $0x27100, s9;
	s19 =	sor.u32 $0x1C01, s19;
	s14 =	sadd.s32 s4, s5  }
0xa: {  	s30 =	sshrl.u32 s26, $0x1;
	s31 =	sshrl.u32 s28, $0x2;
	s6 =	sadd.s32 s7, s6  }
0xb: {  	s25 =	sadd.s32 s23, s8;
	s14 =	sadd.s32 s16, s14;
	s16 =	simm.s32 $0x80  }
0xc: {  	s24 =	sshrl.u32 s6, $0x3;
	s29 =	sshrl.u32 s25, $0x3;
	s6 =	ssub.s32 s26, s30  }
0xd: {  	s14 =	sadd.s32 $0x5A3800, s14;
	s15 =	sadd.s32 s24, s5;
	s4 =	sadd.s32 s29, s5  }
0xe: {  	s5 =	sadd.s32 s31, s2;
	s6 =	smax.u32 s6, $0x1;
	s4 =	sadd.s32 $0x49800, s4  }
0xf: {  	s7 =	sadd.s32 $0x2800, s5;
	s8 =	sadd.s32 $0x5000, s5;
	s9 =	sadd.s32 $0x7800, s5  }
0x10: {  	s10 =	sadd.s32 $0xA000, s5;
	s11 =	sadd.s32 $0xC800, s5;
	s12 =	sadd.s32 $0xF000, s5  }
0x11: {  	v0 =	vimm.f32 $0.0e+00;
	s13 =	sadd.s32 $0x11800, s5;
	s15 =	sadd.s32 $0x17A00, s15;
	s20 =	sshrl.u32 s5, $0x3  }
.LBB2_1:
0x12: {  	s22 =	simm.s32 $0x70;
	s23 =	simm.s32 $0x3C0  }
.LBB2_2:
0x13: {  	p0 =	sne.s32 s23, $0x9FC0;
	[tilespmem:s22+$0x80] =	vst v0  }
0x14: {  	[tilespmem:s22+$0x10] =	vst v0  }
0x15: {  	[tilespmem:s22+$0x20] =	vst v0  }
.Ltmp0:
0x16: {  	[tilespmem:s22+$0x30] =	vst v0;
	(pc) =	sbr.rel @p0 .LBB2_2-.Ltmp0, $4  }
0x17: {  	[tilespmem:s22+$0x40] =	vst v0  }
0x18: {  	[tilespmem:s22+$0x50] =	vst v0  }
0x19: {  	[tilespmem:s22+$0x60] =	vst v0  }
0x1a: {  	[tilespmem:s22+$0x70] =	vst v0;
	s22 =	sshra.s32 s23, $0x2;
	s23 =	sadd.s32 $0x200, s23  }
0x1b: {  	[tilespmem:s22+$0x80] =	vst v0  }
0x1c: {  	[tilespmem:s22+$0x10] =	vst v0  }
0x1d: {  	[tilespmem:s22+$0x20] =	vst v0  }
0x1e: {  	[tilespmem:s22+$0x30] =	vst v0  }
0x1f: {  	[tilespmem:s22+$0x40] =	vst v0  }
0x20: {  	[tilespmem:s22+$0x50] =	vst v0  }
0x21: {  	[tilespmem:s22+$0x60] =	vst v0  }
0x22: {  	[tilespmem:s22+$0x70] =	vst v0  }
0x23: {  	[spmem:s5] =	stream.linear.scatter [tilespmem:s16], [sflag:$0x1], $0x2800, $0x38;
	[tilespmem:$0x16880] =	vst v63  }
0x24: {  	_ =	swait.ge [sflag:s17], $0x2800  }
0x25: {  	[sflag:s17] =	ssyncset.done $0x0  }
0x26: {  	[sflag:s17] =	ssyncadd.s32 $0xFFFFD800  }
0x27: {  	[spmem:s7] =	stream.linear.scatter [tilespmem:s16], [sflag:$0x1], $0x2800, $0x38;
	[tilespmem:$0x16880] =	vst v63  }
0x28: {  	_ =	swait.ge [sflag:s17], $0x2800  }
0x29: {  	[sflag:s17] =	ssyncset.done $0x0  }
0x2a: {  	[sflag:s17] =	ssyncadd.s32 $0xFFFFD800  }
0x2b: {  	[spmem:s8] =	stream.linear.scatter [tilespmem:s16], [sflag:$0x1], $0x2800, $0x38;
	[tilespmem:$0x16880] =	vst v63  }
0x2c: {  	_ =	swait.ge [sflag:s17], $0x2800  }
0x2d: {  	[sflag:s17] =	ssyncset.done $0x0  }
0x2e: {  	[sflag:s17] =	ssyncadd.s32 $0xFFFFD800  }
0x2f: {  	[spmem:s9] =	stream.linear.scatter [tilespmem:s16], [sflag:$0x1], $0x2800, $0x38;
	[tilespmem:$0x16880] =	vst v63  }
0x30: {  	_ =	swait.ge [sflag:s17], $0x2800  }
0x31: {  	[sflag:s17] =	ssyncset.done $0x0  }
0x32: {  	[sflag:s17] =	ssyncadd.s32 $0xFFFFD800  }
0x33: {  	[spmem:s10] =	stream.linear.scatter [tilespmem:s16], [sflag:$0x1], $0x2800, $0x38;
	[tilespmem:$0x16880] =	vst v63  }
0x34: {  	_ =	swait.ge [sflag:s17], $0x2800  }
0x35: {  	[sflag:s17] =	ssyncset.done $0x0  }
0x36: {  	[sflag:s17] =	ssyncadd.s32 $0xFFFFD800  }
0x37: {  	[spmem:s11] =	stream.linear.scatter [tilespmem:s16], [sflag:$0x1], $0x2800, $0x38;
	[tilespmem:$0x16880] =	vst v63  }
0x38: {  	_ =	swait.ge [sflag:s17], $0x2800  }
0x39: {  	[sflag:s17] =	ssyncset.done $0x0  }
0x3a: {  	[sflag:s17] =	ssyncadd.s32 $0xFFFFD800  }
0x3b: {  	[spmem:s12] =	stream.linear.scatter [tilespmem:s16], [sflag:$0x1], $0x2800, $0x38;
	[tilespmem:$0x16880] =	vst v63  }
0x3c: {  	_ =	swait.ge [sflag:s17], $0x2800  }
0x3d: {  	[sflag:s17] =	ssyncset.done $0x0  }
0x3e: {  	[sflag:s17] =	ssyncadd.s32 $0xFFFFD800  }
0x3f: {  	[spmem:s13] =	stream.linear.scatter [tilespmem:s16], [sflag:$0x1], $0x2800, $0x38;
	[tilespmem:$0x16880] =	vst v63  }
0x40: {  	_ =	swait.ge [sflag:s17], $0x2800  }
0x41: {  	[sflag:s17] =	ssyncset.done $0x0  }
0x42: {  	[sflag:s17] =	ssyncadd.s32 $0xFFFFD800  }
0x43: {  	s31 =	sadd.s32 $0x0, s15;
	[bflag:$0x0] =	sbarrier.arrive $0xFFFF  }
0x44: {  	[tilespmem:s3], [sflag:$0x1] =	stream.linear.gather [hbm4b:s31+s3], $0x50, $0x38;
	[tilespmem:$0x16880] =	vst v63  }
0x45: {  	_ =	swait.ge [sflag:s17], $0x50  }
0x46: {  	[sflag:s17] =	ssyncset.done $0x0  }
0x47: {  	[sflag:s17] =	ssyncadd.s32 $0xFFFFFFB0  }
0x48: {  	[tilespmem:s16], [sflag:$0x1] =	stream.linear.gather [hbm4b:s14+s3], $0x2800, $0x38;
	[tilespmem:$0x16880] =	vst v63  }
0x49: {  	_ =	swait.ge [sflag:s17], $0x2800  }
0x4a: {  	[sflag:s17] =	ssyncset.done $0x0  }
0x4b: {  	[sflag:s17] =	ssyncadd.s32 $0xFFFFD800  }
0x4c: {  	[spmem:s2] =	stream.indirect.scatter.add.f32 [tilespmem:s16], [sflag:$0x1], $0x80, s3, s18, $0xb8;
	[tilespmem:$0x16880] =	vst v63  }
0x4d: {  	s23 =	simm.s32 $0xA;
	_ =	swait.ge [sflag:s17], $0x2800  }
0x4e: {  	s24 =	simm.s32 $0x14;
	s22 =	sadd.s32 $0x500, s14;
	[sflag:s17] =	ssyncset.done $0x0  }
.LBB2_4:
0x4f: {  	s25 =	sadd.s32 s23, s15  }
0x50: {  	[sflag:s17] =	ssyncadd.s32 $0xFFFFD800;
	s23 =	smov.u32 s24;
	s26 =	sadd.s32 $0xA, s24  }
0x51: {  	[tilespmem:s3], [sflag:$0x1] =	stream.linear.gather [hbm4b:s25+s3], $0x50, $0x38;
	[tilespmem:$0x16880] =	vst v63  }
0x52: {  	p0 =	sne.s32 s24, $0x4D8;
	_ =	swait.ge [sflag:s17], $0x50  }
0x53: {  	[sflag:s17] =	ssyncset.done $0x0  }
0x54: {  	[sflag:s17] =	ssyncadd.s32 $0xFFFFFFB0  }
0x55: {  	[tilespmem:s16], [sflag:$0x1] =	stream.linear.gather [hbm4b:s22+s3], $0x2800, $0x38;
	[tilespmem:$0x16880] =	vst v63  }
0x56: {  	_ =	swait.ge [sflag:s17], $0x2800  }
.Ltmp1:
0x57: {  	[sflag:s17] =	ssyncset.done $0x0;
	(pc) =	sbr.rel @p0 .LBB2_4-.Ltmp1, $4  }
0x58: {  	[sflag:s17] =	ssyncadd.s32 $0xFFFFD800  }
0x59: {  	[spmem:s2] =	stream.indirect.scatter.add.f32 [tilespmem:s16], [sflag:$0x1], $0x80, s3, s18, $0xb8;
	[tilespmem:$0x16880] =	vst v63  }
0x5a: {  	_ =	swait.ge [sflag:s17], $0x2800  }
0x5b: {  	s24 =	smov.u32 s26;
	s22 =	sadd.s32 $0x500, s22;
	[sflag:s17] =	ssyncset.done $0x0  }
0x5c: {  	s23 =	sadd.s32 s23, s15;
	[sflag:s17] =	ssyncadd.s32 $0xFFFFD800  }
0x5d: {  	[tilespmem:s3], [sflag:$0x1] =	stream.linear.gather [hbm4b:s23+s3], $0x50, $0x38;
	[tilespmem:$0x16880] =	vst v63  }
0x5e: {  	_ =	swait.ge [sflag:s17], $0x50  }
0x5f: {  	[sflag:s17] =	ssyncset.done $0x0  }
0x60: {  	[sflag:s17] =	ssyncadd.s32 $0xFFFFFFB0  }
0x61: {  	[tilespmem:s16], [sflag:$0x1] =	stream.linear.gather [hbm4b:s22+s3], $0x2800, $0x38;
	[tilespmem:$0x16880] =	vst v63  }
0x62: {  	_ =	swait.ge [sflag:s17], $0x2800  }
0x63: {  	[sflag:s17] =	ssyncset.done $0x0  }
0x64: {  	[sflag:s17] =	ssyncadd.s32 $0xFFFFD800  }
0x65: {  	[spmem:s2] =	stream.indirect.scatter.add.f32 [tilespmem:s16], [sflag:$0x1], $0x80, s3, s18, $0xb8;
	[tilespmem:$0x16880] =	vst v63  }
0x66: {  	_ =	swait.ge [sflag:s17], $0x2800  }
0x67: {  	s21 =	sadd.s32 $0x1, s21;
	[sflag:s17] =	ssyncset.done $0x0  }
0x68: {  	p0 =	sne.s32 s21, s6;
	[sflag:s17] =	ssyncadd.s32 $0xFFFFD800  }
.Ltmp2:
0x69: {  	[bflag:$0x0] =	sbarrier.arrive $0xFFFF;
	(pc) =	sbr.rel @p0 .LBB2_1-.Ltmp2, $4  }
0x6a: {  	[hbm:s4], [sflag:s19] =	dma.local [spmem:s20], $0x2800  }
0x6b: {  	_ =	swait.ge [sflag:s17], $0x2800  }
0x6c: {  	[sflag:s17] =	ssyncset.done $0x0  }
0x6d: {  	[sflag:s17] =	ssyncadd.s32 $0xFFFFD800  }
0x6e: {  	_ =	sfence.sel $0x180000  }
0x6f: {  	[bflag:$0x0] =	sbarrier.arrive $0xFFFF  }
0x70: {  	p0 =	sne.s32 s0, $0x0;
	_ =	strace $0x9000004D  }
0x71: {  	s0 =	sadd.s32 @!p0 $0x100000, s1;
	[bflag:$0x2] =	sbarrier.arrive $0xFFFF  }
0x72: {  	[sflag:s0] =	ssyncadd.tile.s32 @!p0 $0x1;
	_ =	shalt  }
.Lfunc_end2:
_tile_overlayer_lowered:
.L_overlay_start_2:
0x73: {  	(tag) =	ssettag $0x2  }
0x74: {  	s0 =	rddreg [dreg:$0x0];
	s2 =	stileid.u32  }
0x75: {  	s1 =	rddreg [dreg:$0x1];
	p0 =	sne.s32 s2, $0x0  }
0x76: {  	s3 =	rddreg [dreg:$0x2];
	[bflag:$0x3] =	sbarrier.arrive $0xFFFF;
	s2 =	simm.s32 @!p0 $0x1C01  }
0x77: {  	[timem:s3], [sflag:s2] =	dma.local @!p0 [hbm:s0], s1  }
0x78: {  	s0 =	simm.s32 @!p0 $0x1  }
0x79: {  	_ =	swait.ge @!p0 [sflag:s0], s1  }
0x7a: {  	s1 =	ssub.s32 @!p0 $0x0, s1;
	[sflag:s0] =	ssyncset.done @!p0 $0x0  }
0x7b: {  	[sflag:s0] =	ssyncadd.s32 @!p0 s1  }
0x7c: {  	[bflag:$0x3] =	sbarrier.arrive $0xFFFF  }
0x7d: {  	_ =	shalt  }

// kernel: kernel.36.cloned.1.call-start
scs
__scs_entry_jumppad:
0x0: {  	(pc) =	sbr.rel $0x88, $3  }
0x1: {  	(tag) =	ssettag $0x0;
	lr =	simm.s32 $0x1  }
0x2: {  	[smem:$0x3F5E] =	sst lr;
	_ =	strace $0xD0000000  }
0x3: {  	_ = 	snop  }
0x4: {  	_ = 	snop  }
0x5: {  	_ = 	snop  }
0x6: {  	_ = 	snop  }
0x7: {  	_ = 	snop  }
__scs_overlays_trampoline_lowered:
0x8: {  	[smem:$0x3F6D] =	sst s0  }
0x9: {  	[smem:$0x3F6E] =	sst s1  }
0xa: {  	[smem:$0x3F6F] =	sst s2  }
0xb: {  	[smem:$0x3F70] =	sst s3  }
0xc: {  	[smem:$0x3F71] =	sst s4  }
0xd: {  	[smem:$0x3F72] =	sst s5  }
0xe: {  	[smem:$0x3F73] =	sst s6  }
0xf: {  	[smem:$0x3F74] =	sst s7  }
0x10: {  	[smem:$0x3F75] =	sst s8  }
0x11: {  	[smem:$0x3F76] =	sst s9;
	s0 =	simm.s32 @!p0 $0x0  }
0x12: {  	s1 =	sld [smem:$0x3F5C];
	s0 =	simm.s32 @p0 $0x1  }
0x13: {  	[smem:$0x3F77] =	sst s0;
	s0 =	simm.s32 @!p1 $0x0  }
0x14: {  	s2 =	sld [smem:$0x3F5B];
	s0 =	simm.s32 @p1 $0x1  }
0x15: {  	[smem:$0x3F78] =	sst s0;
	s0 =	simm.s32 @!p2 $0x0  }
0x16: {  	s3 =	sld [smem:$0x3FDB];
	s0 =	simm.s32 @p2 $0x1  }
0x17: {  	s4 =	simm.s32 $0x1BF5;
	[smem:$0x3F7A] =	sst s0  }
0x18: {  	s0 =	sld [smem:$0x3F5D];
	_ =	swait.ge [sflag:s4], $0x0  }
0x19: {  	s7 =	sld [smem:$0x3F5E]  }
0x1a: {  	s8 =	sadd.s32 $0xFFFFE003, lr  }
0x1b: {  	s9 =	sadd.s32 $0xFFFFFEF7, lr;
	s5 =	simm.s32 $0xFFFFFFFF;
	p2 =	slt.u32 s8, $0xFFFFF086  }
0x1c: {  	p1 =	slt.u32 s9, $0xF7A;
	s5 =	simm.s32 @!p2 $0x0  }
0x1d: {  	s5 =	simm.s32 @p1 $0x1;
	p0 =	seq.s32 s7, s2  }
0x1e: {  	s7 =	smul.u32 @!p0 $0xF7A, s2;
	p2 =	seq.s32 @!p0 s5, $0x0  }
0x1f: {  	s9 =	smul.u32 $0xF7A, s1;
	s8 =	simm.s32 @!p0 $0x1BF5;
	p2 =	por !p2, p0  }
0x20: {  	[sflag:s8] =	ssyncset.s32 @!p0 $0xFFFFF086;
	s6 =	sadd.s32 @!p0 s3, s7;
	s7 =	simm.s32 @!p0 $0x108  }
0x21: {  	s3 =	sadd.s32 s3, s9;
	s6 =	sadd.s32 @!p0 $0x88, s6;
	s7 =	simm.s32 @p2 $0x1082  }
0x22: {  	[simem:s7], [sflag:s8] =	dma.local @!p0 [hbm:s6], $0xF7A  }
0x23: {  	s9 =	sor.u32 $0xD0000000, s2;
	s6 =	simm.s32 $0x108;
	_ =	swait.ge @!p0 [sflag:s8], $0x0  }
0x24: {  	s3 =	sadd.s32 $0x88, s3;
	s6 =	simm.s32 @!p1 $0x1082;
	[sflag:s4] =	ssyncset.s32 $0xFFFFF086  }
0x25: {  	[simem:s6], [sflag:s4] =	dma.local [hbm:s3], $0xF7A  }
0x26: {  	[smem:$0x3F5E] =	sst s1;
	(tag) =	ssettag s2;
	_ =	strace s9  }
0x27: {  	s1 =	sld [smem:$0x3F6E]  }
0x28: {  	s2 =	sld [smem:$0x3F6F]  }
0x29: {  	s4 =	sld [smem:$0x3F71]  }
0x2a: {  	p0 =	seq.s32 s5, $0x0;
	s5 =	sld [smem:$0x3F72]  }
0x2b: {  	s6 =	sld [smem:$0x3F73]  }
0x2c: {  	s7 =	sld [smem:$0x3F74]  }
0x2d: {  	s3 =	simm.s32 $0x108;
	s8 =	sld [smem:$0x3F75]  }
0x2e: {  	s3 =	simm.s32 @!p0 $0x1082;
	s9 =	sld [smem:$0x3F76]  }
0x2f: {  	lr =	sadd.s32 s0, s3;
	s0 =	sld [smem:$0x3F6D]  }
0x30: {  	s3 =	sld [smem:$0x3F70]  }
0x31: {  	[smem:$0x3F79] =	sst s10  }
0x32: {  	s10 =	sld [smem:$0x3F77];
	_ =	sdelay $0x3  }
0x33: {  	p0 =	seq.s32 s10, $0x1;
	s10 =	sld [smem:$0x3F79];
	_ =	sdelay $0x3  }
0x34: {  	[smem:$0x3F79] =	sst s10  }
0x35: {  	s10 =	sld [smem:$0x3F78];
	_ =	sdelay $0x3  }
0x36: {  	p1 =	seq.s32 s10, $0x1;
	s10 =	sld [smem:$0x3F79];
	_ =	sdelay $0x3  }
0x37: {  	[smem:$0x3F79] =	sst s10  }
0x38: {  	s10 =	sld [smem:$0x3F7A]  }
0x39: {  	_ = 	snop;
	(pc) =	sbr.ind lr, $3  }
0x3a: {  	_ = 	snop  }
0x3b: {  	_ = 	snop  }
0x3c: {  	p2 =	seq.s32 s10, $0x1;
	s10 =	sld [smem:$0x3F79]  }
0x3d: {  	_ =	shalt  }
0x3e: {  	_ =	shalt  }
0x3f: {  	_ =	shalt  }
0x40: {  	_ =	shalt  }
0x41: {  	_ =	shalt  }
0x42: {  	_ =	shalt  }
0x43: {  	_ =	shalt  }
0x44: {  	_ =	shalt  }
0x45: {  	_ =	shalt  }
0x46: {  	_ =	shalt  }
0x47: {  	_ =	shalt  }
0x48: {  	_ =	shalt  }
0x49: {  	_ =	shalt  }
0x4a: {  	_ =	shalt  }
0x4b: {  	_ =	shalt  }
0x4c: {  	_ =	shalt  }
0x4d: {  	_ =	shalt  }
0x4e: {  	_ =	shalt  }
0x4f: {  	_ =	shalt  }
0x50: {  	_ =	shalt  }
0x51: {  	_ =	shalt  }
0x52: {  	_ =	shalt  }
0x53: {  	_ =	shalt  }
0x54: {  	_ =	shalt  }
0x55: {  	_ =	shalt  }
0x56: {  	_ =	shalt  }
0x57: {  	_ =	shalt  }
0x58: {  	_ =	shalt  }
0x59: {  	_ =	shalt  }
0x5a: {  	_ =	shalt  }
0x5b: {  	_ =	shalt  }
0x5c: {  	_ =	shalt  }
0x5d: {  	_ =	shalt  }
0x5e: {  	_ =	shalt  }
0x5f: {  	_ =	shalt  }
0x60: {  	_ =	shalt  }
0x61: {  	_ =	shalt  }
0x62: {  	_ =	shalt  }
0x63: {  	_ =	shalt  }
0x64: {  	_ =	shalt  }
0x65: {  	_ =	shalt  }
0x66: {  	_ =	shalt  }
0x67: {  	_ =	shalt  }
0x68: {  	_ =	shalt  }
0x69: {  	_ =	shalt  }
0x6a: {  	_ =	shalt  }
0x6b: {  	_ =	shalt  }
0x6c: {  	_ =	shalt  }
0x6d: {  	_ =	shalt  }
0x6e: {  	_ =	shalt  }
0x6f: {  	_ =	shalt  }
0x70: {  	_ =	shalt  }
0x71: {  	_ =	shalt  }
0x72: {  	_ =	shalt  }
0x73: {  	_ =	shalt  }
0x74: {  	_ =	shalt  }
0x75: {  	_ =	shalt  }
0x76: {  	_ =	shalt  }
0x77: {  	_ =	shalt  }
0x78: {  	_ =	shalt  }
0x79: {  	_ =	shalt  }
0x7a: {  	_ =	shalt  }
0x7b: {  	_ =	shalt  }
0x7c: {  	_ =	shalt  }
0x7d: {  	_ =	shalt  }
0x7e: {  	_ =	shalt  }
0x7f: {  	_ =	shalt  }
0x80: {  	_ =	shalt  }
0x81: {  	_ =	shalt  }
0x82: {  	_ =	shalt  }
0x83: {  	_ =	shalt  }
0x84: {  	_ =	shalt  }
0x85: {  	_ =	shalt  }
0x86: {  	_ =	shalt  }
0x87: {  	_ =	shalt  }
.Lfunc_end0:
.L_simem_size_0:
called_computation.3_lowered:
.L_overlay_start_0:
0x88: {  	s2 =	sld [smem:$0x3FD9]  }
0x89: {  	s3 =	sld [smem:$0x3FFE];
	_ =	sdelay $0x1  }
0x8a: {  	s1 =	srdreg.scid  }
0x8b: {  	s0 =	sand.u32 $0x1, s1  }
0x8c: {  	s16 =	sshll.u32 s0, $0xA;
	s2 =	sadd.s32 s3, s2  }
0x8d: {  	s2 =	sadd.s32 s2, s16  }
0x8e: {  	[smem:$0x3F85] =	sst s2  }
0x8f: {  	_ = 	snop  }
0x90: {  	(tm) =	ssettm $0x1  }
0x91: {  	s17 =	sld [smem:$0x3FFB];
	_ =	sdelay $0x3  }
0x92: {  	_ =	strace s17  }
0x93: {  	s2 =	sld [smem:$0x3FFC];
	_ =	sdelay $0x3  }
0x94: {  	_ =	strace s2  }
0x95: {  	s2 =	sld [smem:$0x3FFD];
	_ =	sdelay $0x3  }
0x96: {  	_ =	strace s2  }
0x97: {  	_ =	strace $0x8FFFFFFF  }
0x98: {  	s18 =	sld [smem:$0x3FDB];
	_ =	sdelay $0x1  }
0x99: {  	s19 =	simm.s32 $_scs_section_size  }
0x9a: {  	s4 =	simm.s32 $_size__tile_overlayer_lowered;
	s5 =	simm.s32 $_tile_overlayer_lowered  }
0x9b: {  	s22 =	simm.s32 $0x1BFF;
	s21 =	sshll.u32 s5, $0x1;
	s2 =	sadd.s32 s19, s18  }
0x9c: {  	s6 =	simm.s32 $0x0;
	s20 =	sshll.u32 s4, $0x1;
	s4 =	sadd.s32 s21, s2  }
0x9d: {  	[timem:s6], [sflag:s22] =	dma.local [hbm:s4], s20  }
0x9e: {  	_ =	swait.ge [sflag:s22], s20  }
0x9f: {  	s3 =	ssub.s32 $0x0, s20;
	[sflag:s22] =	ssyncset.done $0x0  }
0xa0: {  	[sflag:s22] =	ssyncadd.s32 s3;
	_ =	sdelay $0x1  }
0xa1: {  	s23 =	simm.s32 $0x1B8B  }
0xa2: {  	_ =	swait.ge [sflag:s23], $0x1  }
0xa3: {  	[sflag:s23] =	ssyncset.done $0x0  }
0xa4: {  	s25 =	simm.s32 $0x1B8E;
	s24 =	sld [smem:$0x3FFE];
	[sflag:s23] =	ssyncadd.s32 $0xFFFFFFFF  }
0xa5: {  	s26 =	simm.s32 $execute0_lowered;
	[smem:$0x3FD2] =	sst s25  }
0xa6: {  	s4 =	sshll.u32 s26, $0x1;
	_ =	strace $0x8000004F;
	[dreg:$0x1] =	wrdreg $0xFFFFFFFF  }
0xa7: {  	s28 =	simm.s32 $_size_execute0_lowered;
	s2 =	sadd.s32 s2, s4;
	[dreg:$0x0] =	wrdreg $0x0  }
0xa8: {  	s4 =	sshll.u32 s28, $0x1;
	[dreg:$0x2] =	wrdreg s2  }
0xa9: {  	[dreg:$0x3] =	wrdreg s4  }
0xaa: {  	[dreg:$0x4] =	wrdreg $0xC0  }
0xab: {  	_ =	task [dreg:s6], $0x5FFFF  }
0xac: {  	[dreg:$0x1] =	wrdreg $0xFFFFFFFF  }
0xad: {  	[dreg:$0x0] =	wrdreg $0x60  }
0xae: {  	[dreg:$0x2] =	wrdreg s24  }
0xaf: {  	[dreg:$0x3] =	wrdreg $0x9  }
0xb0: {  	_ =	task.clear_ibuf [dreg:s6], $0x4FFFF;
	_ =	strace $0x9000004F  }
0xb1: {  	s29 =	simm.s32 $0x9;
	_ =	strace $0x80000051  }
0xb2: {  	_ =	swait.ge [sflag:s29], $0x1  }
0xb3: {  	[sflag:s29] =	ssyncadd.s32 $0xFFFFFFFF  }
0xb4: {  	_ =	strace $0x90000051  }
0xb5: {  	_ =	sfence  }
0xb6: {  	s30 =	sld [smem:$0x0];
	_ =	sdelay $0x2  }
0xb7: {  	s31 =	sshll.u32 s1, $0xD;
	s1 =	sshrl.u32 s1, $0x2  }
0xb8: {  	s3 =	sand.u32 $0x4000, s31;
	s1 =	sadd.s32 s1, s30  }
0xb9: {  	s0 =	sor.u32 s3, s0;
	s1 =	sshll.u32 s1, $0x11  }
0xba: {  	s0 =	sor.u32 s1, s0  }
0xbb: {  	s0 =	sadd.s32 $0x8F2B, s0  }
0xbc: {  	[sflag:s0] =	ssyncadd.remote.s32 $0x1  }
0xbd: {  	_ =	sfence.sel $0xFFFF  }
0xbe: {  	[dreg:$0x0] =	wrdreg $0xFFFFFFFF;
	(pc) =	sbr.abs _section_cstart, $3  }
0xbf: {  	[dreg:$0x1] =	wrdreg $0xFFFFFFFF  }
0xc0: {  	_ =	task.clear_ibuf [dreg:s6], $0x2FFFF;
	_ =	strace $0x9FFFFFFF  }
0xc1: {  	(tm) =	ssettm $0x7FFFFFFF  }
tec
execute0_lowered:
.L_overlay_start_1:
0x0: {  	(tag) =	ssettag $0x1  }
0x1: {  	s4 =	rddreg [dreg:$0x0]  }
0x2: {  	s0 =	rddreg [dreg:$0x1];
	s2 =	simm.s32 $0x0;
	s1 =	stileid.u32  }
0x3: {  	s3 =	srdreg.scid;
	s10 =	simm.s32 $0x0;
	s6 =	smul.u32 $0x4E20, s1  }
0x4: {  	[smem:$0x7FF] =	sst s2;
	s5 =	sand.u32 $0x1, s3;
	s8 =	smul.u32 $0x4E200, s1  }
0x5: {  	s3 =	sadd.s32 $0x49800, s4;
	s7 =	smul.u32 $0x2710, s5;
	s9 =	ssub.s32 $0x2, s5  }
0x6: {  	_ =	strace $0x80000050;
	s5 =	smul.u32 $0x27100, s5;
	s31 =	sshrl.u32 s9, $0x1  }
0x7: {  	s8 =	sadd.s32 s8, s4;
	s6 =	sadd.s32 s7, s6;
	s7 =	ssub.s32 s9, s31  }
0x8: {  	s5 =	sadd.s32 s5, s8;
	s8 =	simm.s32 $0x50;
	s6 =	sshrl.u32 s6, $0x3  }
0x9: {  	s9 =	simm.s32 $0x80;
	s5 =	sadd.s32 $0xE9800, s5;
	s6 =	sadd.s32 s6, s4  }
0xa: {  	s4 =	smax.u32 s7, $0x1;
	s7 =	simm.s32 $0x1;
	s6 =	sadd.s32 $0xDC00, s6  }
.LBB2_1:
0xb: {  	s11 =	sadd.s32 $0x0, s6  }
0xc: {  	[tilespmem:s2], [sflag:$0x1] =	stream.linear.gather [hbm4b:s11+s2], $0x50, $0x38;
	[tilespmem:$0x2880] =	vst v63  }
0xd: {  	_ =	swait.ge [sflag:s7], $0x50  }
0xe: {  	[sflag:s7] =	ssyncset.done $0x0  }
0xf: {  	[sflag:s7] =	ssyncadd.s32 $0xFFFFFFB0  }
0x10: {  	[tilespmem:s9], [sflag:$0x1] =	stream.indirect.gather [hbm4b:s3+s8], $0x80, s2, s8, $0xb8;
	[tilespmem:$0x2880] =	vst v63  }
0x11: {  	_ =	swait.ge [sflag:s7], $0x2800  }
0x12: {  	[sflag:s7] =	ssyncset.done $0x0  }
0x13: {  	[sflag:s7] =	ssyncadd.s32 $0xFFFFD800  }
0x14: {  	[hbm4b:s5+s2] =	stream.linear.scatter [tilespmem:s9], [sflag:$0x1], $0x2800, $0x38;
	[tilespmem:$0x2880] =	vst v63  }
0x15: {  	s12 =	simm.s32 $0xA;
	_ =	swait.ge [sflag:s7], $0x2800  }
0x16: {  	s13 =	simm.s32 $0x14;
	s11 =	sadd.s32 $0x500, s5;
	[sflag:s7] =	ssyncset.done $0x0  }
.LBB2_2:
0x17: {  	s14 =	sadd.s32 s12, s6  }
0x18: {  	[sflag:s7] =	ssyncadd.s32 $0xFFFFD800;
	s12 =	smov.u32 s13;
	s15 =	sadd.s32 $0xA, s13  }
0x19: {  	[tilespmem:s2], [sflag:$0x1] =	stream.linear.gather [hbm4b:s14+s2], $0x50, $0x38;
	[tilespmem:$0x2880] =	vst v63  }
0x1a: {  	p0 =	sne.s32 s13, $0x4D8;
	_ =	swait.ge [sflag:s7], $0x50  }
0x1b: {  	[sflag:s7] =	ssyncset.done $0x0  }
0x1c: {  	[sflag:s7] =	ssyncadd.s32 $0xFFFFFFB0  }
0x1d: {  	[tilespmem:s9], [sflag:$0x1] =	stream.indirect.gather [hbm4b:s3+s8], $0x80, s2, s8, $0xb8;
	[tilespmem:$0x2880] =	vst v63  }
0x1e: {  	_ =	swait.ge [sflag:s7], $0x2800  }
.Ltmp0:
0x1f: {  	[sflag:s7] =	ssyncset.done $0x0;
	(pc) =	sbr.rel @p0 .LBB2_2-.Ltmp0, $4  }
0x20: {  	[sflag:s7] =	ssyncadd.s32 $0xFFFFD800  }
0x21: {  	[hbm4b:s11+s2] =	stream.linear.scatter [tilespmem:s9], [sflag:$0x1], $0x2800, $0x38;
	[tilespmem:$0x2880] =	vst v63  }
0x22: {  	_ =	swait.ge [sflag:s7], $0x2800  }
0x23: {  	s13 =	smov.u32 s15;
	s11 =	sadd.s32 $0x500, s11;
	[sflag:s7] =	ssyncset.done $0x0  }
0x24: {  	s12 =	sadd.s32 s12, s6;
	[sflag:s7] =	ssyncadd.s32 $0xFFFFD800  }
0x25: {  	[tilespmem:s2], [sflag:$0x1] =	stream.linear.gather [hbm4b:s12+s2], $0x50, $0x38;
	[tilespmem:$0x2880] =	vst v63  }
0x26: {  	_ =	swait.ge [sflag:s7], $0x50  }
0x27: {  	[sflag:s7] =	ssyncset.done $0x0  }
0x28: {  	[sflag:s7] =	ssyncadd.s32 $0xFFFFFFB0  }
0x29: {  	[tilespmem:s9], [sflag:$0x1] =	stream.indirect.gather [hbm4b:s3+s8], $0x80, s2, s8, $0xb8;
	[tilespmem:$0x2880] =	vst v63  }
0x2a: {  	s10 =	sadd.s32 $0x1, s10;
	_ =	swait.ge [sflag:s7], $0x2800  }
0x2b: {  	p0 =	sne.s32 s10, s4;
	[sflag:s7] =	ssyncset.done $0x0  }
.Ltmp1:
0x2c: {  	[sflag:s7] =	ssyncadd.s32 $0xFFFFD800;
	(pc) =	sbr.rel @p0 .LBB2_1-.Ltmp1, $4  }
0x2d: {  	[hbm4b:s11+s2] =	stream.linear.scatter [tilespmem:s9], [sflag:$0x1], $0x2800, $0x38;
	[tilespmem:$0x2880] =	vst v63  }
0x2e: {  	_ =	swait.ge [sflag:s7], $0x2800  }
0x2f: {  	[sflag:s7] =	ssyncset.done $0x0  }
0x30: {  	[sflag:s7] =	ssyncadd.s32 $0xFFFFD800  }
0x31: {  	_ =	sfence.sel $0x180000  }
0x32: {  	[bflag:$0x0] =	sbarrier.arrive $0xFFFF  }
0x33: {  	p0 =	sne.s32 s1, $0x0;
	_ =	strace $0x90000050  }
0x34: {  	s0 =	sadd.s32 @!p0 $0x100000, s0;
	[bflag:$0x2] =	sbarrier.arrive $0xFFFF  }
0x35: {  	[sflag:s0] =	ssyncadd.tile.s32 @!p0 $0x1;
	_ =	shalt  }
.Lfunc_end2:
_tile_overlayer_lowered:
.L_overlay_start_2:
0x36: {  	(tag) =	ssettag $0x2  }
0x37: {  	s0 =	rddreg [dreg:$0x0];
	s2 =	stileid.u32  }
0x38: {  	s1 =	rddreg [dreg:$0x1];
	p0 =	sne.s32 s2, $0x0  }
0x39: {  	s3 =	rddreg [dreg:$0x2];
	[bflag:$0x3] =	sbarrier.arrive $0xFFFF;
	s2 =	simm.s32 @!p0 $0x1C01  }
0x3a: {  	[timem:s3], [sflag:s2] =	dma.local @!p0 [hbm:s0], s1  }
0x3b: {  	s0 =	simm.s32 @!p0 $0x1  }
0x3c: {  	_ =	swait.ge @!p0 [sflag:s0], s1  }
0x3d: {  	s1 =	ssub.s32 @!p0 $0x0, s1;
	[sflag:s0] =	ssyncset.done @!p0 $0x0  }
0x3e: {  	[sflag:s0] =	ssyncadd.s32 @!p0 s1  }
0x3f: {  	[bflag:$0x3] =	sbarrier.arrive $0xFFFF  }
0x40: {  	_ =	shalt  }

// kernel: kernel.39.cloned.1.call-start
scs
__scs_entry_jumppad:
0x0: {  	(pc) =	sbr.rel $0x88, $3  }
0x1: {  	(tag) =	ssettag $0x0;
	lr =	simm.s32 $0x1  }
0x2: {  	[smem:$0x3F5E] =	sst lr;
	_ =	strace $0xD0000000  }
0x3: {  	_ = 	snop  }
0x4: {  	_ = 	snop  }
0x5: {  	_ = 	snop  }
0x6: {  	_ = 	snop  }
0x7: {  	_ = 	snop  }
__scs_overlays_trampoline_lowered:
0x8: {  	[smem:$0x3F6D] =	sst s0  }
0x9: {  	[smem:$0x3F6E] =	sst s1  }
0xa: {  	[smem:$0x3F6F] =	sst s2  }
0xb: {  	[smem:$0x3F70] =	sst s3  }
0xc: {  	[smem:$0x3F71] =	sst s4  }
0xd: {  	[smem:$0x3F72] =	sst s5  }
0xe: {  	[smem:$0x3F73] =	sst s6  }
0xf: {  	[smem:$0x3F74] =	sst s7  }
0x10: {  	[smem:$0x3F75] =	sst s8  }
0x11: {  	[smem:$0x3F76] =	sst s9;
	s0 =	simm.s32 @!p0 $0x0  }
0x12: {  	s1 =	sld [smem:$0x3F5C];
	s0 =	simm.s32 @p0 $0x1  }
0x13: {  	[smem:$0x3F77] =	sst s0;
	s0 =	simm.s32 @!p1 $0x0  }
0x14: {  	s2 =	sld [smem:$0x3F5B];
	s0 =	simm.s32 @p1 $0x1  }
0x15: {  	[smem:$0x3F78] =	sst s0;
	s0 =	simm.s32 @!p2 $0x0  }
0x16: {  	s3 =	sld [smem:$0x3FDB];
	s0 =	simm.s32 @p2 $0x1  }
0x17: {  	s4 =	simm.s32 $0x1BF5;
	[smem:$0x3F7A] =	sst s0  }
0x18: {  	s0 =	sld [smem:$0x3F5D];
	_ =	swait.ge [sflag:s4], $0x0  }
0x19: {  	s7 =	sld [smem:$0x3F5E]  }
0x1a: {  	s8 =	sadd.s32 $0xFFFFE003, lr  }
0x1b: {  	s9 =	sadd.s32 $0xFFFFFEF7, lr;
	s5 =	simm.s32 $0xFFFFFFFF;
	p2 =	slt.u32 s8, $0xFFFFF086  }
0x1c: {  	p1 =	slt.u32 s9, $0xF7A;
	s5 =	simm.s32 @!p2 $0x0  }
0x1d: {  	s5 =	simm.s32 @p1 $0x1;
	p0 =	seq.s32 s7, s2  }
0x1e: {  	s7 =	smul.u32 @!p0 $0xF7A, s2;
	p2 =	seq.s32 @!p0 s5, $0x0  }
0x1f: {  	s9 =	smul.u32 $0xF7A, s1;
	s8 =	simm.s32 @!p0 $0x1BF5;
	p2 =	por !p2, p0  }
0x20: {  	[sflag:s8] =	ssyncset.s32 @!p0 $0xFFFFF086;
	s6 =	sadd.s32 @!p0 s3, s7;
	s7 =	simm.s32 @!p0 $0x108  }
0x21: {  	s3 =	sadd.s32 s3, s9;
	s6 =	sadd.s32 @!p0 $0x88, s6;
	s7 =	simm.s32 @p2 $0x1082  }
0x22: {  	[simem:s7], [sflag:s8] =	dma.local @!p0 [hbm:s6], $0xF7A  }
0x23: {  	s9 =	sor.u32 $0xD0000000, s2;
	s6 =	simm.s32 $0x108;
	_ =	swait.ge @!p0 [sflag:s8], $0x0  }
0x24: {  	s3 =	sadd.s32 $0x88, s3;
	s6 =	simm.s32 @!p1 $0x1082;
	[sflag:s4] =	ssyncset.s32 $0xFFFFF086  }
0x25: {  	[simem:s6], [sflag:s4] =	dma.local [hbm:s3], $0xF7A  }
0x26: {  	[smem:$0x3F5E] =	sst s1;
	(tag) =	ssettag s2;
	_ =	strace s9  }
0x27: {  	s1 =	sld [smem:$0x3F6E]  }
0x28: {  	s2 =	sld [smem:$0x3F6F]  }
0x29: {  	s4 =	sld [smem:$0x3F71]  }
0x2a: {  	p0 =	seq.s32 s5, $0x0;
	s5 =	sld [smem:$0x3F72]  }
0x2b: {  	s6 =	sld [smem:$0x3F73]  }
0x2c: {  	s7 =	sld [smem:$0x3F74]  }
0x2d: {  	s3 =	simm.s32 $0x108;
	s8 =	sld [smem:$0x3F75]  }
0x2e: {  	s3 =	simm.s32 @!p0 $0x1082;
	s9 =	sld [smem:$0x3F76]  }
0x2f: {  	lr =	sadd.s32 s0, s3;
	s0 =	sld [smem:$0x3F6D]  }
0x30: {  	s3 =	sld [smem:$0x3F70]  }
0x31: {  	[smem:$0x3F79] =	sst s10  }
0x32: {  	s10 =	sld [smem:$0x3F77];
	_ =	sdelay $0x3  }
0x33: {  	p0 =	seq.s32 s10, $0x1;
	s10 =	sld [smem:$0x3F79];
	_ =	sdelay $0x3  }
0x34: {  	[smem:$0x3F79] =	sst s10  }
0x35: {  	s10 =	sld [smem:$0x3F78];
	_ =	sdelay $0x3  }
0x36: {  	p1 =	seq.s32 s10, $0x1;
	s10 =	sld [smem:$0x3F79];
	_ =	sdelay $0x3  }
0x37: {  	[smem:$0x3F79] =	sst s10  }
0x38: {  	s10 =	sld [smem:$0x3F7A]  }
0x39: {  	_ = 	snop;
	(pc) =	sbr.ind lr, $3  }
0x3a: {  	_ = 	snop  }
0x3b: {  	_ = 	snop  }
0x3c: {  	p2 =	seq.s32 s10, $0x1;
	s10 =	sld [smem:$0x3F79]  }
0x3d: {  	_ =	shalt  }
0x3e: {  	_ =	shalt  }
0x3f: {  	_ =	shalt  }
0x40: {  	_ =	shalt  }
0x41: {  	_ =	shalt  }
0x42: {  	_ =	shalt  }
0x43: {  	_ =	shalt  }
0x44: {  	_ =	shalt  }
0x45: {  	_ =	shalt  }
0x46: {  	_ =	shalt  }
0x47: {  	_ =	shalt  }
0x48: {  	_ =	shalt  }
0x49: {  	_ =	shalt  }
0x4a: {  	_ =	shalt  }
0x4b: {  	_ =	shalt  }
0x4c: {  	_ =	shalt  }
0x4d: {  	_ =	shalt  }
0x4e: {  	_ =	shalt  }
0x4f: {  	_ =	shalt  }
0x50: {  	_ =	shalt  }
0x51: {  	_ =	shalt  }
0x52: {  	_ =	shalt  }
0x53: {  	_ =	shalt  }
0x54: {  	_ =	shalt  }
0x55: {  	_ =	shalt  }
0x56: {  	_ =	shalt  }
0x57: {  	_ =	shalt  }
0x58: {  	_ =	shalt  }
0x59: {  	_ =	shalt  }
0x5a: {  	_ =	shalt  }
0x5b: {  	_ =	shalt  }
0x5c: {  	_ =	shalt  }
0x5d: {  	_ =	shalt  }
0x5e: {  	_ =	shalt  }
0x5f: {  	_ =	shalt  }
0x60: {  	_ =	shalt  }
0x61: {  	_ =	shalt  }
0x62: {  	_ =	shalt  }
0x63: {  	_ =	shalt  }
0x64: {  	_ =	shalt  }
0x65: {  	_ =	shalt  }
0x66: {  	_ =	shalt  }
0x67: {  	_ =	shalt  }
0x68: {  	_ =	shalt  }
0x69: {  	_ =	shalt  }
0x6a: {  	_ =	shalt  }
0x6b: {  	_ =	shalt  }
0x6c: {  	_ =	shalt  }
0x6d: {  	_ =	shalt  }
0x6e: {  	_ =	shalt  }
0x6f: {  	_ =	shalt  }
0x70: {  	_ =	shalt  }
0x71: {  	_ =	shalt  }
0x72: {  	_ =	shalt  }
0x73: {  	_ =	shalt  }
0x74: {  	_ =	shalt  }
0x75: {  	_ =	shalt  }
0x76: {  	_ =	shalt  }
0x77: {  	_ =	shalt  }
0x78: {  	_ =	shalt  }
0x79: {  	_ =	shalt  }
0x7a: {  	_ =	shalt  }
0x7b: {  	_ =	shalt  }
0x7c: {  	_ =	shalt  }
0x7d: {  	_ =	shalt  }
0x7e: {  	_ =	shalt  }
0x7f: {  	_ =	shalt  }
0x80: {  	_ =	shalt  }
0x81: {  	_ =	shalt  }
0x82: {  	_ =	shalt  }
0x83: {  	_ =	shalt  }
0x84: {  	_ =	shalt  }
0x85: {  	_ =	shalt  }
0x86: {  	_ =	shalt  }
0x87: {  	_ =	shalt  }
.Lfunc_end0:
.L_simem_size_0:
called_computation.4_lowered:
.L_overlay_start_0:
0x88: {  	s2 =	sld [smem:$0x3FD9]  }
0x89: {  	s3 =	sld [smem:$0x3FFE];
	_ =	sdelay $0x1  }
0x8a: {  	s1 =	srdreg.scid  }
0x8b: {  	s0 =	sand.u32 $0x1, s1  }
0x8c: {  	s16 =	sshll.u32 s0, $0xA;
	s2 =	sadd.s32 s3, s2  }
0x8d: {  	s2 =	sadd.s32 s2, s16  }
0x8e: {  	[smem:$0x3F85] =	sst s2  }
0x8f: {  	_ = 	snop  }
0x90: {  	(tm) =	ssettm $0x1  }
0x91: {  	s17 =	sld [smem:$0x3FFB];
	_ =	sdelay $0x3  }
0x92: {  	_ =	strace s17  }
0x93: {  	s2 =	sld [smem:$0x3FFC];
	_ =	sdelay $0x3  }
0x94: {  	_ =	strace s2  }
0x95: {  	s2 =	sld [smem:$0x3FFD];
	_ =	sdelay $0x3  }
0x96: {  	_ =	strace s2  }
0x97: {  	_ =	strace $0x8FFFFFFF  }
0x98: {  	s18 =	sld [smem:$0x3FDB];
	_ =	sdelay $0x1  }
0x99: {  	s19 =	simm.s32 $_scs_section_size  }
0x9a: {  	s4 =	simm.s32 $_size__tile_overlayer_lowered;
	s5 =	simm.s32 $_tile_overlayer_lowered  }
0x9b: {  	s22 =	simm.s32 $0x1BFF;
	s21 =	sshll.u32 s5, $0x1;
	s2 =	sadd.s32 s19, s18  }
0x9c: {  	s6 =	simm.s32 $0x0;
	s20 =	sshll.u32 s4, $0x1;
	s4 =	sadd.s32 s21, s2  }
0x9d: {  	[timem:s6], [sflag:s22] =	dma.local [hbm:s4], s20  }
0x9e: {  	_ =	swait.ge [sflag:s22], s20  }
0x9f: {  	s3 =	ssub.s32 $0x0, s20;
	[sflag:s22] =	ssyncset.done $0x0  }
0xa0: {  	[sflag:s22] =	ssyncadd.s32 s3;
	_ =	sdelay $0x1  }
0xa1: {  	s23 =	simm.s32 $0x1B8B  }
0xa2: {  	_ =	swait.ge [sflag:s23], $0x1  }
0xa3: {  	[sflag:s23] =	ssyncset.done $0x0  }
0xa4: {  	s25 =	simm.s32 $0x1B8E;
	s24 =	sld [smem:$0x3FFE];
	[sflag:s23] =	ssyncadd.s32 $0xFFFFFFFF  }
0xa5: {  	s26 =	simm.s32 $execute0_lowered;
	[smem:$0x3FD2] =	sst s25  }
0xa6: {  	s4 =	sshll.u32 s26, $0x1;
	_ =	strace $0x80000052;
	[dreg:$0x1] =	wrdreg $0xFFFFFFFF  }
0xa7: {  	s28 =	simm.s32 $_size_execute0_lowered;
	s2 =	sadd.s32 s2, s4;
	[dreg:$0x0] =	wrdreg $0x0  }
0xa8: {  	s4 =	sshll.u32 s28, $0x1;
	[dreg:$0x2] =	wrdreg s2  }
0xa9: {  	[dreg:$0x3] =	wrdreg s4  }
0xaa: {  	[dreg:$0x4] =	wrdreg $0xC0  }
0xab: {  	_ =	task [dreg:s6], $0x5FFFF  }
0xac: {  	[dreg:$0x1] =	wrdreg $0xFFFFFFFF  }
0xad: {  	[dreg:$0x0] =	wrdreg $0x60  }
0xae: {  	[dreg:$0x2] =	wrdreg s24  }
0xaf: {  	[dreg:$0x3] =	wrdreg $0x28800  }
0xb0: {  	[dreg:$0x4] =	wrdreg $0x9  }
0xb1: {  	_ =	task.clear_ibuf [dreg:s6], $0x5FFFF;
	_ =	strace $0x90000052  }
0xb2: {  	s29 =	simm.s32 $0x9;
	_ =	strace $0x80000054  }
0xb3: {  	_ =	swait.ge [sflag:s29], $0x1  }
0xb4: {  	[sflag:s29] =	ssyncadd.s32 $0xFFFFFFFF  }
0xb5: {  	_ =	strace $0x90000054  }
0xb6: {  	_ =	sfence  }
0xb7: {  	s30 =	sld [smem:$0x0];
	_ =	sdelay $0x2  }
0xb8: {  	s31 =	sshll.u32 s1, $0xD;
	s1 =	sshrl.u32 s1, $0x2  }
0xb9: {  	s3 =	sand.u32 $0x4000, s31;
	s1 =	sadd.s32 s1, s30  }
0xba: {  	s0 =	sor.u32 s3, s0;
	s1 =	sshll.u32 s1, $0x11  }
0xbb: {  	s0 =	sor.u32 s1, s0  }
0xbc: {  	s0 =	sadd.s32 $0x8F2B, s0  }
0xbd: {  	[sflag:s0] =	ssyncadd.remote.s32 $0x1  }
0xbe: {  	_ =	sfence.sel $0xFFFF  }
0xbf: {  	[dreg:$0x0] =	wrdreg $0xFFFFFFFF;
	(pc) =	sbr.abs _section_cstart, $3  }
0xc0: {  	[dreg:$0x1] =	wrdreg $0xFFFFFFFF  }
0xc1: {  	_ =	task.clear_ibuf [dreg:s6], $0x2FFFF;
	_ =	strace $0x9FFFFFFF  }
0xc2: {  	(tm) =	ssettm $0x7FFFFFFF  }
0xc3: {  	_ =	shalt  }
tec
execute0_lowered:
.L_overlay_start_1:
0x0: {  	(tag) =	ssettag $0x1  }
0x1: {  	s0 =	stileid.u32  }
0x2: {  	s1 =	srdreg.scid;
	s5 =	rddreg [dreg:$0x0]  }
0x3: {  	s2 =	rddreg [dreg:$0x1];
	s4 =	smul.u32 $0x4E200, s0  }
0x4: {  	s3 =	simm.s32 $0x0;
	s17 =	simm.s32 $0x1;
	s6 =	smul.u32 $0x4E20, s0  }
0x5: {  	s18 =	simm.s32 $0x50;
	s21 =	simm.s32 $0x0;
	s23 =	smul.u32 $0x14000, s0  }
0x6: {  	s9 =	sand.u32 $0x1, s1;
	s1 =	rddreg [dreg:$0x2];
	s28 =	smul.u32 $0x50000, s0  }
0x7: {  	[smem:$0x7FF] =	sst s3;
	s19 =	sshll.u32 s0, $0x6;
	s7 =	smul.u32 $0x2710, s9  }
0x8: {  	s8 =	smul.u32 $0x140000, s9;
	_ =	strace $0x80000053;
	s26 =	ssub.s32 $0x2, s9  }
0x9: {  	s16 =	smul.u32 $0x27100, s9;
	s19 =	sor.u32 $0x1C01, s19;
	s14 =	sadd.s32 s4, s5  }
0xa: {  	s30 =	sshrl.u32 s26, $0x1;
	s31 =	sshrl.u32 s28, $0x2;
	s6 =	sadd.s32 s7, s6  }
0xb: {  	s25 =	sadd.s32 s23, s8;
	s14 =	sadd.s32 s16, s14;
	s16 =	simm.s32 $0x80  }
0xc: {  	s24 =	sshrl.u32 s6, $0x3;
	s29 =	sshrl.u32 s25, $0x3;
	s6 =	ssub.s32 s26, s30  }
0xd: {  	s14 =	sadd.s32 $0xF67800, s14;
	s15 =	sadd.s32 s24, s5;
	s4 =	sadd.s32 s29, s5  }
0xe: {  	s5 =	sadd.s32 s31, s2;
	s6 =	smax.u32 s6, $0x1;
	s4 =	sadd.s32 $0x49800, s4  }
0xf: {  	s7 =	sadd.s32 $0x2800, s5;
	s8 =	sadd.s32 $0x5000, s5;
	s9 =	sadd.s32 $0x7800, s5  }
0x10: {  	s10 =	sadd.s32 $0xA000, s5;
	s11 =	sadd.s32 $0xC800, s5;
	s12 =	sadd.s32 $0xF000, s5  }
0x11: {  	v0 =	vimm.f32 $0.0e+00;
	s13 =	sadd.s32 $0x11800, s5;
	s15 =	sadd.s32 $0x17A00, s15;
	s20 =	sshrl.u32 s5, $0x3  }
.LBB2_1:
0x12: {  	s22 =	simm.s32 $0x70;
	s23 =	simm.s32 $0x3C0  }
.LBB2_2:
0x13: {  	p0 =	sne.s32 s23, $0x9FC0;
	[tilespmem:s22+$0x80] =	vst v0  }
0x14: {  	[tilespmem:s22+$0x10] =	vst v0  }
0x15: {  	[tilespmem:s22+$0x20] =	vst v0  }
.Ltmp0:
0x16: {  	[tilespmem:s22+$0x30] =	vst v0;
	(pc) =	sbr.rel @p0 .LBB2_2-.Ltmp0, $4  }
0x17: {  	[tilespmem:s22+$0x40] =	vst v0  }
0x18: {  	[tilespmem:s22+$0x50] =	vst v0  }
0x19: {  	[tilespmem:s22+$0x60] =	vst v0  }
0x1a: {  	[tilespmem:s22+$0x70] =	vst v0;
	s22 =	sshra.s32 s23, $0x2;
	s23 =	sadd.s32 $0x200, s23  }
0x1b: {  	[tilespmem:s22+$0x80] =	vst v0  }
0x1c: {  	[tilespmem:s22+$0x10] =	vst v0  }
0x1d: {  	[tilespmem:s22+$0x20] =	vst v0  }
0x1e: {  	[tilespmem:s22+$0x30] =	vst v0  }
0x1f: {  	[tilespmem:s22+$0x40] =	vst v0  }
0x20: {  	[tilespmem:s22+$0x50] =	vst v0  }
0x21: {  	[tilespmem:s22+$0x60] =	vst v0  }
0x22: {  	[tilespmem:s22+$0x70] =	vst v0  }
0x23: {  	[spmem:s5] =	stream.linear.scatter [tilespmem:s16], [sflag:$0x1], $0x2800, $0x38;
	[tilespmem:$0x16880] =	vst v63  }
0x24: {  	_ =	swait.ge [sflag:s17], $0x2800  }
0x25: {  	[sflag:s17] =	ssyncset.done $0x0  }
0x26: {  	[sflag:s17] =	ssyncadd.s32 $0xFFFFD800  }
0x27: {  	[spmem:s7] =	stream.linear.scatter [tilespmem:s16], [sflag:$0x1], $0x2800, $0x38;
	[tilespmem:$0x16880] =	vst v63  }
0x28: {  	_ =	swait.ge [sflag:s17], $0x2800  }
0x29: {  	[sflag:s17] =	ssyncset.done $0x0  }
0x2a: {  	[sflag:s17] =	ssyncadd.s32 $0xFFFFD800  }
0x2b: {  	[spmem:s8] =	stream.linear.scatter [tilespmem:s16], [sflag:$0x1], $0x2800, $0x38;
	[tilespmem:$0x16880] =	vst v63  }
0x2c: {  	_ =	swait.ge [sflag:s17], $0x2800  }
0x2d: {  	[sflag:s17] =	ssyncset.done $0x0  }
0x2e: {  	[sflag:s17] =	ssyncadd.s32 $0xFFFFD800  }
0x2f: {  	[spmem:s9] =	stream.linear.scatter [tilespmem:s16], [sflag:$0x1], $0x2800, $0x38;
	[tilespmem:$0x16880] =	vst v63  }
0x30: {  	_ =	swait.ge [sflag:s17], $0x2800  }
0x31: {  	[sflag:s17] =	ssyncset.done $0x0  }
0x32: {  	[sflag:s17] =	ssyncadd.s32 $0xFFFFD800  }
0x33: {  	[spmem:s10] =	stream.linear.scatter [tilespmem:s16], [sflag:$0x1], $0x2800, $0x38;
	[tilespmem:$0x16880] =	vst v63  }
0x34: {  	_ =	swait.ge [sflag:s17], $0x2800  }
0x35: {  	[sflag:s17] =	ssyncset.done $0x0  }
0x36: {  	[sflag:s17] =	ssyncadd.s32 $0xFFFFD800  }
0x37: {  	[spmem:s11] =	stream.linear.scatter [tilespmem:s16], [sflag:$0x1], $0x2800, $0x38;
	[tilespmem:$0x16880] =	vst v63  }
0x38: {  	_ =	swait.ge [sflag:s17], $0x2800  }
0x39: {  	[sflag:s17] =	ssyncset.done $0x0  }
0x3a: {  	[sflag:s17] =	ssyncadd.s32 $0xFFFFD800  }
0x3b: {  	[spmem:s12] =	stream.linear.scatter [tilespmem:s16], [sflag:$0x1], $0x2800, $0x38;
	[tilespmem:$0x16880] =	vst v63  }
0x3c: {  	_ =	swait.ge [sflag:s17], $0x2800  }
0x3d: {  	[sflag:s17] =	ssyncset.done $0x0  }
0x3e: {  	[sflag:s17] =	ssyncadd.s32 $0xFFFFD800  }
0x3f: {  	[spmem:s13] =	stream.linear.scatter [tilespmem:s16], [sflag:$0x1], $0x2800, $0x38;
	[tilespmem:$0x16880] =	vst v63  }
0x40: {  	_ =	swait.ge [sflag:s17], $0x2800  }
0x41: {  	[sflag:s17] =	ssyncset.done $0x0  }
0x42: {  	[sflag:s17] =	ssyncadd.s32 $0xFFFFD800  }
0x43: {  	s31 =	sadd.s32 $0x0, s15;
	[bflag:$0x0] =	sbarrier.arrive $0xFFFF  }
0x44: {  	[tilespmem:s3], [sflag:$0x1] =	stream.linear.gather [hbm4b:s31+s3], $0x50, $0x38;
	[tilespmem:$0x16880] =	vst v63  }
0x45: {  	_ =	swait.ge [sflag:s17], $0x50  }
0x46: {  	[sflag:s17] =	ssyncset.done $0x0  }
0x47: {  	[sflag:s17] =	ssyncadd.s32 $0xFFFFFFB0  }
0x48: {  	[tilespmem:s16], [sflag:$0x1] =	stream.linear.gather [hbm4b:s14+s3], $0x2800, $0x38;
	[tilespmem:$0x16880] =	vst v63  }
0x49: {  	_ =	swait.ge [sflag:s17], $0x2800  }
0x4a: {  	[sflag:s17] =	ssyncset.done $0x0  }
0x4b: {  	[sflag:s17] =	ssyncadd.s32 $0xFFFFD800  }
0x4c: {  	[spmem:s2] =	stream.indirect.scatter.add.f32 [tilespmem:s16], [sflag:$0x1], $0x80, s3, s18, $0xb8;
	[tilespmem:$0x16880] =	vst v63  }
0x4d: {  	s23 =	simm.s32 $0xA;
	_ =	swait.ge [sflag:s17], $0x2800  }
0x4e: {  	s24 =	simm.s32 $0x14;
	s22 =	sadd.s32 $0x500, s14;
	[sflag:s17] =	ssyncset.done $0x0  }
.LBB2_4:
0x4f: {  	s25 =	sadd.s32 s23, s15  }
0x50: {  	[sflag:s17] =	ssyncadd.s32 $0xFFFFD800;
	s23 =	smov.u32 s24;
	s26 =	sadd.s32 $0xA, s24  }
0x51: {  	[tilespmem:s3], [sflag:$0x1] =	stream.linear.gather [hbm4b:s25+s3], $0x50, $0x38;
	[tilespmem:$0x16880] =	vst v63  }
0x52: {  	p0 =	sne.s32 s24, $0x4D8;
	_ =	swait.ge [sflag:s17], $0x50  }
0x53: {  	[sflag:s17] =	ssyncset.done $0x0  }
0x54: {  	[sflag:s17] =	ssyncadd.s32 $0xFFFFFFB0  }
0x55: {  	[tilespmem:s16], [sflag:$0x1] =	stream.linear.gather [hbm4b:s22+s3], $0x2800, $0x38;
	[tilespmem:$0x16880] =	vst v63  }
0x56: {  	_ =	swait.ge [sflag:s17], $0x2800  }
.Ltmp1:
0x57: {  	[sflag:s17] =	ssyncset.done $0x0;
	(pc) =	sbr.rel @p0 .LBB2_4-.Ltmp1, $4  }
0x58: {  	[sflag:s17] =	ssyncadd.s32 $0xFFFFD800  }
0x59: {  	[spmem:s2] =	stream.indirect.scatter.add.f32 [tilespmem:s16], [sflag:$0x1], $0x80, s3, s18, $0xb8;
	[tilespmem:$0x16880] =	vst v63  }
0x5a: {  	_ =	swait.ge [sflag:s17], $0x2800  }
0x5b: {  	s24 =	smov.u32 s26;
	s22 =	sadd.s32 $0x500, s22;
	[sflag:s17] =	ssyncset.done $0x0  }
0x5c: {  	s23 =	sadd.s32 s23, s15;
	[sflag:s17] =	ssyncadd.s32 $0xFFFFD800  }
0x5d: {  	[tilespmem:s3], [sflag:$0x1] =	stream.linear.gather [hbm4b:s23+s3], $0x50, $0x38;
	[tilespmem:$0x16880] =	vst v63  }
0x5e: {  	_ =	swait.ge [sflag:s17], $0x50  }
0x5f: {  	[sflag:s17] =	ssyncset.done $0x0  }
0x60: {  	[sflag:s17] =	ssyncadd.s32 $0xFFFFFFB0  }
0x61: {  	[tilespmem:s16], [sflag:$0x1] =	stream.linear.gather [hbm4b:s22+s3], $0x2800, $0x38;
	[tilespmem:$0x16880] =	vst v63  }
0x62: {  	_ =	swait.ge [sflag:s17], $0x2800  }
0x63: {  	[sflag:s17] =	ssyncset.done $0x0  }
0x64: {  	[sflag:s17] =	ssyncadd.s32 $0xFFFFD800  }
0x65: {  	[spmem:s2] =	stream.indirect.scatter.add.f32 [tilespmem:s16], [sflag:$0x1], $0x80, s3, s18, $0xb8;
	[tilespmem:$0x16880] =	vst v63  }
0x66: {  	_ =	swait.ge [sflag:s17], $0x2800  }
0x67: {  	s21 =	sadd.s32 $0x1, s21;
	[sflag:s17] =	ssyncset.done $0x0  }
0x68: {  	p0 =	sne.s32 s21, s6;
	[sflag:s17] =	ssyncadd.s32 $0xFFFFD800  }
.Ltmp2:
0x69: {  	[bflag:$0x0] =	sbarrier.arrive $0xFFFF;
	(pc) =	sbr.rel @p0 .LBB2_1-.Ltmp2, $4  }
0x6a: {  	[hbm:s4], [sflag:s19] =	dma.local [spmem:s20], $0x2800  }
0x6b: {  	_ =	swait.ge [sflag:s17], $0x2800  }
0x6c: {  	[sflag:s17] =	ssyncset.done $0x0  }
0x6d: {  	[sflag:s17] =	ssyncadd.s32 $0xFFFFD800  }
0x6e: {  	_ =	sfence.sel $0x180000  }
0x6f: {  	[bflag:$0x0] =	sbarrier.arrive $0xFFFF  }
0x70: {  	p0 =	sne.s32 s0, $0x0;
	_ =	strace $0x90000053  }
0x71: {  	s0 =	sadd.s32 @!p0 $0x100000, s1;
	[bflag:$0x2] =	sbarrier.arrive $0xFFFF  }
0x72: {  	[sflag:s0] =	ssyncadd.tile.s32 @!p0 $0x1;
	_ =	shalt  }
.Lfunc_end2:
_tile_overlayer_lowered:
.L_overlay_start_2:
0x73: {  	(tag) =	ssettag $0x2  }
0x74: {  	s0 =	rddreg [dreg:$0x0];
	s2 =	stileid.u32  }
0x75: {  	s1 =	rddreg [dreg:$0x1];
	p0 =	sne.s32 s2, $0x0  }
0x76: {  	s3 =	rddreg [dreg:$0x2];
	[bflag:$0x3] =	sbarrier.arrive $0xFFFF;
	s2 =	simm.s32 @!p0 $0x1C01  }
0x77: {  	[timem:s3], [sflag:s2] =	dma.local @!p0 [hbm:s0], s1  }
0x78: {  	s0 =	simm.s32 @!p0 $0x1  }
0x79: {  	_ =	swait.ge @!p0 [sflag:s0], s1  }
0x7a: {  	s1 =	ssub.s32 @!p0 $0x0, s1;
	[sflag:s0] =	ssyncset.done @!p0 $0x0  }
0x7b: {  	[sflag:s0] =	ssyncadd.s32 @!p0 s1  }
0x7c: {  	[bflag:$0x3] =	sbarrier.arrive $0xFFFF  }
0x7d: {  	_ =	shalt  }

// kernel: kernel.42.cloned.1.call-start
scs
__scs_entry_jumppad:
0x0: {  	(pc) =	sbr.rel $0x88, $3  }
0x1: {  	(tag) =	ssettag $0x0;
	lr =	simm.s32 $0x1  }
0x2: {  	[smem:$0x3F5E] =	sst lr;
	_ =	strace $0xD0000000  }
0x3: {  	_ = 	snop  }
0x4: {  	_ = 	snop  }
0x5: {  	_ = 	snop  }
0x6: {  	_ = 	snop  }
0x7: {  	_ = 	snop  }
__scs_overlays_trampoline_lowered:
0x8: {  	[smem:$0x3F6D] =	sst s0  }
0x9: {  	[smem:$0x3F6E] =	sst s1  }
0xa: {  	[smem:$0x3F6F] =	sst s2  }
0xb: {  	[smem:$0x3F70] =	sst s3  }
0xc: {  	[smem:$0x3F71] =	sst s4  }
0xd: {  	[smem:$0x3F72] =	sst s5  }
0xe: {  	[smem:$0x3F73] =	sst s6  }
0xf: {  	[smem:$0x3F74] =	sst s7  }
0x10: {  	[smem:$0x3F75] =	sst s8  }
0x11: {  	[smem:$0x3F76] =	sst s9;
	s0 =	simm.s32 @!p0 $0x0  }
0x12: {  	s1 =	sld [smem:$0x3F5C];
	s0 =	simm.s32 @p0 $0x1  }
0x13: {  	[smem:$0x3F77] =	sst s0;
	s0 =	simm.s32 @!p1 $0x0  }
0x14: {  	s2 =	sld [smem:$0x3F5B];
	s0 =	simm.s32 @p1 $0x1  }
0x15: {  	[smem:$0x3F78] =	sst s0;
	s0 =	simm.s32 @!p2 $0x0  }
0x16: {  	s3 =	sld [smem:$0x3FDB];
	s0 =	simm.s32 @p2 $0x1  }
0x17: {  	s4 =	simm.s32 $0x1BF5;
	[smem:$0x3F7A] =	sst s0  }
0x18: {  	s0 =	sld [smem:$0x3F5D];
	_ =	swait.ge [sflag:s4], $0x0  }
0x19: {  	s7 =	sld [smem:$0x3F5E]  }
0x1a: {  	s8 =	sadd.s32 $0xFFFFE003, lr  }
0x1b: {  	s9 =	sadd.s32 $0xFFFFFEF7, lr;
	s5 =	simm.s32 $0xFFFFFFFF;
	p2 =	slt.u32 s8, $0xFFFFF086  }
0x1c: {  	p1 =	slt.u32 s9, $0xF7A;
	s5 =	simm.s32 @!p2 $0x0  }
0x1d: {  	s5 =	simm.s32 @p1 $0x1;
	p0 =	seq.s32 s7, s2  }
0x1e: {  	s7 =	smul.u32 @!p0 $0xF7A, s2;
	p2 =	seq.s32 @!p0 s5, $0x0  }
0x1f: {  	s9 =	smul.u32 $0xF7A, s1;
	s8 =	simm.s32 @!p0 $0x1BF5;
	p2 =	por !p2, p0  }
0x20: {  	[sflag:s8] =	ssyncset.s32 @!p0 $0xFFFFF086;
	s6 =	sadd.s32 @!p0 s3, s7;
	s7 =	simm.s32 @!p0 $0x108  }
0x21: {  	s3 =	sadd.s32 s3, s9;
	s6 =	sadd.s32 @!p0 $0x88, s6;
	s7 =	simm.s32 @p2 $0x1082  }
0x22: {  	[simem:s7], [sflag:s8] =	dma.local @!p0 [hbm:s6], $0xF7A  }
0x23: {  	s9 =	sor.u32 $0xD0000000, s2;
	s6 =	simm.s32 $0x108;
	_ =	swait.ge @!p0 [sflag:s8], $0x0  }
0x24: {  	s3 =	sadd.s32 $0x88, s3;
	s6 =	simm.s32 @!p1 $0x1082;
	[sflag:s4] =	ssyncset.s32 $0xFFFFF086  }
0x25: {  	[simem:s6], [sflag:s4] =	dma.local [hbm:s3], $0xF7A  }
0x26: {  	[smem:$0x3F5E] =	sst s1;
	(tag) =	ssettag s2;
	_ =	strace s9  }
0x27: {  	s1 =	sld [smem:$0x3F6E]  }
0x28: {  	s2 =	sld [smem:$0x3F6F]  }
0x29: {  	s4 =	sld [smem:$0x3F71]  }
0x2a: {  	p0 =	seq.s32 s5, $0x0;
	s5 =	sld [smem:$0x3F72]  }
0x2b: {  	s6 =	sld [smem:$0x3F73]  }
0x2c: {  	s7 =	sld [smem:$0x3F74]  }
0x2d: {  	s3 =	simm.s32 $0x108;
	s8 =	sld [smem:$0x3F75]  }
0x2e: {  	s3 =	simm.s32 @!p0 $0x1082;
	s9 =	sld [smem:$0x3F76]  }
0x2f: {  	lr =	sadd.s32 s0, s3;
	s0 =	sld [smem:$0x3F6D]  }
0x30: {  	s3 =	sld [smem:$0x3F70]  }
0x31: {  	[smem:$0x3F79] =	sst s10  }
0x32: {  	s10 =	sld [smem:$0x3F77];
	_ =	sdelay $0x3  }
0x33: {  	p0 =	seq.s32 s10, $0x1;
	s10 =	sld [smem:$0x3F79];
	_ =	sdelay $0x3  }
0x34: {  	[smem:$0x3F79] =	sst s10  }
0x35: {  	s10 =	sld [smem:$0x3F78];
	_ =	sdelay $0x3  }
0x36: {  	p1 =	seq.s32 s10, $0x1;
	s10 =	sld [smem:$0x3F79];
	_ =	sdelay $0x3  }
0x37: {  	[smem:$0x3F79] =	sst s10  }
0x38: {  	s10 =	sld [smem:$0x3F7A]  }
0x39: {  	_ = 	snop;
	(pc) =	sbr.ind lr, $3  }
0x3a: {  	_ = 	snop  }
0x3b: {  	_ = 	snop  }
0x3c: {  	p2 =	seq.s32 s10, $0x1;
	s10 =	sld [smem:$0x3F79]  }
0x3d: {  	_ =	shalt  }
0x3e: {  	_ =	shalt  }
0x3f: {  	_ =	shalt  }
0x40: {  	_ =	shalt  }
0x41: {  	_ =	shalt  }
0x42: {  	_ =	shalt  }
0x43: {  	_ =	shalt  }
0x44: {  	_ =	shalt  }
0x45: {  	_ =	shalt  }
0x46: {  	_ =	shalt  }
0x47: {  	_ =	shalt  }
0x48: {  	_ =	shalt  }
0x49: {  	_ =	shalt  }
0x4a: {  	_ =	shalt  }
0x4b: {  	_ =	shalt  }
0x4c: {  	_ =	shalt  }
0x4d: {  	_ =	shalt  }
0x4e: {  	_ =	shalt  }
0x4f: {  	_ =	shalt  }
0x50: {  	_ =	shalt  }
0x51: {  	_ =	shalt  }
0x52: {  	_ =	shalt  }
0x53: {  	_ =	shalt  }
0x54: {  	_ =	shalt  }
0x55: {  	_ =	shalt  }
0x56: {  	_ =	shalt  }
0x57: {  	_ =	shalt  }
0x58: {  	_ =	shalt  }
0x59: {  	_ =	shalt  }
0x5a: {  	_ =	shalt  }
0x5b: {  	_ =	shalt  }
0x5c: {  	_ =	shalt  }
0x5d: {  	_ =	shalt  }
0x5e: {  	_ =	shalt  }
0x5f: {  	_ =	shalt  }
0x60: {  	_ =	shalt  }
0x61: {  	_ =	shalt  }
0x62: {  	_ =	shalt  }
0x63: {  	_ =	shalt  }
0x64: {  	_ =	shalt  }
0x65: {  	_ =	shalt  }
0x66: {  	_ =	shalt  }
0x67: {  	_ =	shalt  }
0x68: {  	_ =	shalt  }
0x69: {  	_ =	shalt  }
0x6a: {  	_ =	shalt  }
0x6b: {  	_ =	shalt  }
0x6c: {  	_ =	shalt  }
0x6d: {  	_ =	shalt  }
0x6e: {  	_ =	shalt  }
0x6f: {  	_ =	shalt  }
0x70: {  	_ =	shalt  }
0x71: {  	_ =	shalt  }
0x72: {  	_ =	shalt  }
0x73: {  	_ =	shalt  }
0x74: {  	_ =	shalt  }
0x75: {  	_ =	shalt  }
0x76: {  	_ =	shalt  }
0x77: {  	_ =	shalt  }
0x78: {  	_ =	shalt  }
0x79: {  	_ =	shalt  }
0x7a: {  	_ =	shalt  }
0x7b: {  	_ =	shalt  }
0x7c: {  	_ =	shalt  }
0x7d: {  	_ =	shalt  }
0x7e: {  	_ =	shalt  }
0x7f: {  	_ =	shalt  }
0x80: {  	_ =	shalt  }
0x81: {  	_ =	shalt  }
0x82: {  	_ =	shalt  }
0x83: {  	_ =	shalt  }
0x84: {  	_ =	shalt  }
0x85: {  	_ =	shalt  }
0x86: {  	_ =	shalt  }
0x87: {  	_ =	shalt  }
.Lfunc_end0:
.L_simem_size_0:
called_computation.5_lowered:
.L_overlay_start_0:
0x88: {  	s2 =	sld [smem:$0x3FD9]  }
0x89: {  	s3 =	sld [smem:$0x3FFE];
	_ =	sdelay $0x1  }
0x8a: {  	s1 =	srdreg.scid  }
0x8b: {  	s0 =	sand.u32 $0x1, s1  }
0x8c: {  	s16 =	sshll.u32 s0, $0xA;
	s2 =	sadd.s32 s3, s2  }
0x8d: {  	s2 =	sadd.s32 s2, s16  }
0x8e: {  	[smem:$0x3F85] =	sst s2  }
0x8f: {  	_ = 	snop  }
0x90: {  	(tm) =	ssettm $0x1  }
0x91: {  	s17 =	sld [smem:$0x3FFB];
	_ =	sdelay $0x3  }
0x92: {  	_ =	strace s17  }
0x93: {  	s2 =	sld [smem:$0x3FFC];
	_ =	sdelay $0x3  }
0x94: {  	_ =	strace s2  }
0x95: {  	s2 =	sld [smem:$0x3FFD];
	_ =	sdelay $0x3  }
0x96: {  	_ =	strace s2  }
0x97: {  	_ =	strace $0x8FFFFFFF  }
0x98: {  	s18 =	sld [smem:$0x3FDB];
	_ =	sdelay $0x1  }
0x99: {  	s19 =	simm.s32 $_scs_section_size  }
0x9a: {  	s4 =	simm.s32 $_size__tile_overlayer_lowered;
	s5 =	simm.s32 $_tile_overlayer_lowered  }
0x9b: {  	s22 =	simm.s32 $0x1BFF;
	s21 =	sshll.u32 s5, $0x1;
	s2 =	sadd.s32 s19, s18  }
0x9c: {  	s6 =	simm.s32 $0x0;
	s20 =	sshll.u32 s4, $0x1;
	s4 =	sadd.s32 s21, s2  }
0x9d: {  	[timem:s6], [sflag:s22] =	dma.local [hbm:s4], s20  }
0x9e: {  	_ =	swait.ge [sflag:s22], s20  }
0x9f: {  	s3 =	ssub.s32 $0x0, s20;
	[sflag:s22] =	ssyncset.done $0x0  }
0xa0: {  	[sflag:s22] =	ssyncadd.s32 s3;
	_ =	sdelay $0x1  }
0xa1: {  	s23 =	simm.s32 $0x1B8B  }
0xa2: {  	_ =	swait.ge [sflag:s23], $0x1  }
0xa3: {  	[sflag:s23] =	ssyncset.done $0x0  }
0xa4: {  	s25 =	simm.s32 $0x1B8E;
	s24 =	sld [smem:$0x3FFE];
	[sflag:s23] =	ssyncadd.s32 $0xFFFFFFFF  }
0xa5: {  	s26 =	simm.s32 $execute0_lowered;
	[smem:$0x3FD2] =	sst s25  }
0xa6: {  	s4 =	sshll.u32 s26, $0x1;
	_ =	strace $0x80000055;
	[dreg:$0x1] =	wrdreg $0xFFFFFFFF  }
0xa7: {  	s28 =	simm.s32 $_size_execute0_lowered;
	s2 =	sadd.s32 s2, s4;
	[dreg:$0x0] =	wrdreg $0x0  }
0xa8: {  	s4 =	sshll.u32 s28, $0x1;
	[dreg:$0x2] =	wrdreg s2  }
0xa9: {  	[dreg:$0x3] =	wrdreg s4  }
0xaa: {  	[dreg:$0x4] =	wrdreg $0xC0  }
0xab: {  	_ =	task [dreg:s6], $0x5FFFF  }
0xac: {  	[dreg:$0x1] =	wrdreg $0xFFFFFFFF  }
0xad: {  	[dreg:$0x0] =	wrdreg $0x60  }
0xae: {  	[dreg:$0x2] =	wrdreg s24  }
0xaf: {  	[dreg:$0x3] =	wrdreg $0x9  }
0xb0: {  	_ =	task.clear_ibuf [dreg:s6], $0x4FFFF;
	_ =	strace $0x90000055  }
0xb1: {  	s29 =	simm.s32 $0x9;
	_ =	strace $0x80000057  }
0xb2: {  	_ =	swait.ge [sflag:s29], $0x1  }
0xb3: {  	[sflag:s29] =	ssyncadd.s32 $0xFFFFFFFF  }
0xb4: {  	_ =	strace $0x90000057  }
0xb5: {  	_ =	sfence  }
0xb6: {  	s30 =	sld [smem:$0x0];
	_ =	sdelay $0x2  }
0xb7: {  	s31 =	sshll.u32 s1, $0xD;
	s1 =	sshrl.u32 s1, $0x2  }
0xb8: {  	s3 =	sand.u32 $0x4000, s31;
	s1 =	sadd.s32 s1, s30  }
0xb9: {  	s0 =	sor.u32 s3, s0;
	s1 =	sshll.u32 s1, $0x11  }
0xba: {  	s0 =	sor.u32 s1, s0  }
0xbb: {  	s0 =	sadd.s32 $0x8F2B, s0  }
0xbc: {  	[sflag:s0] =	ssyncadd.remote.s32 $0x1  }
0xbd: {  	_ =	sfence.sel $0xFFFF  }
0xbe: {  	[dreg:$0x0] =	wrdreg $0xFFFFFFFF;
	(pc) =	sbr.abs _section_cstart, $3  }
0xbf: {  	[dreg:$0x1] =	wrdreg $0xFFFFFFFF  }
0xc0: {  	_ =	task.clear_ibuf [dreg:s6], $0x2FFFF;
	_ =	strace $0x9FFFFFFF  }
0xc1: {  	(tm) =	ssettm $0x7FFFFFFF  }
tec
execute0_lowered:
.L_overlay_start_1:
0x0: {  	(tag) =	ssettag $0x1  }
0x1: {  	s4 =	rddreg [dreg:$0x0]  }
0x2: {  	s0 =	rddreg [dreg:$0x1];
	s2 =	simm.s32 $0x0;
	s1 =	stileid.u32  }
0x3: {  	s3 =	srdreg.scid;
	s10 =	simm.s32 $0x0;
	s6 =	smul.u32 $0x4E20, s1  }
0x4: {  	[smem:$0x7FF] =	sst s2;
	s5 =	sand.u32 $0x1, s3;
	s8 =	smul.u32 $0x4E200, s1  }
0x5: {  	s3 =	sadd.s32 $0x49800, s4;
	s7 =	smul.u32 $0x2710, s5;
	s9 =	ssub.s32 $0x2, s5  }
0x6: {  	_ =	strace $0x80000056;
	s5 =	smul.u32 $0x27100, s5;
	s31 =	sshrl.u32 s9, $0x1  }
0x7: {  	s8 =	sadd.s32 s8, s4;
	s6 =	sadd.s32 s7, s6;
	s7 =	ssub.s32 s9, s31  }
0x8: {  	s5 =	sadd.s32 s5, s8;
	s8 =	simm.s32 $0x50;
	s6 =	sshrl.u32 s6, $0x3  }
0x9: {  	s9 =	simm.s32 $0x80;
	s5 =	sadd.s32 $0xE9800, s5;
	s6 =	sadd.s32 s6, s4  }
0xa: {  	s4 =	smax.u32 s7, $0x1;
	s7 =	simm.s32 $0x1;
	s6 =	sadd.s32 $0xDC00, s6  }
.LBB2_1:
0xb: {  	s11 =	sadd.s32 $0x0, s6  }
0xc: {  	[tilespmem:s2], [sflag:$0x1] =	stream.linear.gather [hbm4b:s11+s2], $0x50, $0x38;
	[tilespmem:$0x2880] =	vst v63  }
0xd: {  	_ =	swait.ge [sflag:s7], $0x50  }
0xe: {  	[sflag:s7] =	ssyncset.done $0x0  }
0xf: {  	[sflag:s7] =	ssyncadd.s32 $0xFFFFFFB0  }
0x10: {  	[tilespmem:s9], [sflag:$0x1] =	stream.indirect.gather [hbm4b:s3+s8], $0x80, s2, s8, $0xb8;
	[tilespmem:$0x2880] =	vst v63  }
0x11: {  	_ =	swait.ge [sflag:s7], $0x2800  }
0x12: {  	[sflag:s7] =	ssyncset.done $0x0  }
0x13: {  	[sflag:s7] =	ssyncadd.s32 $0xFFFFD800  }
0x14: {  	[hbm4b:s5+s2] =	stream.linear.scatter [tilespmem:s9], [sflag:$0x1], $0x2800, $0x38;
	[tilespmem:$0x2880] =	vst v63  }
0x15: {  	s12 =	simm.s32 $0xA;
	_ =	swait.ge [sflag:s7], $0x2800  }
0x16: {  	s13 =	simm.s32 $0x14;
	s11 =	sadd.s32 $0x500, s5;
	[sflag:s7] =	ssyncset.done $0x0  }
.LBB2_2:
0x17: {  	s14 =	sadd.s32 s12, s6  }
0x18: {  	[sflag:s7] =	ssyncadd.s32 $0xFFFFD800;
	s12 =	smov.u32 s13;
	s15 =	sadd.s32 $0xA, s13  }
0x19: {  	[tilespmem:s2], [sflag:$0x1] =	stream.linear.gather [hbm4b:s14+s2], $0x50, $0x38;
	[tilespmem:$0x2880] =	vst v63  }
0x1a: {  	p0 =	sne.s32 s13, $0x4D8;
	_ =	swait.ge [sflag:s7], $0x50  }
0x1b: {  	[sflag:s7] =	ssyncset.done $0x0  }
0x1c: {  	[sflag:s7] =	ssyncadd.s32 $0xFFFFFFB0  }
0x1d: {  	[tilespmem:s9], [sflag:$0x1] =	stream.indirect.gather [hbm4b:s3+s8], $0x80, s2, s8, $0xb8;
	[tilespmem:$0x2880] =	vst v63  }
0x1e: {  	_ =	swait.ge [sflag:s7], $0x2800  }
.Ltmp0:
0x1f: {  	[sflag:s7] =	ssyncset.done $0x0;
	(pc) =	sbr.rel @p0 .LBB2_2-.Ltmp0, $4  }
0x20: {  	[sflag:s7] =	ssyncadd.s32 $0xFFFFD800  }
0x21: {  	[hbm4b:s11+s2] =	stream.linear.scatter [tilespmem:s9], [sflag:$0x1], $0x2800, $0x38;
	[tilespmem:$0x2880] =	vst v63  }
0x22: {  	_ =	swait.ge [sflag:s7], $0x2800  }
0x23: {  	s13 =	smov.u32 s15;
	s11 =	sadd.s32 $0x500, s11;
	[sflag:s7] =	ssyncset.done $0x0  }
0x24: {  	s12 =	sadd.s32 s12, s6;
	[sflag:s7] =	ssyncadd.s32 $0xFFFFD800  }
0x25: {  	[tilespmem:s2], [sflag:$0x1] =	stream.linear.gather [hbm4b:s12+s2], $0x50, $0x38;
	[tilespmem:$0x2880] =	vst v63  }
0x26: {  	_ =	swait.ge [sflag:s7], $0x50  }
0x27: {  	[sflag:s7] =	ssyncset.done $0x0  }
0x28: {  	[sflag:s7] =	ssyncadd.s32 $0xFFFFFFB0  }
0x29: {  	[tilespmem:s9], [sflag:$0x1] =	stream.indirect.gather [hbm4b:s3+s8], $0x80, s2, s8, $0xb8;
	[tilespmem:$0x2880] =	vst v63  }
0x2a: {  	s10 =	sadd.s32 $0x1, s10;
	_ =	swait.ge [sflag:s7], $0x2800  }
0x2b: {  	p0 =	sne.s32 s10, s4;
	[sflag:s7] =	ssyncset.done $0x0  }
.Ltmp1:
0x2c: {  	[sflag:s7] =	ssyncadd.s32 $0xFFFFD800;
	(pc) =	sbr.rel @p0 .LBB2_1-.Ltmp1, $4  }
0x2d: {  	[hbm4b:s11+s2] =	stream.linear.scatter [tilespmem:s9], [sflag:$0x1], $0x2800, $0x38;
	[tilespmem:$0x2880] =	vst v63  }
0x2e: {  	_ =	swait.ge [sflag:s7], $0x2800  }
0x2f: {  	[sflag:s7] =	ssyncset.done $0x0  }
0x30: {  	[sflag:s7] =	ssyncadd.s32 $0xFFFFD800  }
0x31: {  	_ =	sfence.sel $0x180000  }
0x32: {  	[bflag:$0x0] =	sbarrier.arrive $0xFFFF  }
0x33: {  	p0 =	sne.s32 s1, $0x0;
	_ =	strace $0x90000056  }
0x34: {  	s0 =	sadd.s32 @!p0 $0x100000, s0;
	[bflag:$0x2] =	sbarrier.arrive $0xFFFF  }
0x35: {  	[sflag:s0] =	ssyncadd.tile.s32 @!p0 $0x1;
	_ =	shalt  }
.Lfunc_end2:
_tile_overlayer_lowered:
.L_overlay_start_2:
0x36: {  	(tag) =	ssettag $0x2  }
0x37: {  	s0 =	rddreg [dreg:$0x0];
	s2 =	stileid.u32  }
0x38: {  	s1 =	rddreg [dreg:$0x1];
	p0 =	sne.s32 s2, $0x0  }
0x39: {  	s3 =	rddreg [dreg:$0x2];
	[bflag:$0x3] =	sbarrier.arrive $0xFFFF;
	s2 =	simm.s32 @!p0 $0x1C01  }
0x3a: {  	[timem:s3], [sflag:s2] =	dma.local @!p0 [hbm:s0], s1  }
0x3b: {  	s0 =	simm.s32 @!p0 $0x1  }
0x3c: {  	_ =	swait.ge @!p0 [sflag:s0], s1  }
0x3d: {  	s1 =	ssub.s32 @!p0 $0x0, s1;
	[sflag:s0] =	ssyncset.done @!p0 $0x0  }
0x3e: {  	[sflag:s0] =	ssyncadd.s32 @!p0 s1  }
0x3f: {  	[bflag:$0x3] =	sbarrier.arrive $0xFFFF  }
0x40: {  	_ =	shalt  }

// kernel: kernel.45.cloned.1.call-start
scs
__scs_entry_jumppad:
0x0: {  	(pc) =	sbr.rel $0x88, $3  }
0x1: {  	(tag) =	ssettag $0x0;
	lr =	simm.s32 $0x1  }
0x2: {  	[smem:$0x3F5E] =	sst lr;
	_ =	strace $0xD0000000  }
0x3: {  	_ = 	snop  }
0x4: {  	_ = 	snop  }
0x5: {  	_ = 	snop  }
0x6: {  	_ = 	snop  }
0x7: {  	_ = 	snop  }
__scs_overlays_trampoline_lowered:
0x8: {  	[smem:$0x3F6D] =	sst s0  }
0x9: {  	[smem:$0x3F6E] =	sst s1  }
0xa: {  	[smem:$0x3F6F] =	sst s2  }
0xb: {  	[smem:$0x3F70] =	sst s3  }
0xc: {  	[smem:$0x3F71] =	sst s4  }
0xd: {  	[smem:$0x3F72] =	sst s5  }
0xe: {  	[smem:$0x3F73] =	sst s6  }
0xf: {  	[smem:$0x3F74] =	sst s7  }
0x10: {  	[smem:$0x3F75] =	sst s8  }
0x11: {  	[smem:$0x3F76] =	sst s9;
	s0 =	simm.s32 @!p0 $0x0  }
0x12: {  	s1 =	sld [smem:$0x3F5C];
	s0 =	simm.s32 @p0 $0x1  }
0x13: {  	[smem:$0x3F77] =	sst s0;
	s0 =	simm.s32 @!p1 $0x0  }
0x14: {  	s2 =	sld [smem:$0x3F5B];
	s0 =	simm.s32 @p1 $0x1  }
0x15: {  	[smem:$0x3F78] =	sst s0;
	s0 =	simm.s32 @!p2 $0x0  }
0x16: {  	s3 =	sld [smem:$0x3FDB];
	s0 =	simm.s32 @p2 $0x1  }
0x17: {  	s4 =	simm.s32 $0x1BF5;
	[smem:$0x3F7A] =	sst s0  }
0x18: {  	s0 =	sld [smem:$0x3F5D];
	_ =	swait.ge [sflag:s4], $0x0  }
0x19: {  	s7 =	sld [smem:$0x3F5E]  }
0x1a: {  	s8 =	sadd.s32 $0xFFFFE003, lr  }
0x1b: {  	s9 =	sadd.s32 $0xFFFFFEF7, lr;
	s5 =	simm.s32 $0xFFFFFFFF;
	p2 =	slt.u32 s8, $0xFFFFF086  }
0x1c: {  	p1 =	slt.u32 s9, $0xF7A;
	s5 =	simm.s32 @!p2 $0x0  }
0x1d: {  	s5 =	simm.s32 @p1 $0x1;
	p0 =	seq.s32 s7, s2  }
0x1e: {  	s7 =	smul.u32 @!p0 $0xF7A, s2;
	p2 =	seq.s32 @!p0 s5, $0x0  }
0x1f: {  	s9 =	smul.u32 $0xF7A, s1;
	s8 =	simm.s32 @!p0 $0x1BF5;
	p2 =	por !p2, p0  }
0x20: {  	[sflag:s8] =	ssyncset.s32 @!p0 $0xFFFFF086;
	s6 =	sadd.s32 @!p0 s3, s7;
	s7 =	simm.s32 @!p0 $0x108  }
0x21: {  	s3 =	sadd.s32 s3, s9;
	s6 =	sadd.s32 @!p0 $0x88, s6;
	s7 =	simm.s32 @p2 $0x1082  }
0x22: {  	[simem:s7], [sflag:s8] =	dma.local @!p0 [hbm:s6], $0xF7A  }
0x23: {  	s9 =	sor.u32 $0xD0000000, s2;
	s6 =	simm.s32 $0x108;
	_ =	swait.ge @!p0 [sflag:s8], $0x0  }
0x24: {  	s3 =	sadd.s32 $0x88, s3;
	s6 =	simm.s32 @!p1 $0x1082;
	[sflag:s4] =	ssyncset.s32 $0xFFFFF086  }
0x25: {  	[simem:s6], [sflag:s4] =	dma.local [hbm:s3], $0xF7A  }
0x26: {  	[smem:$0x3F5E] =	sst s1;
	(tag) =	ssettag s2;
	_ =	strace s9  }
0x27: {  	s1 =	sld [smem:$0x3F6E]  }
0x28: {  	s2 =	sld [smem:$0x3F6F]  }
0x29: {  	s4 =	sld [smem:$0x3F71]  }
0x2a: {  	p0 =	seq.s32 s5, $0x0;
	s5 =	sld [smem:$0x3F72]  }
0x2b: {  	s6 =	sld [smem:$0x3F73]  }
0x2c: {  	s7 =	sld [smem:$0x3F74]  }
0x2d: {  	s3 =	simm.s32 $0x108;
	s8 =	sld [smem:$0x3F75]  }
0x2e: {  	s3 =	simm.s32 @!p0 $0x1082;
	s9 =	sld [smem:$0x3F76]  }
0x2f: {  	lr =	sadd.s32 s0, s3;
	s0 =	sld [smem:$0x3F6D]  }
0x30: {  	s3 =	sld [smem:$0x3F70]  }
0x31: {  	[smem:$0x3F79] =	sst s10  }
0x32: {  	s10 =	sld [smem:$0x3F77];
	_ =	sdelay $0x3  }
0x33: {  	p0 =	seq.s32 s10, $0x1;
	s10 =	sld [smem:$0x3F79];
	_ =	sdelay $0x3  }
0x34: {  	[smem:$0x3F79] =	sst s10  }
0x35: {  	s10 =	sld [smem:$0x3F78];
	_ =	sdelay $0x3  }
0x36: {  	p1 =	seq.s32 s10, $0x1;
	s10 =	sld [smem:$0x3F79];
	_ =	sdelay $0x3  }
0x37: {  	[smem:$0x3F79] =	sst s10  }
0x38: {  	s10 =	sld [smem:$0x3F7A]  }
0x39: {  	_ = 	snop;
	(pc) =	sbr.ind lr, $3  }
0x3a: {  	_ = 	snop  }
0x3b: {  	_ = 	snop  }
0x3c: {  	p2 =	seq.s32 s10, $0x1;
	s10 =	sld [smem:$0x3F79]  }
0x3d: {  	_ =	shalt  }
0x3e: {  	_ =	shalt  }
0x3f: {  	_ =	shalt  }
0x40: {  	_ =	shalt  }
0x41: {  	_ =	shalt  }
0x42: {  	_ =	shalt  }
0x43: {  	_ =	shalt  }
0x44: {  	_ =	shalt  }
0x45: {  	_ =	shalt  }
0x46: {  	_ =	shalt  }
0x47: {  	_ =	shalt  }
0x48: {  	_ =	shalt  }
0x49: {  	_ =	shalt  }
0x4a: {  	_ =	shalt  }
0x4b: {  	_ =	shalt  }
0x4c: {  	_ =	shalt  }
0x4d: {  	_ =	shalt  }
0x4e: {  	_ =	shalt  }
0x4f: {  	_ =	shalt  }
0x50: {  	_ =	shalt  }
0x51: {  	_ =	shalt  }
0x52: {  	_ =	shalt  }
0x53: {  	_ =	shalt  }
0x54: {  	_ =	shalt  }
0x55: {  	_ =	shalt  }
0x56: {  	_ =	shalt  }
0x57: {  	_ =	shalt  }
0x58: {  	_ =	shalt  }
0x59: {  	_ =	shalt  }
0x5a: {  	_ =	shalt  }
0x5b: {  	_ =	shalt  }
0x5c: {  	_ =	shalt  }
0x5d: {  	_ =	shalt  }
0x5e: {  	_ =	shalt  }
0x5f: {  	_ =	shalt  }
0x60: {  	_ =	shalt  }
0x61: {  	_ =	shalt  }
0x62: {  	_ =	shalt  }
0x63: {  	_ =	shalt  }
0x64: {  	_ =	shalt  }
0x65: {  	_ =	shalt  }
0x66: {  	_ =	shalt  }
0x67: {  	_ =	shalt  }
0x68: {  	_ =	shalt  }
0x69: {  	_ =	shalt  }
0x6a: {  	_ =	shalt  }
0x6b: {  	_ =	shalt  }
0x6c: {  	_ =	shalt  }
0x6d: {  	_ =	shalt  }
0x6e: {  	_ =	shalt  }
0x6f: {  	_ =	shalt  }
0x70: {  	_ =	shalt  }
0x71: {  	_ =	shalt  }
0x72: {  	_ =	shalt  }
0x73: {  	_ =	shalt  }
0x74: {  	_ =	shalt  }
0x75: {  	_ =	shalt  }
0x76: {  	_ =	shalt  }
0x77: {  	_ =	shalt  }
0x78: {  	_ =	shalt  }
0x79: {  	_ =	shalt  }
0x7a: {  	_ =	shalt  }
0x7b: {  	_ =	shalt  }
0x7c: {  	_ =	shalt  }
0x7d: {  	_ =	shalt  }
0x7e: {  	_ =	shalt  }
0x7f: {  	_ =	shalt  }
0x80: {  	_ =	shalt  }
0x81: {  	_ =	shalt  }
0x82: {  	_ =	shalt  }
0x83: {  	_ =	shalt  }
0x84: {  	_ =	shalt  }
0x85: {  	_ =	shalt  }
0x86: {  	_ =	shalt  }
0x87: {  	_ =	shalt  }
.Lfunc_end0:
.L_simem_size_0:
called_computation.6_lowered:
.L_overlay_start_0:
0x88: {  	s2 =	sld [smem:$0x3FD9]  }
0x89: {  	s3 =	sld [smem:$0x3FFE];
	_ =	sdelay $0x1  }
0x8a: {  	s1 =	srdreg.scid  }
0x8b: {  	s0 =	sand.u32 $0x1, s1  }
0x8c: {  	s16 =	sshll.u32 s0, $0xA;
	s2 =	sadd.s32 s3, s2  }
0x8d: {  	s2 =	sadd.s32 s2, s16  }
0x8e: {  	[smem:$0x3F85] =	sst s2  }
0x8f: {  	_ = 	snop  }
0x90: {  	(tm) =	ssettm $0x1  }
0x91: {  	s17 =	sld [smem:$0x3FFB];
	_ =	sdelay $0x3  }
0x92: {  	_ =	strace s17  }
0x93: {  	s2 =	sld [smem:$0x3FFC];
	_ =	sdelay $0x3  }
0x94: {  	_ =	strace s2  }
0x95: {  	s2 =	sld [smem:$0x3FFD];
	_ =	sdelay $0x3  }
0x96: {  	_ =	strace s2  }
0x97: {  	_ =	strace $0x8FFFFFFF  }
0x98: {  	s18 =	sld [smem:$0x3FDB];
	_ =	sdelay $0x1  }
0x99: {  	s19 =	simm.s32 $_scs_section_size  }
0x9a: {  	s4 =	simm.s32 $_size__tile_overlayer_lowered;
	s5 =	simm.s32 $_tile_overlayer_lowered  }
0x9b: {  	s22 =	simm.s32 $0x1BFF;
	s21 =	sshll.u32 s5, $0x1;
	s2 =	sadd.s32 s19, s18  }
0x9c: {  	s6 =	simm.s32 $0x0;
	s20 =	sshll.u32 s4, $0x1;
	s4 =	sadd.s32 s21, s2  }
0x9d: {  	[timem:s6], [sflag:s22] =	dma.local [hbm:s4], s20  }
0x9e: {  	_ =	swait.ge [sflag:s22], s20  }
0x9f: {  	s3 =	ssub.s32 $0x0, s20;
	[sflag:s22] =	ssyncset.done $0x0  }
0xa0: {  	[sflag:s22] =	ssyncadd.s32 s3;
	_ =	sdelay $0x1  }
0xa1: {  	s23 =	simm.s32 $0x1B8B  }
0xa2: {  	_ =	swait.ge [sflag:s23], $0x1  }
0xa3: {  	[sflag:s23] =	ssyncset.done $0x0  }
0xa4: {  	s25 =	simm.s32 $0x1B8E;
	s24 =	sld [smem:$0x3FFE];
	[sflag:s23] =	ssyncadd.s32 $0xFFFFFFFF  }
0xa5: {  	s26 =	simm.s32 $execute0_lowered;
	[smem:$0x3FD2] =	sst s25  }
0xa6: {  	s4 =	sshll.u32 s26, $0x1;
	_ =	strace $0x80000058;
	[dreg:$0x1] =	wrdreg $0xFFFFFFFF  }
0xa7: {  	s28 =	simm.s32 $_size_execute0_lowered;
	s2 =	sadd.s32 s2, s4;
	[dreg:$0x0] =	wrdreg $0x0  }
0xa8: {  	s4 =	sshll.u32 s28, $0x1;
	[dreg:$0x2] =	wrdreg s2  }
0xa9: {  	[dreg:$0x3] =	wrdreg s4  }
0xaa: {  	[dreg:$0x4] =	wrdreg $0xC0  }
0xab: {  	_ =	task [dreg:s6], $0x5FFFF  }
0xac: {  	[dreg:$0x1] =	wrdreg $0xFFFFFFFF  }
0xad: {  	[dreg:$0x0] =	wrdreg $0x60  }
0xae: {  	[dreg:$0x2] =	wrdreg s24  }
0xaf: {  	[dreg:$0x3] =	wrdreg $0x28800  }
0xb0: {  	[dreg:$0x4] =	wrdreg $0x9  }
0xb1: {  	_ =	task.clear_ibuf [dreg:s6], $0x5FFFF;
	_ =	strace $0x90000058  }
0xb2: {  	s29 =	simm.s32 $0x9;
	_ =	strace $0x8000005A  }
0xb3: {  	_ =	swait.ge [sflag:s29], $0x1  }
0xb4: {  	[sflag:s29] =	ssyncadd.s32 $0xFFFFFFFF  }
0xb5: {  	_ =	strace $0x9000005A  }
0xb6: {  	_ =	sfence  }
0xb7: {  	s30 =	sld [smem:$0x0];
	_ =	sdelay $0x2  }
0xb8: {  	s31 =	sshll.u32 s1, $0xD;
	s1 =	sshrl.u32 s1, $0x2  }
0xb9: {  	s3 =	sand.u32 $0x4000, s31;
	s1 =	sadd.s32 s1, s30  }
0xba: {  	s0 =	sor.u32 s3, s0;
	s1 =	sshll.u32 s1, $0x11  }
0xbb: {  	s0 =	sor.u32 s1, s0  }
0xbc: {  	s0 =	sadd.s32 $0x8F2B, s0  }
0xbd: {  	[sflag:s0] =	ssyncadd.remote.s32 $0x1  }
0xbe: {  	_ =	sfence.sel $0xFFFF  }
0xbf: {  	[dreg:$0x0] =	wrdreg $0xFFFFFFFF;
	(pc) =	sbr.abs _section_cstart, $3  }
0xc0: {  	[dreg:$0x1] =	wrdreg $0xFFFFFFFF  }
0xc1: {  	_ =	task.clear_ibuf [dreg:s6], $0x2FFFF;
	_ =	strace $0x9FFFFFFF  }
0xc2: {  	(tm) =	ssettm $0x7FFFFFFF  }
0xc3: {  	_ =	shalt  }
tec
execute0_lowered:
.L_overlay_start_1:
0x0: {  	(tag) =	ssettag $0x1  }
0x1: {  	s0 =	stileid.u32  }
0x2: {  	s1 =	srdreg.scid;
	s5 =	rddreg [dreg:$0x0]  }
0x3: {  	s2 =	rddreg [dreg:$0x1];
	s4 =	smul.u32 $0x4E200, s0  }
0x4: {  	s3 =	simm.s32 $0x0;
	s17 =	simm.s32 $0x1;
	s6 =	smul.u32 $0x4E20, s0  }
0x5: {  	s18 =	simm.s32 $0x50;
	s21 =	simm.s32 $0x0;
	s23 =	smul.u32 $0x14000, s0  }
0x6: {  	s9 =	sand.u32 $0x1, s1;
	s1 =	rddreg [dreg:$0x2];
	s28 =	smul.u32 $0x50000, s0  }
0x7: {  	[smem:$0x7FF] =	sst s3;
	s19 =	sshll.u32 s0, $0x6;
	s7 =	smul.u32 $0x2710, s9  }
0x8: {  	s8 =	smul.u32 $0x140000, s9;
	_ =	strace $0x80000059;
	s26 =	ssub.s32 $0x2, s9  }
0x9: {  	s16 =	smul.u32 $0x27100, s9;
	s19 =	sor.u32 $0x1C01, s19;
	s14 =	sadd.s32 s4, s5  }
0xa: {  	s30 =	sshrl.u32 s26, $0x1;
	s31 =	sshrl.u32 s28, $0x2;
	s6 =	sadd.s32 s7, s6  }
0xb: {  	s25 =	sadd.s32 s23, s8;
	s14 =	sadd.s32 s16, s14;
	s16 =	simm.s32 $0x80  }
0xc: {  	s24 =	sshrl.u32 s6, $0x3;
	s29 =	sshrl.u32 s25, $0x3;
	s6 =	ssub.s32 s26, s30  }
0xd: {  	s14 =	sadd.s32 $0xF67800, s14;
	s15 =	sadd.s32 s24, s5;
	s4 =	sadd.s32 s29, s5  }
0xe: {  	s5 =	sadd.s32 s31, s2;
	s6 =	smax.u32 s6, $0x1;
	s4 =	sadd.s32 $0x49800, s4  }
0xf: {  	s7 =	sadd.s32 $0x2800, s5;
	s8 =	sadd.s32 $0x5000, s5;
	s9 =	sadd.s32 $0x7800, s5  }
0x10: {  	s10 =	sadd.s32 $0xA000, s5;
	s11 =	sadd.s32 $0xC800, s5;
	s12 =	sadd.s32 $0xF000, s5  }
0x11: {  	v0 =	vimm.f32 $0.0e+00;
	s13 =	sadd.s32 $0x11800, s5;
	s15 =	sadd.s32 $0x17A00, s15;
	s20 =	sshrl.u32 s5, $0x3  }
.LBB2_1:
0x12: {  	s22 =	simm.s32 $0x70;
	s23 =	simm.s32 $0x3C0  }
.LBB2_2:
0x13: {  	p0 =	sne.s32 s23, $0x9FC0;
	[tilespmem:s22+$0x80] =	vst v0  }
0x14: {  	[tilespmem:s22+$0x10] =	vst v0  }
0x15: {  	[tilespmem:s22+$0x20] =	vst v0  }
.Ltmp0:
0x16: {  	[tilespmem:s22+$0x30] =	vst v0;
	(pc) =	sbr.rel @p0 .LBB2_2-.Ltmp0, $4  }
0x17: {  	[tilespmem:s22+$0x40] =	vst v0  }
0x18: {  	[tilespmem:s22+$0x50] =	vst v0  }
0x19: {  	[tilespmem:s22+$0x60] =	vst v0  }
0x1a: {  	[tilespmem:s22+$0x70] =	vst v0;
	s22 =	sshra.s32 s23, $0x2;
	s23 =	sadd.s32 $0x200, s23  }
0x1b: {  	[tilespmem:s22+$0x80] =	vst v0  }
0x1c: {  	[tilespmem:s22+$0x10] =	vst v0  }
0x1d: {  	[tilespmem:s22+$0x20] =	vst v0  }
0x1e: {  	[tilespmem:s22+$0x30] =	vst v0  }
0x1f: {  	[tilespmem:s22+$0x40] =	vst v0  }
0x20: {  	[tilespmem:s22+$0x50] =	vst v0  }
0x21: {  	[tilespmem:s22+$0x60] =	vst v0  }
0x22: {  	[tilespmem:s22+$0x70] =	vst v0  }
0x23: {  	[spmem:s5] =	stream.linear.scatter [tilespmem:s16], [sflag:$0x1], $0x2800, $0x38;
	[tilespmem:$0x16880] =	vst v63  }
0x24: {  	_ =	swait.ge [sflag:s17], $0x2800  }
0x25: {  	[sflag:s17] =	ssyncset.done $0x0  }
0x26: {  	[sflag:s17] =	ssyncadd.s32 $0xFFFFD800  }
0x27: {  	[spmem:s7] =	stream.linear.scatter [tilespmem:s16], [sflag:$0x1], $0x2800, $0x38;
	[tilespmem:$0x16880] =	vst v63  }
0x28: {  	_ =	swait.ge [sflag:s17], $0x2800  }
0x29: {  	[sflag:s17] =	ssyncset.done $0x0  }
0x2a: {  	[sflag:s17] =	ssyncadd.s32 $0xFFFFD800  }
0x2b: {  	[spmem:s8] =	stream.linear.scatter [tilespmem:s16], [sflag:$0x1], $0x2800, $0x38;
	[tilespmem:$0x16880] =	vst v63  }
0x2c: {  	_ =	swait.ge [sflag:s17], $0x2800  }
0x2d: {  	[sflag:s17] =	ssyncset.done $0x0  }
0x2e: {  	[sflag:s17] =	ssyncadd.s32 $0xFFFFD800  }
0x2f: {  	[spmem:s9] =	stream.linear.scatter [tilespmem:s16], [sflag:$0x1], $0x2800, $0x38;
	[tilespmem:$0x16880] =	vst v63  }
0x30: {  	_ =	swait.ge [sflag:s17], $0x2800  }
0x31: {  	[sflag:s17] =	ssyncset.done $0x0  }
0x32: {  	[sflag:s17] =	ssyncadd.s32 $0xFFFFD800  }
0x33: {  	[spmem:s10] =	stream.linear.scatter [tilespmem:s16], [sflag:$0x1], $0x2800, $0x38;
	[tilespmem:$0x16880] =	vst v63  }
0x34: {  	_ =	swait.ge [sflag:s17], $0x2800  }
0x35: {  	[sflag:s17] =	ssyncset.done $0x0  }
0x36: {  	[sflag:s17] =	ssyncadd.s32 $0xFFFFD800  }
0x37: {  	[spmem:s11] =	stream.linear.scatter [tilespmem:s16], [sflag:$0x1], $0x2800, $0x38;
	[tilespmem:$0x16880] =	vst v63  }
0x38: {  	_ =	swait.ge [sflag:s17], $0x2800  }
0x39: {  	[sflag:s17] =	ssyncset.done $0x0  }
0x3a: {  	[sflag:s17] =	ssyncadd.s32 $0xFFFFD800  }
0x3b: {  	[spmem:s12] =	stream.linear.scatter [tilespmem:s16], [sflag:$0x1], $0x2800, $0x38;
	[tilespmem:$0x16880] =	vst v63  }
0x3c: {  	_ =	swait.ge [sflag:s17], $0x2800  }
0x3d: {  	[sflag:s17] =	ssyncset.done $0x0  }
0x3e: {  	[sflag:s17] =	ssyncadd.s32 $0xFFFFD800  }
0x3f: {  	[spmem:s13] =	stream.linear.scatter [tilespmem:s16], [sflag:$0x1], $0x2800, $0x38;
	[tilespmem:$0x16880] =	vst v63  }
0x40: {  	_ =	swait.ge [sflag:s17], $0x2800  }
0x41: {  	[sflag:s17] =	ssyncset.done $0x0  }
0x42: {  	[sflag:s17] =	ssyncadd.s32 $0xFFFFD800  }
0x43: {  	s31 =	sadd.s32 $0x0, s15;
	[bflag:$0x0] =	sbarrier.arrive $0xFFFF  }
0x44: {  	[tilespmem:s3], [sflag:$0x1] =	stream.linear.gather [hbm4b:s31+s3], $0x50, $0x38;
	[tilespmem:$0x16880] =	vst v63  }
0x45: {  	_ =	swait.ge [sflag:s17], $0x50  }
0x46: {  	[sflag:s17] =	ssyncset.done $0x0  }
0x47: {  	[sflag:s17] =	ssyncadd.s32 $0xFFFFFFB0  }
0x48: {  	[tilespmem:s16], [sflag:$0x1] =	stream.linear.gather [hbm4b:s14+s3], $0x2800, $0x38;
	[tilespmem:$0x16880] =	vst v63  }
0x49: {  	_ =	swait.ge [sflag:s17], $0x2800  }
0x4a: {  	[sflag:s17] =	ssyncset.done $0x0  }
0x4b: {  	[sflag:s17] =	ssyncadd.s32 $0xFFFFD800  }
0x4c: {  	[spmem:s2] =	stream.indirect.scatter.add.f32 [tilespmem:s16], [sflag:$0x1], $0x80, s3, s18, $0xb8;
	[tilespmem:$0x16880] =	vst v63  }
0x4d: {  	s23 =	simm.s32 $0xA;
	_ =	swait.ge [sflag:s17], $0x2800  }
0x4e: {  	s24 =	simm.s32 $0x14;
	s22 =	sadd.s32 $0x500, s14;
	[sflag:s17] =	ssyncset.done $0x0  }
.LBB2_4:
0x4f: {  	s25 =	sadd.s32 s23, s15  }
0x50: {  	[sflag:s17] =	ssyncadd.s32 $0xFFFFD800;
	s23 =	smov.u32 s24;
	s26 =	sadd.s32 $0xA, s24  }
0x51: {  	[tilespmem:s3], [sflag:$0x1] =	stream.linear.gather [hbm4b:s25+s3], $0x50, $0x38;
	[tilespmem:$0x16880] =	vst v63  }
0x52: {  	p0 =	sne.s32 s24, $0x4D8;
	_ =	swait.ge [sflag:s17], $0x50  }
0x53: {  	[sflag:s17] =	ssyncset.done $0x0  }
0x54: {  	[sflag:s17] =	ssyncadd.s32 $0xFFFFFFB0  }
0x55: {  	[tilespmem:s16], [sflag:$0x1] =	stream.linear.gather [hbm4b:s22+s3], $0x2800, $0x38;
	[tilespmem:$0x16880] =	vst v63  }
0x56: {  	_ =	swait.ge [sflag:s17], $0x2800  }
.Ltmp1:
0x57: {  	[sflag:s17] =	ssyncset.done $0x0;
	(pc) =	sbr.rel @p0 .LBB2_4-.Ltmp1, $4  }
0x58: {  	[sflag:s17] =	ssyncadd.s32 $0xFFFFD800  }
0x59: {  	[spmem:s2] =	stream.indirect.scatter.add.f32 [tilespmem:s16], [sflag:$0x1], $0x80, s3, s18, $0xb8;
	[tilespmem:$0x16880] =	vst v63  }
0x5a: {  	_ =	swait.ge [sflag:s17], $0x2800  }
0x5b: {  	s24 =	smov.u32 s26;
	s22 =	sadd.s32 $0x500, s22;
	[sflag:s17] =	ssyncset.done $0x0  }
0x5c: {  	s23 =	sadd.s32 s23, s15;
	[sflag:s17] =	ssyncadd.s32 $0xFFFFD800  }
0x5d: {  	[tilespmem:s3], [sflag:$0x1] =	stream.linear.gather [hbm4b:s23+s3], $0x50, $0x38;
	[tilespmem:$0x16880] =	vst v63  }
0x5e: {  	_ =	swait.ge [sflag:s17], $0x50  }
0x5f: {  	[sflag:s17] =	ssyncset.done $0x0  }
0x60: {  	[sflag:s17] =	ssyncadd.s32 $0xFFFFFFB0  }
0x61: {  	[tilespmem:s16], [sflag:$0x1] =	stream.linear.gather [hbm4b:s22+s3], $0x2800, $0x38;
	[tilespmem:$0x16880] =	vst v63  }
0x62: {  	_ =	swait.ge [sflag:s17], $0x2800  }
0x63: {  	[sflag:s17] =	ssyncset.done $0x0  }
0x64: {  	[sflag:s17] =	ssyncadd.s32 $0xFFFFD800  }
0x65: {  	[spmem:s2] =	stream.indirect.scatter.add.f32 [tilespmem:s16], [sflag:$0x1], $0x80, s3, s18, $0xb8;
	[tilespmem:$0x16880] =	vst v63  }
0x66: {  	_ =	swait.ge [sflag:s17], $0x2800  }
0x67: {  	s21 =	sadd.s32 $0x1, s21;
	[sflag:s17] =	ssyncset.done $0x0  }
0x68: {  	p0 =	sne.s32 s21, s6;
	[sflag:s17] =	ssyncadd.s32 $0xFFFFD800  }
.Ltmp2:
0x69: {  	[bflag:$0x0] =	sbarrier.arrive $0xFFFF;
	(pc) =	sbr.rel @p0 .LBB2_1-.Ltmp2, $4  }
0x6a: {  	[hbm:s4], [sflag:s19] =	dma.local [spmem:s20], $0x2800  }
0x6b: {  	_ =	swait.ge [sflag:s17], $0x2800  }
0x6c: {  	[sflag:s17] =	ssyncset.done $0x0  }
0x6d: {  	[sflag:s17] =	ssyncadd.s32 $0xFFFFD800  }
0x6e: {  	_ =	sfence.sel $0x180000  }
0x6f: {  	[bflag:$0x0] =	sbarrier.arrive $0xFFFF  }
0x70: {  	p0 =	sne.s32 s0, $0x0;
	_ =	strace $0x90000059  }
0x71: {  	s0 =	sadd.s32 @!p0 $0x100000, s1;
	[bflag:$0x2] =	sbarrier.arrive $0xFFFF  }
0x72: {  	[sflag:s0] =	ssyncadd.tile.s32 @!p0 $0x1;
	_ =	shalt  }
.Lfunc_end2:
_tile_overlayer_lowered:
.L_overlay_start_2:
0x73: {  	(tag) =	ssettag $0x2  }
0x74: {  	s0 =	rddreg [dreg:$0x0];
	s2 =	stileid.u32  }
0x75: {  	s1 =	rddreg [dreg:$0x1];
	p0 =	sne.s32 s2, $0x0  }
0x76: {  	s3 =	rddreg [dreg:$0x2];
	[bflag:$0x3] =	sbarrier.arrive $0xFFFF;
	s2 =	simm.s32 @!p0 $0x1C01  }
0x77: {  	[timem:s3], [sflag:s2] =	dma.local @!p0 [hbm:s0], s1  }
0x78: {  	s0 =	simm.s32 @!p0 $0x1  }
0x79: {  	_ =	swait.ge @!p0 [sflag:s0], s1  }
0x7a: {  	s1 =	ssub.s32 @!p0 $0x0, s1;
	[sflag:s0] =	ssyncset.done @!p0 $0x0  }
0x7b: {  	[sflag:s0] =	ssyncadd.s32 @!p0 s1  }
0x7c: {  	[bflag:$0x3] =	sbarrier.arrive $0xFFFF  }
0x7d: {  	_ =	shalt  }

// kernel: kernel.48.cloned.1.call-start
scs
__scs_entry_jumppad:
0x0: {  	(pc) =	sbr.rel $0x88, $3  }
0x1: {  	(tag) =	ssettag $0x0;
	lr =	simm.s32 $0x1  }
0x2: {  	[smem:$0x3F5E] =	sst lr;
	_ =	strace $0xD0000000  }
0x3: {  	_ = 	snop  }
0x4: {  	_ = 	snop  }
0x5: {  	_ = 	snop  }
0x6: {  	_ = 	snop  }
0x7: {  	_ = 	snop  }
__scs_overlays_trampoline_lowered:
0x8: {  	[smem:$0x3F6D] =	sst s0  }
0x9: {  	[smem:$0x3F6E] =	sst s1  }
0xa: {  	[smem:$0x3F6F] =	sst s2  }
0xb: {  	[smem:$0x3F70] =	sst s3  }
0xc: {  	[smem:$0x3F71] =	sst s4  }
0xd: {  	[smem:$0x3F72] =	sst s5  }
0xe: {  	[smem:$0x3F73] =	sst s6  }
0xf: {  	[smem:$0x3F74] =	sst s7  }
0x10: {  	[smem:$0x3F75] =	sst s8  }
0x11: {  	[smem:$0x3F76] =	sst s9;
	s0 =	simm.s32 @!p0 $0x0  }
0x12: {  	s1 =	sld [smem:$0x3F5C];
	s0 =	simm.s32 @p0 $0x1  }
0x13: {  	[smem:$0x3F77] =	sst s0;
	s0 =	simm.s32 @!p1 $0x0  }
0x14: {  	s2 =	sld [smem:$0x3F5B];
	s0 =	simm.s32 @p1 $0x1  }
0x15: {  	[smem:$0x3F78] =	sst s0;
	s0 =	simm.s32 @!p2 $0x0  }
0x16: {  	s3 =	sld [smem:$0x3FDB];
	s0 =	simm.s32 @p2 $0x1  }
0x17: {  	s4 =	simm.s32 $0x1BF5;
	[smem:$0x3F7A] =	sst s0  }
0x18: {  	s0 =	sld [smem:$0x3F5D];
	_ =	swait.ge [sflag:s4], $0x0  }
0x19: {  	s7 =	sld [smem:$0x3F5E]  }
0x1a: {  	s8 =	sadd.s32 $0xFFFFE003, lr  }
0x1b: {  	s9 =	sadd.s32 $0xFFFFFEF7, lr;
	s5 =	simm.s32 $0xFFFFFFFF;
	p2 =	slt.u32 s8, $0xFFFFF086  }
0x1c: {  	p1 =	slt.u32 s9, $0xF7A;
	s5 =	simm.s32 @!p2 $0x0  }
0x1d: {  	s5 =	simm.s32 @p1 $0x1;
	p0 =	seq.s32 s7, s2  }
0x1e: {  	s7 =	smul.u32 @!p0 $0xF7A, s2;
	p2 =	seq.s32 @!p0 s5, $0x0  }
0x1f: {  	s9 =	smul.u32 $0xF7A, s1;
	s8 =	simm.s32 @!p0 $0x1BF5;
	p2 =	por !p2, p0  }
0x20: {  	[sflag:s8] =	ssyncset.s32 @!p0 $0xFFFFF086;
	s6 =	sadd.s32 @!p0 s3, s7;
	s7 =	simm.s32 @!p0 $0x108  }
0x21: {  	s3 =	sadd.s32 s3, s9;
	s6 =	sadd.s32 @!p0 $0x88, s6;
	s7 =	simm.s32 @p2 $0x1082  }
0x22: {  	[simem:s7], [sflag:s8] =	dma.local @!p0 [hbm:s6], $0xF7A  }
0x23: {  	s9 =	sor.u32 $0xD0000000, s2;
	s6 =	simm.s32 $0x108;
	_ =	swait.ge @!p0 [sflag:s8], $0x0  }
0x24: {  	s3 =	sadd.s32 $0x88, s3;
	s6 =	simm.s32 @!p1 $0x1082;
	[sflag:s4] =	ssyncset.s32 $0xFFFFF086  }
0x25: {  	[simem:s6], [sflag:s4] =	dma.local [hbm:s3], $0xF7A  }
0x26: {  	[smem:$0x3F5E] =	sst s1;
	(tag) =	ssettag s2;
	_ =	strace s9  }
0x27: {  	s1 =	sld [smem:$0x3F6E]  }
0x28: {  	s2 =	sld [smem:$0x3F6F]  }
0x29: {  	s4 =	sld [smem:$0x3F71]  }
0x2a: {  	p0 =	seq.s32 s5, $0x0;
	s5 =	sld [smem:$0x3F72]  }
0x2b: {  	s6 =	sld [smem:$0x3F73]  }
0x2c: {  	s7 =	sld [smem:$0x3F74]  }
0x2d: {  	s3 =	simm.s32 $0x108;
	s8 =	sld [smem:$0x3F75]  }
0x2e: {  	s3 =	simm.s32 @!p0 $0x1082;
	s9 =	sld [smem:$0x3F76]  }
0x2f: {  	lr =	sadd.s32 s0, s3;
	s0 =	sld [smem:$0x3F6D]  }
0x30: {  	s3 =	sld [smem:$0x3F70]  }
0x31: {  	[smem:$0x3F79] =	sst s10  }
0x32: {  	s10 =	sld [smem:$0x3F77];
	_ =	sdelay $0x3  }
0x33: {  	p0 =	seq.s32 s10, $0x1;
	s10 =	sld [smem:$0x3F79];
	_ =	sdelay $0x3  }
0x34: {  	[smem:$0x3F79] =	sst s10  }
0x35: {  	s10 =	sld [smem:$0x3F78];
	_ =	sdelay $0x3  }
0x36: {  	p1 =	seq.s32 s10, $0x1;
	s10 =	sld [smem:$0x3F79];
	_ =	sdelay $0x3  }
0x37: {  	[smem:$0x3F79] =	sst s10  }
0x38: {  	s10 =	sld [smem:$0x3F7A]  }
0x39: {  	_ = 	snop;
	(pc) =	sbr.ind lr, $3  }
0x3a: {  	_ = 	snop  }
0x3b: {  	_ = 	snop  }
0x3c: {  	p2 =	seq.s32 s10, $0x1;
	s10 =	sld [smem:$0x3F79]  }
0x3d: {  	_ =	shalt  }
0x3e: {  	_ =	shalt  }
0x3f: {  	_ =	shalt  }
0x40: {  	_ =	shalt  }
0x41: {  	_ =	shalt  }
0x42: {  	_ =	shalt  }
0x43: {  	_ =	shalt  }
0x44: {  	_ =	shalt  }
0x45: {  	_ =	shalt  }
0x46: {  	_ =	shalt  }
0x47: {  	_ =	shalt  }
0x48: {  	_ =	shalt  }
0x49: {  	_ =	shalt  }
0x4a: {  	_ =	shalt  }
0x4b: {  	_ =	shalt  }
0x4c: {  	_ =	shalt  }
0x4d: {  	_ =	shalt  }
0x4e: {  	_ =	shalt  }
0x4f: {  	_ =	shalt  }
0x50: {  	_ =	shalt  }
0x51: {  	_ =	shalt  }
0x52: {  	_ =	shalt  }
0x53: {  	_ =	shalt  }
0x54: {  	_ =	shalt  }
0x55: {  	_ =	shalt  }
0x56: {  	_ =	shalt  }
0x57: {  	_ =	shalt  }
0x58: {  	_ =	shalt  }
0x59: {  	_ =	shalt  }
0x5a: {  	_ =	shalt  }
0x5b: {  	_ =	shalt  }
0x5c: {  	_ =	shalt  }
0x5d: {  	_ =	shalt  }
0x5e: {  	_ =	shalt  }
0x5f: {  	_ =	shalt  }
0x60: {  	_ =	shalt  }
0x61: {  	_ =	shalt  }
0x62: {  	_ =	shalt  }
0x63: {  	_ =	shalt  }
0x64: {  	_ =	shalt  }
0x65: {  	_ =	shalt  }
0x66: {  	_ =	shalt  }
0x67: {  	_ =	shalt  }
0x68: {  	_ =	shalt  }
0x69: {  	_ =	shalt  }
0x6a: {  	_ =	shalt  }
0x6b: {  	_ =	shalt  }
0x6c: {  	_ =	shalt  }
0x6d: {  	_ =	shalt  }
0x6e: {  	_ =	shalt  }
0x6f: {  	_ =	shalt  }
0x70: {  	_ =	shalt  }
0x71: {  	_ =	shalt  }
0x72: {  	_ =	shalt  }
0x73: {  	_ =	shalt  }
0x74: {  	_ =	shalt  }
0x75: {  	_ =	shalt  }
0x76: {  	_ =	shalt  }
0x77: {  	_ =	shalt  }
0x78: {  	_ =	shalt  }
0x79: {  	_ =	shalt  }
0x7a: {  	_ =	shalt  }
0x7b: {  	_ =	shalt  }
0x7c: {  	_ =	shalt  }
0x7d: {  	_ =	shalt  }
0x7e: {  	_ =	shalt  }
0x7f: {  	_ =	shalt  }
0x80: {  	_ =	shalt  }
0x81: {  	_ =	shalt  }
0x82: {  	_ =	shalt  }
0x83: {  	_ =	shalt  }
0x84: {  	_ =	shalt  }
0x85: {  	_ =	shalt  }
0x86: {  	_ =	shalt  }
0x87: {  	_ =	shalt  }
.Lfunc_end0:
.L_simem_size_0:
called_computation.7_lowered:
.L_overlay_start_0:
0x88: {  	s2 =	sld [smem:$0x3FD9]  }
0x89: {  	s3 =	sld [smem:$0x3FFE];
	_ =	sdelay $0x1  }
0x8a: {  	s1 =	srdreg.scid  }
0x8b: {  	s0 =	sand.u32 $0x1, s1  }
0x8c: {  	s16 =	sshll.u32 s0, $0xA;
	s2 =	sadd.s32 s3, s2  }
0x8d: {  	s2 =	sadd.s32 s2, s16  }
0x8e: {  	[smem:$0x3F85] =	sst s2  }
0x8f: {  	_ = 	snop  }
0x90: {  	(tm) =	ssettm $0x1  }
0x91: {  	s17 =	sld [smem:$0x3FFB];
	_ =	sdelay $0x3  }
0x92: {  	_ =	strace s17  }
0x93: {  	s2 =	sld [smem:$0x3FFC];
	_ =	sdelay $0x3  }
0x94: {  	_ =	strace s2  }
0x95: {  	s2 =	sld [smem:$0x3FFD];
	_ =	sdelay $0x3  }
0x96: {  	_ =	strace s2  }
0x97: {  	_ =	strace $0x8FFFFFFF  }
0x98: {  	s18 =	sld [smem:$0x3FDB];
	_ =	sdelay $0x1  }
0x99: {  	s19 =	simm.s32 $_scs_section_size  }
0x9a: {  	s4 =	simm.s32 $_size__tile_overlayer_lowered;
	s5 =	simm.s32 $_tile_overlayer_lowered  }
0x9b: {  	s22 =	simm.s32 $0x1BFF;
	s21 =	sshll.u32 s5, $0x1;
	s2 =	sadd.s32 s19, s18  }
0x9c: {  	s6 =	simm.s32 $0x0;
	s20 =	sshll.u32 s4, $0x1;
	s4 =	sadd.s32 s21, s2  }
0x9d: {  	[timem:s6], [sflag:s22] =	dma.local [hbm:s4], s20  }
0x9e: {  	_ =	swait.ge [sflag:s22], s20  }
0x9f: {  	s3 =	ssub.s32 $0x0, s20;
	[sflag:s22] =	ssyncset.done $0x0  }
0xa0: {  	[sflag:s22] =	ssyncadd.s32 s3;
	_ =	sdelay $0x1  }
0xa1: {  	s23 =	simm.s32 $0x1B8B  }
0xa2: {  	_ =	swait.ge [sflag:s23], $0x1  }
0xa3: {  	[sflag:s23] =	ssyncset.done $0x0  }
0xa4: {  	s25 =	simm.s32 $0x1B8E;
	s24 =	sld [smem:$0x3FFE];
	[sflag:s23] =	ssyncadd.s32 $0xFFFFFFFF  }
0xa5: {  	s26 =	simm.s32 $execute0_lowered;
	[smem:$0x3FD2] =	sst s25  }
0xa6: {  	s4 =	sshll.u32 s26, $0x1;
	_ =	strace $0x8000005B;
	[dreg:$0x1] =	wrdreg $0xFFFFFFFF  }
0xa7: {  	s28 =	simm.s32 $_size_execute0_lowered;
	s2 =	sadd.s32 s2, s4;
	[dreg:$0x0] =	wrdreg $0x0  }
0xa8: {  	s4 =	sshll.u32 s28, $0x1;
	[dreg:$0x2] =	wrdreg s2  }
0xa9: {  	[dreg:$0x3] =	wrdreg s4  }
0xaa: {  	[dreg:$0x4] =	wrdreg $0xC0  }
0xab: {  	_ =	task [dreg:s6], $0x5FFFF  }
0xac: {  	[dreg:$0x1] =	wrdreg $0xFFFFFFFF  }
0xad: {  	[dreg:$0x0] =	wrdreg $0x60  }
0xae: {  	[dreg:$0x2] =	wrdreg s24  }
0xaf: {  	[dreg:$0x3] =	wrdreg $0x9  }
0xb0: {  	_ =	task.clear_ibuf [dreg:s6], $0x4FFFF;
	_ =	strace $0x9000005B  }
0xb1: {  	s29 =	simm.s32 $0x9;
	_ =	strace $0x8000005D  }
0xb2: {  	_ =	swait.ge [sflag:s29], $0x1  }
0xb3: {  	[sflag:s29] =	ssyncadd.s32 $0xFFFFFFFF  }
0xb4: {  	_ =	strace $0x9000005D  }
0xb5: {  	_ =	sfence  }
0xb6: {  	s30 =	sld [smem:$0x0];
	_ =	sdelay $0x2  }
0xb7: {  	s31 =	sshll.u32 s1, $0xD;
	s1 =	sshrl.u32 s1, $0x2  }
0xb8: {  	s3 =	sand.u32 $0x4000, s31;
	s1 =	sadd.s32 s1, s30  }
0xb9: {  	s0 =	sor.u32 s3, s0;
	s1 =	sshll.u32 s1, $0x11  }
0xba: {  	s0 =	sor.u32 s1, s0  }
0xbb: {  	s0 =	sadd.s32 $0x8F2B, s0  }
0xbc: {  	[sflag:s0] =	ssyncadd.remote.s32 $0x1  }
0xbd: {  	_ =	sfence.sel $0xFFFF  }
0xbe: {  	[dreg:$0x0] =	wrdreg $0xFFFFFFFF;
	(pc) =	sbr.abs _section_cstart, $3  }
0xbf: {  	[dreg:$0x1] =	wrdreg $0xFFFFFFFF  }
0xc0: {  	_ =	task.clear_ibuf [dreg:s6], $0x2FFFF;
	_ =	strace $0x9FFFFFFF  }
0xc1: {  	(tm) =	ssettm $0x7FFFFFFF  }
tec
execute0_lowered:
.L_overlay_start_1:
0x0: {  	(tag) =	ssettag $0x1  }
0x1: {  	s4 =	rddreg [dreg:$0x0]  }
0x2: {  	s0 =	rddreg [dreg:$0x1];
	s2 =	simm.s32 $0x0;
	s1 =	stileid.u32  }
0x3: {  	s3 =	srdreg.scid;
	s10 =	simm.s32 $0x0;
	s6 =	smul.u32 $0x4E20, s1  }
0x4: {  	[smem:$0x7FF] =	sst s2;
	s5 =	sand.u32 $0x1, s3;
	s8 =	smul.u32 $0x4E200, s1  }
0x5: {  	s3 =	sadd.s32 $0x49800, s4;
	s7 =	smul.u32 $0x2710, s5;
	s9 =	ssub.s32 $0x2, s5  }
0x6: {  	_ =	strace $0x8000005C;
	s5 =	smul.u32 $0x27100, s5;
	s31 =	sshrl.u32 s9, $0x1  }
0x7: {  	s8 =	sadd.s32 s8, s4;
	s6 =	sadd.s32 s7, s6;
	s7 =	ssub.s32 s9, s31  }
0x8: {  	s5 =	sadd.s32 s5, s8;
	s8 =	simm.s32 $0x50;
	s6 =	sshrl.u32 s6, $0x3  }
0x9: {  	s9 =	simm.s32 $0x80;
	s5 =	sadd.s32 $0xE9800, s5;
	s6 =	sadd.s32 s6, s4  }
0xa: {  	s4 =	smax.u32 s7, $0x1;
	s7 =	simm.s32 $0x1;
	s6 =	sadd.s32 $0xDC00, s6  }
.LBB2_1:
0xb: {  	s11 =	sadd.s32 $0x0, s6  }
0xc: {  	[tilespmem:s2], [sflag:$0x1] =	stream.linear.gather [hbm4b:s11+s2], $0x50, $0x38;
	[tilespmem:$0x2880] =	vst v63  }
0xd: {  	_ =	swait.ge [sflag:s7], $0x50  }
0xe: {  	[sflag:s7] =	ssyncset.done $0x0  }
0xf: {  	[sflag:s7] =	ssyncadd.s32 $0xFFFFFFB0  }
0x10: {  	[tilespmem:s9], [sflag:$0x1] =	stream.indirect.gather [hbm4b:s3+s8], $0x80, s2, s8, $0xb8;
	[tilespmem:$0x2880] =	vst v63  }
0x11: {  	_ =	swait.ge [sflag:s7], $0x2800  }
0x12: {  	[sflag:s7] =	ssyncset.done $0x0  }
0x13: {  	[sflag:s7] =	ssyncadd.s32 $0xFFFFD800  }
0x14: {  	[hbm4b:s5+s2] =	stream.linear.scatter [tilespmem:s9], [sflag:$0x1], $0x2800, $0x38;
	[tilespmem:$0x2880] =	vst v63  }
0x15: {  	s12 =	simm.s32 $0xA;
	_ =	swait.ge [sflag:s7], $0x2800  }
0x16: {  	s13 =	simm.s32 $0x14;
	s11 =	sadd.s32 $0x500, s5;
	[sflag:s7] =	ssyncset.done $0x0  }
.LBB2_2:
0x17: {  	s14 =	sadd.s32 s12, s6  }
0x18: {  	[sflag:s7] =	ssyncadd.s32 $0xFFFFD800;
	s12 =	smov.u32 s13;
	s15 =	sadd.s32 $0xA, s13  }
0x19: {  	[tilespmem:s2], [sflag:$0x1] =	stream.linear.gather [hbm4b:s14+s2], $0x50, $0x38;
	[tilespmem:$0x2880] =	vst v63  }
0x1a: {  	p0 =	sne.s32 s13, $0x4D8;
	_ =	swait.ge [sflag:s7], $0x50  }
0x1b: {  	[sflag:s7] =	ssyncset.done $0x0  }
0x1c: {  	[sflag:s7] =	ssyncadd.s32 $0xFFFFFFB0  }
0x1d: {  	[tilespmem:s9], [sflag:$0x1] =	stream.indirect.gather [hbm4b:s3+s8], $0x80, s2, s8, $0xb8;
	[tilespmem:$0x2880] =	vst v63  }
0x1e: {  	_ =	swait.ge [sflag:s7], $0x2800  }
.Ltmp0:
0x1f: {  	[sflag:s7] =	ssyncset.done $0x0;
	(pc) =	sbr.rel @p0 .LBB2_2-.Ltmp0, $4  }
0x20: {  	[sflag:s7] =	ssyncadd.s32 $0xFFFFD800  }
0x21: {  	[hbm4b:s11+s2] =	stream.linear.scatter [tilespmem:s9], [sflag:$0x1], $0x2800, $0x38;
	[tilespmem:$0x2880] =	vst v63  }
0x22: {  	_ =	swait.ge [sflag:s7], $0x2800  }
0x23: {  	s13 =	smov.u32 s15;
	s11 =	sadd.s32 $0x500, s11;
	[sflag:s7] =	ssyncset.done $0x0  }
0x24: {  	s12 =	sadd.s32 s12, s6;
	[sflag:s7] =	ssyncadd.s32 $0xFFFFD800  }
0x25: {  	[tilespmem:s2], [sflag:$0x1] =	stream.linear.gather [hbm4b:s12+s2], $0x50, $0x38;
	[tilespmem:$0x2880] =	vst v63  }
0x26: {  	_ =	swait.ge [sflag:s7], $0x50  }
0x27: {  	[sflag:s7] =	ssyncset.done $0x0  }
0x28: {  	[sflag:s7] =	ssyncadd.s32 $0xFFFFFFB0  }
0x29: {  	[tilespmem:s9], [sflag:$0x1] =	stream.indirect.gather [hbm4b:s3+s8], $0x80, s2, s8, $0xb8;
	[tilespmem:$0x2880] =	vst v63  }
0x2a: {  	s10 =	sadd.s32 $0x1, s10;
	_ =	swait.ge [sflag:s7], $0x2800  }
0x2b: {  	p0 =	sne.s32 s10, s4;
	[sflag:s7] =	ssyncset.done $0x0  }
.Ltmp1:
0x2c: {  	[sflag:s7] =	ssyncadd.s32 $0xFFFFD800;
	(pc) =	sbr.rel @p0 .LBB2_1-.Ltmp1, $4  }
0x2d: {  	[hbm4b:s11+s2] =	stream.linear.scatter [tilespmem:s9], [sflag:$0x1], $0x2800, $0x38;
	[tilespmem:$0x2880] =	vst v63  }
0x2e: {  	_ =	swait.ge [sflag:s7], $0x2800  }
0x2f: {  	[sflag:s7] =	ssyncset.done $0x0  }
0x30: {  	[sflag:s7] =	ssyncadd.s32 $0xFFFFD800  }
0x31: {  	_ =	sfence.sel $0x180000  }
0x32: {  	[bflag:$0x0] =	sbarrier.arrive $0xFFFF  }
0x33: {  	p0 =	sne.s32 s1, $0x0;
	_ =	strace $0x9000005C  }
0x34: {  	s0 =	sadd.s32 @!p0 $0x100000, s0;
	[bflag:$0x2] =	sbarrier.arrive $0xFFFF  }
0x35: {  	[sflag:s0] =	ssyncadd.tile.s32 @!p0 $0x1;
	_ =	shalt  }
.Lfunc_end2:
_tile_overlayer_lowered:
.L_overlay_start_2:
0x36: {  	(tag) =	ssettag $0x2  }
0x37: {  	s0 =	rddreg [dreg:$0x0];
	s2 =	stileid.u32  }
0x38: {  	s1 =	rddreg [dreg:$0x1];
	p0 =	sne.s32 s2, $0x0  }
0x39: {  	s3 =	rddreg [dreg:$0x2];
	[bflag:$0x3] =	sbarrier.arrive $0xFFFF;
	s2 =	simm.s32 @!p0 $0x1C01  }
0x3a: {  	[timem:s3], [sflag:s2] =	dma.local @!p0 [hbm:s0], s1  }
0x3b: {  	s0 =	simm.s32 @!p0 $0x1  }
0x3c: {  	_ =	swait.ge @!p0 [sflag:s0], s1  }
0x3d: {  	s1 =	ssub.s32 @!p0 $0x0, s1;
	[sflag:s0] =	ssyncset.done @!p0 $0x0  }
0x3e: {  	[sflag:s0] =	ssyncadd.s32 @!p0 s1  }
0x3f: {  	[bflag:$0x3] =	sbarrier.arrive $0xFFFF  }
0x40: {  	_ =	shalt  }

// kernel: kernel.51.cloned.1.call-start
scs
__scs_entry_jumppad:
0x0: {  	(pc) =	sbr.rel $0x88, $3  }
0x1: {  	(tag) =	ssettag $0x0;
	lr =	simm.s32 $0x1  }
0x2: {  	[smem:$0x3F5E] =	sst lr;
	_ =	strace $0xD0000000  }
0x3: {  	_ = 	snop  }
0x4: {  	_ = 	snop  }
0x5: {  	_ = 	snop  }
0x6: {  	_ = 	snop  }
0x7: {  	_ = 	snop  }
__scs_overlays_trampoline_lowered:
0x8: {  	[smem:$0x3F6D] =	sst s0  }
0x9: {  	[smem:$0x3F6E] =	sst s1  }
0xa: {  	[smem:$0x3F6F] =	sst s2  }
0xb: {  	[smem:$0x3F70] =	sst s3  }
0xc: {  	[smem:$0x3F71] =	sst s4  }
0xd: {  	[smem:$0x3F72] =	sst s5  }
0xe: {  	[smem:$0x3F73] =	sst s6  }
0xf: {  	[smem:$0x3F74] =	sst s7  }
0x10: {  	[smem:$0x3F75] =	sst s8  }
0x11: {  	[smem:$0x3F76] =	sst s9;
	s0 =	simm.s32 @!p0 $0x0  }
0x12: {  	s1 =	sld [smem:$0x3F5C];
	s0 =	simm.s32 @p0 $0x1  }
0x13: {  	[smem:$0x3F77] =	sst s0;
	s0 =	simm.s32 @!p1 $0x0  }
0x14: {  	s2 =	sld [smem:$0x3F5B];
	s0 =	simm.s32 @p1 $0x1  }
0x15: {  	[smem:$0x3F78] =	sst s0;
	s0 =	simm.s32 @!p2 $0x0  }
0x16: {  	s3 =	sld [smem:$0x3FDB];
	s0 =	simm.s32 @p2 $0x1  }
0x17: {  	s4 =	simm.s32 $0x1BF5;
	[smem:$0x3F7A] =	sst s0  }
0x18: {  	s0 =	sld [smem:$0x3F5D];
	_ =	swait.ge [sflag:s4], $0x0  }
0x19: {  	s7 =	sld [smem:$0x3F5E]  }
0x1a: {  	s8 =	sadd.s32 $0xFFFFE003, lr  }
0x1b: {  	s9 =	sadd.s32 $0xFFFFFEF7, lr;
	s5 =	simm.s32 $0xFFFFFFFF;
	p2 =	slt.u32 s8, $0xFFFFF086  }
0x1c: {  	p1 =	slt.u32 s9, $0xF7A;
	s5 =	simm.s32 @!p2 $0x0  }
0x1d: {  	s5 =	simm.s32 @p1 $0x1;
	p0 =	seq.s32 s7, s2  }
0x1e: {  	s7 =	smul.u32 @!p0 $0xF7A, s2;
	p2 =	seq.s32 @!p0 s5, $0x0  }
0x1f: {  	s9 =	smul.u32 $0xF7A, s1;
	s8 =	simm.s32 @!p0 $0x1BF5;
	p2 =	por !p2, p0  }
0x20: {  	[sflag:s8] =	ssyncset.s32 @!p0 $0xFFFFF086;
	s6 =	sadd.s32 @!p0 s3, s7;
	s7 =	simm.s32 @!p0 $0x108  }
0x21: {  	s3 =	sadd.s32 s3, s9;
	s6 =	sadd.s32 @!p0 $0x88, s6;
	s7 =	simm.s32 @p2 $0x1082  }
0x22: {  	[simem:s7], [sflag:s8] =	dma.local @!p0 [hbm:s6], $0xF7A  }
0x23: {  	s9 =	sor.u32 $0xD0000000, s2;
	s6 =	simm.s32 $0x108;
	_ =	swait.ge @!p0 [sflag:s8], $0x0  }
0x24: {  	s3 =	sadd.s32 $0x88, s3;
	s6 =	simm.s32 @!p1 $0x1082;
	[sflag:s4] =	ssyncset.s32 $0xFFFFF086  }
0x25: {  	[simem:s6], [sflag:s4] =	dma.local [hbm:s3], $0xF7A  }
0x26: {  	[smem:$0x3F5E] =	sst s1;
	(tag) =	ssettag s2;
	_ =	strace s9  }
0x27: {  	s1 =	sld [smem:$0x3F6E]  }
0x28: {  	s2 =	sld [smem:$0x3F6F]  }
0x29: {  	s4 =	sld [smem:$0x3F71]  }
0x2a: {  	p0 =	seq.s32 s5, $0x0;
	s5 =	sld [smem:$0x3F72]  }
0x2b: {  	s6 =	sld [smem:$0x3F73]  }
0x2c: {  	s7 =	sld [smem:$0x3F74]  }
0x2d: {  	s3 =	simm.s32 $0x108;
	s8 =	sld [smem:$0x3F75]  }
0x2e: {  	s3 =	simm.s32 @!p0 $0x1082;
	s9 =	sld [smem:$0x3F76]  }
0x2f: {  	lr =	sadd.s32 s0, s3;
	s0 =	sld [smem:$0x3F6D]  }
0x30: {  	s3 =	sld [smem:$0x3F70]  }
0x31: {  	[smem:$0x3F79] =	sst s10  }
0x32: {  	s10 =	sld [smem:$0x3F77];
	_ =	sdelay $0x3  }
0x33: {  	p0 =	seq.s32 s10, $0x1;
	s10 =	sld [smem:$0x3F79];
	_ =	sdelay $0x3  }
0x34: {  	[smem:$0x3F79] =	sst s10  }
0x35: {  	s10 =	sld [smem:$0x3F78];
	_ =	sdelay $0x3  }
0x36: {  	p1 =	seq.s32 s10, $0x1;
	s10 =	sld [smem:$0x3F79];
	_ =	sdelay $0x3  }
0x37: {  	[smem:$0x3F79] =	sst s10  }
0x38: {  	s10 =	sld [smem:$0x3F7A]  }
0x39: {  	_ = 	snop;
	(pc) =	sbr.ind lr, $3  }
0x3a: {  	_ = 	snop  }
0x3b: {  	_ = 	snop  }
0x3c: {  	p2 =	seq.s32 s10, $0x1;
	s10 =	sld [smem:$0x3F79]  }
0x3d: {  	_ =	shalt  }
0x3e: {  	_ =	shalt  }
0x3f: {  	_ =	shalt  }
0x40: {  	_ =	shalt  }
0x41: {  	_ =	shalt  }
0x42: {  	_ =	shalt  }
0x43: {  	_ =	shalt  }
0x44: {  	_ =	shalt  }
0x45: {  	_ =	shalt  }
0x46: {  	_ =	shalt  }
0x47: {  	_ =	shalt  }
0x48: {  	_ =	shalt  }
0x49: {  	_ =	shalt  }
0x4a: {  	_ =	shalt  }
0x4b: {  	_ =	shalt  }
0x4c: {  	_ =	shalt  }
0x4d: {  	_ =	shalt  }
0x4e: {  	_ =	shalt  }
0x4f: {  	_ =	shalt  }
0x50: {  	_ =	shalt  }
0x51: {  	_ =	shalt  }
0x52: {  	_ =	shalt  }
0x53: {  	_ =	shalt  }
0x54: {  	_ =	shalt  }
0x55: {  	_ =	shalt  }
0x56: {  	_ =	shalt  }
0x57: {  	_ =	shalt  }
0x58: {  	_ =	shalt  }
0x59: {  	_ =	shalt  }
0x5a: {  	_ =	shalt  }
0x5b: {  	_ =	shalt  }
0x5c: {  	_ =	shalt  }
0x5d: {  	_ =	shalt  }
0x5e: {  	_ =	shalt  }
0x5f: {  	_ =	shalt  }
0x60: {  	_ =	shalt  }
0x61: {  	_ =	shalt  }
0x62: {  	_ =	shalt  }
0x63: {  	_ =	shalt  }
0x64: {  	_ =	shalt  }
0x65: {  	_ =	shalt  }
0x66: {  	_ =	shalt  }
0x67: {  	_ =	shalt  }
0x68: {  	_ =	shalt  }
0x69: {  	_ =	shalt  }
0x6a: {  	_ =	shalt  }
0x6b: {  	_ =	shalt  }
0x6c: {  	_ =	shalt  }
0x6d: {  	_ =	shalt  }
0x6e: {  	_ =	shalt  }
0x6f: {  	_ =	shalt  }
0x70: {  	_ =	shalt  }
0x71: {  	_ =	shalt  }
0x72: {  	_ =	shalt  }
0x73: {  	_ =	shalt  }
0x74: {  	_ =	shalt  }
0x75: {  	_ =	shalt  }
0x76: {  	_ =	shalt  }
0x77: {  	_ =	shalt  }
0x78: {  	_ =	shalt  }
0x79: {  	_ =	shalt  }
0x7a: {  	_ =	shalt  }
0x7b: {  	_ =	shalt  }
0x7c: {  	_ =	shalt  }
0x7d: {  	_ =	shalt  }
0x7e: {  	_ =	shalt  }
0x7f: {  	_ =	shalt  }
0x80: {  	_ =	shalt  }
0x81: {  	_ =	shalt  }
0x82: {  	_ =	shalt  }
0x83: {  	_ =	shalt  }
0x84: {  	_ =	shalt  }
0x85: {  	_ =	shalt  }
0x86: {  	_ =	shalt  }
0x87: {  	_ =	shalt  }
.Lfunc_end0:
.L_simem_size_0:
called_computation.8_lowered:
.L_overlay_start_0:
0x88: {  	s2 =	sld [smem:$0x3FD9]  }
0x89: {  	s3 =	sld [smem:$0x3FFE];
	_ =	sdelay $0x1  }
0x8a: {  	s1 =	srdreg.scid  }
0x8b: {  	s0 =	sand.u32 $0x1, s1  }
0x8c: {  	s16 =	sshll.u32 s0, $0xA;
	s2 =	sadd.s32 s3, s2  }
0x8d: {  	s2 =	sadd.s32 s2, s16  }
0x8e: {  	[smem:$0x3F85] =	sst s2  }
0x8f: {  	_ = 	snop  }
0x90: {  	(tm) =	ssettm $0x1  }
0x91: {  	s17 =	sld [smem:$0x3FFB];
	_ =	sdelay $0x3  }
0x92: {  	_ =	strace s17  }
0x93: {  	s2 =	sld [smem:$0x3FFC];
	_ =	sdelay $0x3  }
0x94: {  	_ =	strace s2  }
0x95: {  	s2 =	sld [smem:$0x3FFD];
	_ =	sdelay $0x3  }
0x96: {  	_ =	strace s2  }
0x97: {  	_ =	strace $0x8FFFFFFF  }
0x98: {  	s18 =	sld [smem:$0x3FDB];
	_ =	sdelay $0x1  }
0x99: {  	s19 =	simm.s32 $_scs_section_size  }
0x9a: {  	s4 =	simm.s32 $_size__tile_overlayer_lowered;
	s5 =	simm.s32 $_tile_overlayer_lowered  }
0x9b: {  	s22 =	simm.s32 $0x1BFF;
	s21 =	sshll.u32 s5, $0x1;
	s2 =	sadd.s32 s19, s18  }
0x9c: {  	s6 =	simm.s32 $0x0;
	s20 =	sshll.u32 s4, $0x1;
	s4 =	sadd.s32 s21, s2  }
0x9d: {  	[timem:s6], [sflag:s22] =	dma.local [hbm:s4], s20  }
0x9e: {  	_ =	swait.ge [sflag:s22], s20  }
0x9f: {  	s3 =	ssub.s32 $0x0, s20;
	[sflag:s22] =	ssyncset.done $0x0  }
0xa0: {  	[sflag:s22] =	ssyncadd.s32 s3;
	_ =	sdelay $0x1  }
0xa1: {  	s23 =	simm.s32 $0x1B8B  }
0xa2: {  	_ =	swait.ge [sflag:s23], $0x1  }
0xa3: {  	[sflag:s23] =	ssyncset.done $0x0  }
0xa4: {  	s25 =	simm.s32 $0x1B8E;
	s24 =	sld [smem:$0x3FFE];
	[sflag:s23] =	ssyncadd.s32 $0xFFFFFFFF  }
0xa5: {  	s26 =	simm.s32 $execute0_lowered;
	[smem:$0x3FD2] =	sst s25  }
0xa6: {  	s4 =	sshll.u32 s26, $0x1;
	_ =	strace $0x8000005E;
	[dreg:$0x1] =	wrdreg $0xFFFFFFFF  }
0xa7: {  	s28 =	simm.s32 $_size_execute0_lowered;
	s2 =	sadd.s32 s2, s4;
	[dreg:$0x0] =	wrdreg $0x0  }
0xa8: {  	s4 =	sshll.u32 s28, $0x1;
	[dreg:$0x2] =	wrdreg s2  }
0xa9: {  	[dreg:$0x3] =	wrdreg s4  }
0xaa: {  	[dreg:$0x4] =	wrdreg $0xC0  }
0xab: {  	_ =	task [dreg:s6], $0x5FFFF  }
0xac: {  	[dreg:$0x1] =	wrdreg $0xFFFFFFFF  }
0xad: {  	[dreg:$0x0] =	wrdreg $0x60  }
0xae: {  	[dreg:$0x2] =	wrdreg s24  }
0xaf: {  	[dreg:$0x3] =	wrdreg $0x28800  }
0xb0: {  	[dreg:$0x4] =	wrdreg $0x9  }
0xb1: {  	_ =	task.clear_ibuf [dreg:s6], $0x5FFFF;
	_ =	strace $0x9000005E  }
0xb2: {  	s29 =	simm.s32 $0x9;
	_ =	strace $0x80000060  }
0xb3: {  	_ =	swait.ge [sflag:s29], $0x1  }
0xb4: {  	[sflag:s29] =	ssyncadd.s32 $0xFFFFFFFF  }
0xb5: {  	_ =	strace $0x90000060  }
0xb6: {  	_ =	sfence  }
0xb7: {  	s30 =	sld [smem:$0x0];
	_ =	sdelay $0x2  }
0xb8: {  	s31 =	sshll.u32 s1, $0xD;
	s1 =	sshrl.u32 s1, $0x2  }
0xb9: {  	s3 =	sand.u32 $0x4000, s31;
	s1 =	sadd.s32 s1, s30  }
0xba: {  	s0 =	sor.u32 s3, s0;
	s1 =	sshll.u32 s1, $0x11  }
0xbb: {  	s0 =	sor.u32 s1, s0  }
0xbc: {  	s0 =	sadd.s32 $0x8F2B, s0  }
0xbd: {  	[sflag:s0] =	ssyncadd.remote.s32 $0x1  }
0xbe: {  	_ =	sfence.sel $0xFFFF  }
0xbf: {  	[dreg:$0x0] =	wrdreg $0xFFFFFFFF;
	(pc) =	sbr.abs _section_cstart, $3  }
0xc0: {  	[dreg:$0x1] =	wrdreg $0xFFFFFFFF  }
0xc1: {  	_ =	task.clear_ibuf [dreg:s6], $0x2FFFF;
	_ =	strace $0x9FFFFFFF  }
0xc2: {  	(tm) =	ssettm $0x7FFFFFFF  }
0xc3: {  	_ =	shalt  }
tec
execute0_lowered:
.L_overlay_start_1:
0x0: {  	(tag) =	ssettag $0x1  }
0x1: {  	s0 =	stileid.u32  }
0x2: {  	s1 =	srdreg.scid;
	s5 =	rddreg [dreg:$0x0]  }
0x3: {  	s2 =	rddreg [dreg:$0x1];
	s4 =	smul.u32 $0x4E200, s0  }
0x4: {  	s3 =	simm.s32 $0x0;
	s17 =	simm.s32 $0x1;
	s6 =	smul.u32 $0x4E20, s0  }
0x5: {  	s18 =	simm.s32 $0x50;
	s21 =	simm.s32 $0x0;
	s23 =	smul.u32 $0x14000, s0  }
0x6: {  	s9 =	sand.u32 $0x1, s1;
	s1 =	rddreg [dreg:$0x2];
	s28 =	smul.u32 $0x50000, s0  }
0x7: {  	[smem:$0x7FF] =	sst s3;
	s19 =	sshll.u32 s0, $0x6;
	s7 =	smul.u32 $0x2710, s9  }
0x8: {  	s8 =	smul.u32 $0x140000, s9;
	_ =	strace $0x8000005F;
	s26 =	ssub.s32 $0x2, s9  }
0x9: {  	s16 =	smul.u32 $0x27100, s9;
	s19 =	sor.u32 $0x1C01, s19;
	s14 =	sadd.s32 s4, s5  }
0xa: {  	s30 =	sshrl.u32 s26, $0x1;
	s31 =	sshrl.u32 s28, $0x2;
	s6 =	sadd.s32 s7, s6  }
0xb: {  	s25 =	sadd.s32 s23, s8;
	s14 =	sadd.s32 s16, s14;
	s16 =	simm.s32 $0x80  }
0xc: {  	s24 =	sshrl.u32 s6, $0x3;
	s29 =	sshrl.u32 s25, $0x3;
	s6 =	ssub.s32 s26, s30  }
0xd: {  	s14 =	sadd.s32 $0xF67800, s14;
	s15 =	sadd.s32 s24, s5;
	s4 =	sadd.s32 s29, s5  }
0xe: {  	s5 =	sadd.s32 s31, s2;
	s6 =	smax.u32 s6, $0x1;
	s4 =	sadd.s32 $0x49800, s4  }
0xf: {  	s7 =	sadd.s32 $0x2800, s5;
	s8 =	sadd.s32 $0x5000, s5;
	s9 =	sadd.s32 $0x7800, s5  }
0x10: {  	s10 =	sadd.s32 $0xA000, s5;
	s11 =	sadd.s32 $0xC800, s5;
	s12 =	sadd.s32 $0xF000, s5  }
0x11: {  	v0 =	vimm.f32 $0.0e+00;
	s13 =	sadd.s32 $0x11800, s5;
	s15 =	sadd.s32 $0x17A00, s15;
	s20 =	sshrl.u32 s5, $0x3  }
.LBB2_1:
0x12: {  	s22 =	simm.s32 $0x70;
	s23 =	simm.s32 $0x3C0  }
.LBB2_2:
0x13: {  	p0 =	sne.s32 s23, $0x9FC0;
	[tilespmem:s22+$0x80] =	vst v0  }
0x14: {  	[tilespmem:s22+$0x10] =	vst v0  }
0x15: {  	[tilespmem:s22+$0x20] =	vst v0  }
.Ltmp0:
0x16: {  	[tilespmem:s22+$0x30] =	vst v0;
	(pc) =	sbr.rel @p0 .LBB2_2-.Ltmp0, $4  }
0x17: {  	[tilespmem:s22+$0x40] =	vst v0  }
0x18: {  	[tilespmem:s22+$0x50] =	vst v0  }
0x19: {  	[tilespmem:s22+$0x60] =	vst v0  }
0x1a: {  	[tilespmem:s22+$0x70] =	vst v0;
	s22 =	sshra.s32 s23, $0x2;
	s23 =	sadd.s32 $0x200, s23  }
0x1b: {  	[tilespmem:s22+$0x80] =	vst v0  }
0x1c: {  	[tilespmem:s22+$0x10] =	vst v0  }
0x1d: {  	[tilespmem:s22+$0x20] =	vst v0  }
0x1e: {  	[tilespmem:s22+$0x30] =	vst v0  }
0x1f: {  	[tilespmem:s22+$0x40] =	vst v0  }
0x20: {  	[tilespmem:s22+$0x50] =	vst v0  }
0x21: {  	[tilespmem:s22+$0x60] =	vst v0  }
0x22: {  	[tilespmem:s22+$0x70] =	vst v0  }
0x23: {  	[spmem:s5] =	stream.linear.scatter [tilespmem:s16], [sflag:$0x1], $0x2800, $0x38;
	[tilespmem:$0x16880] =	vst v63  }
0x24: {  	_ =	swait.ge [sflag:s17], $0x2800  }
0x25: {  	[sflag:s17] =	ssyncset.done $0x0  }
0x26: {  	[sflag:s17] =	ssyncadd.s32 $0xFFFFD800  }
0x27: {  	[spmem:s7] =	stream.linear.scatter [tilespmem:s16], [sflag:$0x1], $0x2800, $0x38;
	[tilespmem:$0x16880] =	vst v63  }
0x28: {  	_ =	swait.ge [sflag:s17], $0x2800  }
0x29: {  	[sflag:s17] =	ssyncset.done $0x0  }
0x2a: {  	[sflag:s17] =	ssyncadd.s32 $0xFFFFD800  }
0x2b: {  	[spmem:s8] =	stream.linear.scatter [tilespmem:s16], [sflag:$0x1], $0x2800, $0x38;
	[tilespmem:$0x16880] =	vst v63  }
0x2c: {  	_ =	swait.ge [sflag:s17], $0x2800  }
0x2d: {  	[sflag:s17] =	ssyncset.done $0x0  }
0x2e: {  	[sflag:s17] =	ssyncadd.s32 $0xFFFFD800  }
0x2f: {  	[spmem:s9] =	stream.linear.scatter [tilespmem:s16], [sflag:$0x1], $0x2800, $0x38;
	[tilespmem:$0x16880] =	vst v63  }
0x30: {  	_ =	swait.ge [sflag:s17], $0x2800  }
0x31: {  	[sflag:s17] =	ssyncset.done $0x0  }
0x32: {  	[sflag:s17] =	ssyncadd.s32 $0xFFFFD800  }
0x33: {  	[spmem:s10] =	stream.linear.scatter [tilespmem:s16], [sflag:$0x1], $0x2800, $0x38;
	[tilespmem:$0x16880] =	vst v63  }
0x34: {  	_ =	swait.ge [sflag:s17], $0x2800  }
0x35: {  	[sflag:s17] =	ssyncset.done $0x0  }
0x36: {  	[sflag:s17] =	ssyncadd.s32 $0xFFFFD800  }
0x37: {  	[spmem:s11] =	stream.linear.scatter [tilespmem:s16], [sflag:$0x1], $0x2800, $0x38;
	[tilespmem:$0x16880] =	vst v63  }
0x38: {  	_ =	swait.ge [sflag:s17], $0x2800  }
0x39: {  	[sflag:s17] =	ssyncset.done $0x0  }
0x3a: {  	[sflag:s17] =	ssyncadd.s32 $0xFFFFD800  }
0x3b: {  	[spmem:s12] =	stream.linear.scatter [tilespmem:s16], [sflag:$0x1], $0x2800, $0x38;
	[tilespmem:$0x16880] =	vst v63  }
0x3c: {  	_ =	swait.ge [sflag:s17], $0x2800  }
0x3d: {  	[sflag:s17] =	ssyncset.done $0x0  }
0x3e: {  	[sflag:s17] =	ssyncadd.s32 $0xFFFFD800  }
0x3f: {  	[spmem:s13] =	stream.linear.scatter [tilespmem:s16], [sflag:$0x1], $0x2800, $0x38;
	[tilespmem:$0x16880] =	vst v63  }
0x40: {  	_ =	swait.ge [sflag:s17], $0x2800  }
0x41: {  	[sflag:s17] =	ssyncset.done $0x0  }
0x42: {  	[sflag:s17] =	ssyncadd.s32 $0xFFFFD800  }
0x43: {  	s31 =	sadd.s32 $0x0, s15;
	[bflag:$0x0] =	sbarrier.arrive $0xFFFF  }
0x44: {  	[tilespmem:s3], [sflag:$0x1] =	stream.linear.gather [hbm4b:s31+s3], $0x50, $0x38;
	[tilespmem:$0x16880] =	vst v63  }
0x45: {  	_ =	swait.ge [sflag:s17], $0x50  }
0x46: {  	[sflag:s17] =	ssyncset.done $0x0  }
0x47: {  	[sflag:s17] =	ssyncadd.s32 $0xFFFFFFB0  }
0x48: {  	[tilespmem:s16], [sflag:$0x1] =	stream.linear.gather [hbm4b:s14+s3], $0x2800, $0x38;
	[tilespmem:$0x16880] =	vst v63  }
0x49: {  	_ =	swait.ge [sflag:s17], $0x2800  }
0x4a: {  	[sflag:s17] =	ssyncset.done $0x0  }
0x4b: {  	[sflag:s17] =	ssyncadd.s32 $0xFFFFD800  }
0x4c: {  	[spmem:s2] =	stream.indirect.scatter.add.f32 [tilespmem:s16], [sflag:$0x1], $0x80, s3, s18, $0xb8;
	[tilespmem:$0x16880] =	vst v63  }
0x4d: {  	s23 =	simm.s32 $0xA;
	_ =	swait.ge [sflag:s17], $0x2800  }
0x4e: {  	s24 =	simm.s32 $0x14;
	s22 =	sadd.s32 $0x500, s14;
	[sflag:s17] =	ssyncset.done $0x0  }
.LBB2_4:
0x4f: {  	s25 =	sadd.s32 s23, s15  }
0x50: {  	[sflag:s17] =	ssyncadd.s32 $0xFFFFD800;
	s23 =	smov.u32 s24;
	s26 =	sadd.s32 $0xA, s24  }
0x51: {  	[tilespmem:s3], [sflag:$0x1] =	stream.linear.gather [hbm4b:s25+s3], $0x50, $0x38;
	[tilespmem:$0x16880] =	vst v63  }
0x52: {  	p0 =	sne.s32 s24, $0x4D8;
	_ =	swait.ge [sflag:s17], $0x50  }
0x53: {  	[sflag:s17] =	ssyncset.done $0x0  }
0x54: {  	[sflag:s17] =	ssyncadd.s32 $0xFFFFFFB0  }
0x55: {  	[tilespmem:s16], [sflag:$0x1] =	stream.linear.gather [hbm4b:s22+s3], $0x2800, $0x38;
	[tilespmem:$0x16880] =	vst v63  }
0x56: {  	_ =	swait.ge [sflag:s17], $0x2800  }
.Ltmp1:
0x57: {  	[sflag:s17] =	ssyncset.done $0x0;
	(pc) =	sbr.rel @p0 .LBB2_4-.Ltmp1, $4  }
0x58: {  	[sflag:s17] =	ssyncadd.s32 $0xFFFFD800  }
0x59: {  	[spmem:s2] =	stream.indirect.scatter.add.f32 [tilespmem:s16], [sflag:$0x1], $0x80, s3, s18, $0xb8;
	[tilespmem:$0x16880] =	vst v63  }
0x5a: {  	_ =	swait.ge [sflag:s17], $0x2800  }
0x5b: {  	s24 =	smov.u32 s26;
	s22 =	sadd.s32 $0x500, s22;
	[sflag:s17] =	ssyncset.done $0x0  }
0x5c: {  	s23 =	sadd.s32 s23, s15;
	[sflag:s17] =	ssyncadd.s32 $0xFFFFD800  }
0x5d: {  	[tilespmem:s3], [sflag:$0x1] =	stream.linear.gather [hbm4b:s23+s3], $0x50, $0x38;
	[tilespmem:$0x16880] =	vst v63  }
0x5e: {  	_ =	swait.ge [sflag:s17], $0x50  }
0x5f: {  	[sflag:s17] =	ssyncset.done $0x0  }
0x60: {  	[sflag:s17] =	ssyncadd.s32 $0xFFFFFFB0  }
0x61: {  	[tilespmem:s16], [sflag:$0x1] =	stream.linear.gather [hbm4b:s22+s3], $0x2800, $0x38;
	[tilespmem:$0x16880] =	vst v63  }
0x62: {  	_ =	swait.ge [sflag:s17], $0x2800  }
0x63: {  	[sflag:s17] =	ssyncset.done $0x0  }
0x64: {  	[sflag:s17] =	ssyncadd.s32 $0xFFFFD800  }
0x65: {  	[spmem:s2] =	stream.indirect.scatter.add.f32 [tilespmem:s16], [sflag:$0x1], $0x80, s3, s18, $0xb8;
	[tilespmem:$0x16880] =	vst v63  }
0x66: {  	_ =	swait.ge [sflag:s17], $0x2800  }
0x67: {  	s21 =	sadd.s32 $0x1, s21;
	[sflag:s17] =	ssyncset.done $0x0  }
0x68: {  	p0 =	sne.s32 s21, s6;
	[sflag:s17] =	ssyncadd.s32 $0xFFFFD800  }
.Ltmp2:
0x69: {  	[bflag:$0x0] =	sbarrier.arrive $0xFFFF;
	(pc) =	sbr.rel @p0 .LBB2_1-.Ltmp2, $4  }
0x6a: {  	[hbm:s4], [sflag:s19] =	dma.local [spmem:s20], $0x2800  }
0x6b: {  	_ =	swait.ge [sflag:s17], $0x2800  }
0x6c: {  	[sflag:s17] =	ssyncset.done $0x0  }
0x6d: {  	[sflag:s17] =	ssyncadd.s32 $0xFFFFD800  }
0x6e: {  	_ =	sfence.sel $0x180000  }
0x6f: {  	[bflag:$0x0] =	sbarrier.arrive $0xFFFF  }
0x70: {  	p0 =	sne.s32 s0, $0x0;
	_ =	strace $0x9000005F  }
0x71: {  	s0 =	sadd.s32 @!p0 $0x100000, s1;
	[bflag:$0x2] =	sbarrier.arrive $0xFFFF  }
0x72: {  	[sflag:s0] =	ssyncadd.tile.s32 @!p0 $0x1;
	_ =	shalt  }
.Lfunc_end2:
_tile_overlayer_lowered:
.L_overlay_start_2:
0x73: {  	(tag) =	ssettag $0x2  }
0x74: {  	s0 =	rddreg [dreg:$0x0];
	s2 =	stileid.u32  }
0x75: {  	s1 =	rddreg [dreg:$0x1];
	p0 =	sne.s32 s2, $0x0  }
0x76: {  	s3 =	rddreg [dreg:$0x2];
	[bflag:$0x3] =	sbarrier.arrive $0xFFFF;
	s2 =	simm.s32 @!p0 $0x1C01  }
0x77: {  	[timem:s3], [sflag:s2] =	dma.local @!p0 [hbm:s0], s1  }
0x78: {  	s0 =	simm.s32 @!p0 $0x1  }
0x79: {  	_ =	swait.ge @!p0 [sflag:s0], s1  }
0x7a: {  	s1 =	ssub.s32 @!p0 $0x0, s1;
	[sflag:s0] =	ssyncset.done @!p0 $0x0  }
0x7b: {  	[sflag:s0] =	ssyncadd.s32 @!p0 s1  }
0x7c: {  	[bflag:$0x3] =	sbarrier.arrive $0xFFFF  }
0x7d: {  	_ =	shalt  }

</sc_bundles>
